<compile_context>
chip_gen: v7x
topology: tpu7x:2x2x1
jax: 0.10.2.dev20260603
libtpu: 0.0.44.dev20260713+nightly
codegen_flags: <defaults>
</compile_context>

<pallas_src>
import functools

import jax
import jax.numpy as jnp
from jax import lax
from jax.experimental import pallas as pl
from jax.experimental.pallas import tpu as pltpu
from jax.experimental.pallas import tpu_sc as plsc

N = 10000
E = 320000
D_IN = 128
HID = 16
D_OUT = 128

RPT = N // 16
EB = 1000
NB = 10
EROWS = E // EB

_mesh = plsc.VectorSubcoreMesh(core_axis_name="c", subcore_axis_name="s")
_params = pltpu.CompilerParams(use_tc_tiling_on_sc=False)


def _fill_rows(ref, rows, vec, unroll=8):
    def body(i, _):
        for u in range(unroll):
            ref[i * unroll + u] = vec
        return 0

    lax.fori_loop(0, rows // unroll, body, 0)
    for u in range(rows - rows % unroll, rows):
        ref[u] = vec


def _newton_rsqrt(d):
    i = lax.bitcast_convert_type(d, jnp.int32)
    i = jnp.int32(0x5F3759DF) - lax.shift_right_logical(i, 1)
    y = lax.bitcast_convert_type(i, jnp.float32)
    half_d = 0.5 * d
    for _ in range(3):
        y = y * (1.5 - half_d * y * y)
    return y


def _edge_pass(gtab, acc, src_v, dst_v, row0, row1, sem0, sem1):
    bufs = (row0, row1)
    sems = (sem0, sem1)

    pltpu.async_copy(gtab.at[src_v.at[0]], row0, sem0)
    pltpu.async_copy(gtab.at[src_v.at[1]], row1, sem1)
    for j in range(NB):
        b = j % 2
        pltpu.make_async_copy(gtab.at[src_v.at[j]], bufs[b], sems[b]).wait()
        pltpu.sync_copy(bufs[b], acc.at[dst_v.at[j]], add=True)
        if j + 2 < NB:
            pltpu.async_copy(gtab.at[src_v.at[j + 2]], bufs[b], sems[b])


@functools.partial(
    pl.kernel,
    mesh=_mesh,
    compiler_params=_params,
    out_type=jax.ShapeDtypeStruct((2, N, 16), jnp.float32),
    scratch_types=[
        pltpu.VMEM((NB, EB), jnp.int32),
        pltpu.VMEM((EB, 16), jnp.float32),
        pltpu.VMEM((RPT, 16), jnp.float32),
        pltpu.VMEM_SHARED((N, 16), jnp.float32),
    ],
)
def _sc_count(dst_hbm, out_hbm, dst_v, ones_v, slab_v, acc):
    c = lax.axis_index("c")
    s = lax.axis_index("s")
    wid = s * 2 + c

    pltpu.sync_copy(dst_hbm.at[pl.ds(wid * NB, NB)], dst_v)

    one = jnp.full((16,), 1.0, jnp.float32)
    _fill_rows(ones_v, EB, one)
    init = jnp.where(c == 0, 1.0, 0.0) * one
    _fill_rows(slab_v, RPT, init)
    sl = pl.ds(s * RPT, RPT)
    pltpu.sync_copy(slab_v, acc.at[sl])
    plsc.subcore_barrier()

    for j in range(NB):
        pltpu.sync_copy(ones_v, acc.at[dst_v.at[j]], add=True)

    plsc.subcore_barrier()
    pltpu.sync_copy(acc.at[sl], out_hbm.at[c, sl])


@functools.partial(
    pl.kernel,
    mesh=_mesh,
    compiler_params=_params,
    out_type=(
        jax.ShapeDtypeStruct((2, N, 16), jnp.float32),
        jax.ShapeDtypeStruct((N, 16), jnp.float32),
    ),
    scratch_types=[
        pltpu.VMEM((NB, EB), jnp.int32),
        pltpu.VMEM((NB, EB), jnp.int32),
        pltpu.VMEM((EB, 16), jnp.float32),
        pltpu.VMEM((EB, 16), jnp.float32),
        pltpu.VMEM((RPT, 16), jnp.float32),
        pltpu.VMEM((RPT, 16), jnp.float32),
        pltpu.VMEM((RPT, 16), jnp.float32),
        pltpu.VMEM((RPT, 16), jnp.float32),
        pltpu.VMEM_SHARED((N, 16), jnp.float32),
        pltpu.VMEM_SHARED((N, 16), jnp.float32),
        pltpu.SemaphoreType.DMA,
        pltpu.SemaphoreType.DMA,
    ],
)
def _sc_prop1(h1_hbm, cnt_hbm, src_hbm, dst_hbm, s1_hbm, dinv_hbm,
              src_v, dst_v, row0, row1, p0_v, p1_v, hd_v, g1_v,
              acc, gtab, sem0, sem1):
    c = lax.axis_index("c")
    s = lax.axis_index("s")
    wid = s * 2 + c

    pltpu.sync_copy(src_hbm.at[pl.ds(wid * NB, NB)], src_v)
    pltpu.sync_copy(dst_hbm.at[pl.ds(wid * NB, NB)], dst_v)

    sl = pl.ds(s * RPT, RPT)
    pltpu.sync_copy(cnt_hbm.at[0, sl], p0_v)
    pltpu.sync_copy(cnt_hbm.at[1, sl], p1_v)
    pltpu.sync_copy(h1_hbm.at[sl], hd_v)

    def scale(i, _):
        deg = p0_v[i] + p1_v[i]
        dv = _newton_rsqrt(deg)
        g1_v[i] = dv * hd_v[i]
        hd_v[i] = dv
        return 0

    lax.fori_loop(0, RPT, scale, 0)

    pltpu.sync_copy(g1_v, gtab.at[sl])
    pltpu.sync_copy(hd_v, dinv_hbm.at[sl])

    zero = jnp.zeros((16,), jnp.float32)
    _fill_rows(p0_v, RPT, zero)

    @pl.when(c == 0)
    def _ia():
        pltpu.sync_copy(g1_v, acc.at[sl])

    @pl.when(c != 0)
    def _ib():
        pltpu.sync_copy(p0_v, acc.at[sl])

    plsc.subcore_barrier()
    _edge_pass(gtab, acc, src_v, dst_v, row0, row1, sem0, sem1)
    plsc.subcore_barrier()
    pltpu.sync_copy(acc.at[sl], s1_hbm.at[c, sl])


@functools.partial(
    pl.kernel,
    mesh=_mesh,
    compiler_params=_params,
    out_type=jax.ShapeDtypeStruct((2, N, 16), jnp.float32),
    scratch_types=[
        pltpu.VMEM((NB, EB), jnp.int32),
        pltpu.VMEM((NB, EB), jnp.int32),
        pltpu.VMEM((EB, 16), jnp.float32),
        pltpu.VMEM((EB, 16), jnp.float32),
        pltpu.VMEM((RPT, 16), jnp.float32),
        pltpu.VMEM((RPT, 16), jnp.float32),
        pltpu.VMEM((RPT, 16), jnp.float32),
        pltpu.VMEM((RPT, 16), jnp.float32),
        pltpu.VMEM((16,), jnp.float32),
        pltpu.VMEM_SHARED((N, 16), jnp.float32),
        pltpu.VMEM_SHARED((N, 16), jnp.float32),
        pltpu.SemaphoreType.DMA,
        pltpu.SemaphoreType.DMA,
    ],
)
def _sc_prop2(s1_hbm, dinv_hbm, b1_hbm, src_hbm, dst_hbm, s2_hbm,
              src_v, dst_v, row0, row1, p0_v, p1_v, dinv_v, g2_v, b1_v,
              acc, gtab, sem0, sem1):
    c = lax.axis_index("c")
    s = lax.axis_index("s")
    wid = s * 2 + c

    pltpu.sync_copy(src_hbm.at[pl.ds(wid * NB, NB)], src_v)
    pltpu.sync_copy(dst_hbm.at[pl.ds(wid * NB, NB)], dst_v)

    sl = pl.ds(s * RPT, RPT)
    pltpu.sync_copy(s1_hbm.at[0, sl], p0_v)
    pltpu.sync_copy(s1_hbm.at[1, sl], p1_v)
    pltpu.sync_copy(dinv_hbm.at[sl], dinv_v)
    pltpu.sync_copy(b1_hbm, b1_v)

    def scale(i, _):
        dv = dinv_v[i]
        a1 = dv * (p0_v[i] + p1_v[i]) + b1_v[...]
        g2_v[i] = dv * jnp.maximum(a1, 0.0)
        return 0

    lax.fori_loop(0, RPT, scale, 0)

    pltpu.sync_copy(g2_v, gtab.at[sl])

    zero = jnp.zeros((16,), jnp.float32)
    _fill_rows(p0_v, RPT, zero)

    @pl.when(c == 0)
    def _ia():
        pltpu.sync_copy(g2_v, acc.at[sl])

    @pl.when(c != 0)
    def _ib():
        pltpu.sync_copy(p0_v, acc.at[sl])

    plsc.subcore_barrier()
    _edge_pass(gtab, acc, src_v, dst_v, row0, row1, sem0, sem1)
    plsc.subcore_barrier()
    pltpu.sync_copy(acc.at[sl], s2_hbm.at[c, sl])


def _tc_mm1(x_ref, w_ref, o_ref):
    o_ref[:] = jnp.dot(x_ref[:], w_ref[:], preferred_element_type=jnp.float32)


def _tc_mm2(sp_ref, dinv_ref, w_ref, b_ref, o_ref):
    a = dinv_ref[:] * (sp_ref[0] + sp_ref[1])
    o_ref[:] = jnp.dot(a, w_ref[:], preferred_element_type=jnp.float32) + b_ref[:]


def kernel(x, edge_index, W1, b1, W2, b2):
    f32 = jnp.float32

    src2d = edge_index[0].reshape(EROWS, EB)
    dst2d = edge_index[1].reshape(EROWS, EB)

    counts = _sc_count(dst2d)
    h1 = pl.pallas_call(
        _tc_mm1,
        out_shape=jax.ShapeDtypeStruct((N, HID), f32),
    )(x, W1)

    s1, dinv16 = _sc_prop1(h1, counts, src2d, dst2d)
    s2 = _sc_prop2(s1, dinv16, b1, src2d, dst2d)

    out = pl.pallas_call(
        _tc_mm2,
        out_shape=jax.ShapeDtypeStruct((N, D_OUT), f32),
    )(s2, dinv16, W2, b2.reshape(1, D_OUT))

    return out

# --- scband reference (transcript-rebuilt; emitter-appended) ---
"""Pipeline reference for scband-gcn-33114197852229 (READ-ONLY COPY).

The authoritative reference and input builder live on the scoring server;
editing this copy changes nothing except your own understanding.
"""

import jax, jax.numpy as jnp
import numpy as np

N = 10000
E = 320000
D_IN = 128
HID = 16
D_OUT = 128


def setup_inputs(seed: int = 0) -> dict:
    key = jax.random.key(seed)
    k1, k2, k3, k4, k5, k6 = jax.random.split(key, 6)
    x = jax.random.normal(k1, (N, D_IN), dtype=jnp.float32)
    edge_index = jax.random.randint(k2, (2, E), 0, N, dtype=jnp.int32)
    W1 = jax.random.normal(k3, (D_IN, HID), dtype=jnp.float32) * (1.0 / np.sqrt(D_IN))
    b1 = jnp.zeros((HID,), dtype=jnp.float32)
    W2 = jax.random.normal(k4, (HID, D_OUT), dtype=jnp.float32) * (1.0 / np.sqrt(HID))
    b2 = jnp.zeros((D_OUT,), dtype=jnp.float32)
    return {"x": x, "edge_index": edge_index, "W1": W1, "b1": b1, "W2": W2, "b2": b2}


def _gcn_conv(x, edge_index, W, b):
    # GCNConv: x' = D^{-1/2} (A + I) D^{-1/2} (X W) + b, with added self-loops.
    loop = jnp.arange(N, dtype=edge_index.dtype)
    src = jnp.concatenate([edge_index[0], loop])
    dst = jnp.concatenate([edge_index[1], loop])
    h = x @ W
    deg = jax.ops.segment_sum(jnp.ones_like(dst, dtype=h.dtype), dst, num_segments=N)
    dinv = jnp.where(deg > 0, jax.lax.rsqrt(jnp.where(deg > 0, deg, 1.0)), 0.0)
    norm = dinv[src] * dinv[dst]
    msg = h[src] * norm[:, None]
    out = jax.ops.segment_sum(msg, dst, num_segments=N)
    return out + b


def reference(x, edge_index, W1, b1, W2, b2):
    h = _gcn_conv(x, edge_index, W1, b1)
    h = jax.nn.relu(h)
    # dropout p=0.5 is identity in eval mode (training=False)
    return _gcn_conv(h, edge_index, W2, b2)

if __name__ == "__main__":
    import jax
    _d = setup_inputs()
    print(jax.jit(kernel)(*tuple(_d.values())))

</pallas_src>

<mosaic_0001>
#map = affine_map<(d0, d1) -> (0, 0)>
#map1 = affine_map<(d0, d1) -> (0, 0, 0)>
module attributes {stable_mosaic.version = 14 : i64} {
  func.func @_sc_count(%arg0: i32, %arg1: i32, %arg2: memref<320x1000xi32, #tpu.memory_space<hbm>>, %arg3: memref<2x10000x16xf32, #tpu.memory_space<hbm>>, %arg4: memref<10x1000xi32, #tpu.memory_space<vmem>>, %arg5: memref<1000x16xf32, #tpu.memory_space<vmem>>, %arg6: memref<625x16xf32, #tpu.memory_space<vmem>>, %arg7: memref<10000x16xf32, #tpu.memory_space<vmem_shared>>) attributes {dimension_semantics = [#tpu.dimension_semantics<core_parallel>, #tpu.dimension_semantics<subcore_parallel>], iteration_bounds = array<i64: 2, 16>, scalar_prefetch = 0 : i64, scratch_operands = 4 : i64, tpu.core_type = #tpu.core_type<sc_vector_subcore>, window_params = [{transform_indices = #map}, {transform_indices = #map1}]} {
    %mul3A = arith.constant 2 : i32
    %mul3A_0 = arith.muli %arg1, %mul3A : i32
    %add3A = arith.addi %mul3A_0, %arg0 : i32
    %mul3A_1 = arith.constant 10 : i32
    %mul3A_2 = arith.muli %add3A, %mul3A_1 : i32
    "tpu.region"() ({
      %run_scoped3A_38 = tpu.sem_alloc : memref<!tpu.dma_semaphore, #tpu.memory_space<semaphore_mem>>
      %dma_start3A = arith.constant 0 : i32
      %dma_start3A_39 = tpu.memref_slice %arg2[%mul3A_2, %dma_start3A] : memref<320x1000xi32, #tpu.memory_space<hbm>> -> memref<10x1000xi32, #tpu.memory_space<hbm>>
      %dma_start3A_40 = arith.constant 0 : i32
      %dma_start3A_41 = tpu.memref_slice %arg2[%mul3A_2, %dma_start3A_40] : memref<320x1000xi32, #tpu.memory_space<hbm>> -> memref<10x1000xi32, #tpu.memory_space<hbm>>
      tpu.enqueue_dma source(%dma_start3A_41 : memref<10x1000xi32, #tpu.memory_space<hbm>>) target(%arg4 : memref<10x1000xi32, #tpu.memory_space<vmem>>) target_semaphore(%run_scoped3A_38 : memref<!tpu.dma_semaphore, #tpu.memory_space<semaphore_mem>>)
      %dma_wait3A = arith.constant 0 : i32
      %dma_wait3A_42 = tpu.memref_slice %arg2[%mul3A_2, %dma_wait3A] : memref<320x1000xi32, #tpu.memory_space<hbm>> -> memref<10x1000xi32, #tpu.memory_space<hbm>>
      %dma_wait3A_43 = arith.constant 0 : i32
      %dma_wait3A_44 = tpu.memref_slice %arg2[%mul3A_2, %dma_wait3A_43] : memref<320x1000xi32, #tpu.memory_space<hbm>> -> memref<10x1000xi32, #tpu.memory_space<hbm>>
      tpu.wait_dma2 semaphore(%run_scoped3A_38 : memref<!tpu.dma_semaphore, #tpu.memory_space<semaphore_mem>>) src(%dma_wait3A_44 : memref<10x1000xi32, #tpu.memory_space<hbm>>) dst(%arg4 : memref<10x1000xi32, #tpu.memory_space<vmem>>)
      tpu.yield
    }) : () -> ()
    %broadcast_in_dim3A = arith.constant 1.000000e+00 : f32
    %broadcast_in_dim3A_3 = vector.broadcast %broadcast_in_dim3A : f32 to vector<16xf32>
    %scan3A = arith.constant 0 : i32
    %scan3A_4 = arith.constant 0 : i32
    %scan3A_5 = arith.constant 125 : i32
    %scan3A_6 = arith.addi %scan3A_4, %scan3A_5 : i32
    %scan3A_7 = arith.constant 1 : i32
    %scan3A_8 = scf.for %scan3A_38 = %scan3A_4 to %scan3A_6 step %scan3A_7 iter_args(%scan3A_39 = %scan3A) -> (i32)  : i32 {
      %mul3A_40 = arith.constant 8 : i32
      %mul3A_41 = arith.muli %scan3A_38, %mul3A_40 : i32
      %add3A_42 = arith.constant 0 : i32
      %add3A_43 = arith.addi %mul3A_41, %add3A_42 : i32
      %swap3A_44 = arith.index_cast %add3A_43 : i32 to index
      %swap3A_45 = arith.constant 0 : index
      %swap3A_46 = tpu.vector_load %arg5[%swap3A_44, %swap3A_45] {strides = array<i32>} : memref<1000x16xf32, #tpu.memory_space<vmem>>, vector<1x16xf32>,
      %swap3A_47 = vector.shape_cast %swap3A_46 : vector<1x16xf32> to vector<16xf32>
      %swap3A_48 = vector.shape_cast %broadcast_in_dim3A_3 : vector<16xf32> to vector<1x16xf32>
      tpu.vector_store %arg5[%swap3A_44, %swap3A_45], %swap3A_48 {strides = array<i32>} : memref<1000x16xf32, #tpu.memory_space<vmem>>, vector<1x16xf32>,
      %mul3A_49 = arith.constant 8 : i32
      %mul3A_50 = arith.muli %scan3A_38, %mul3A_49 : i32
      %add3A_51 = arith.constant 1 : i32
      %add3A_52 = arith.addi %mul3A_50, %add3A_51 : i32
      %swap3A_53 = arith.index_cast %add3A_52 : i32 to index
      %swap3A_54 = arith.constant 0 : index
      %swap3A_55 = tpu.vector_load %arg5[%swap3A_53, %swap3A_54] {strides = array<i32>} : memref<1000x16xf32, #tpu.memory_space<vmem>>, vector<1x16xf32>,
      %swap3A_56 = vector.shape_cast %swap3A_55 : vector<1x16xf32> to vector<16xf32>
      %swap3A_57 = vector.shape_cast %broadcast_in_dim3A_3 : vector<16xf32> to vector<1x16xf32>
      tpu.vector_store %arg5[%swap3A_53, %swap3A_54], %swap3A_57 {strides = array<i32>} : memref<1000x16xf32, #tpu.memory_space<vmem>>, vector<1x16xf32>,
      %mul3A_58 = arith.constant 8 : i32
      %mul3A_59 = arith.muli %scan3A_38, %mul3A_58 : i32
      %add3A_60 = arith.constant 2 : i32
      %add3A_61 = arith.addi %mul3A_59, %add3A_60 : i32
      %swap3A_62 = arith.index_cast %add3A_61 : i32 to index
      %swap3A_63 = arith.constant 0 : index
      %swap3A_64 = tpu.vector_load %arg5[%swap3A_62, %swap3A_63] {strides = array<i32>} : memref<1000x16xf32, #tpu.memory_space<vmem>>, vector<1x16xf32>,
      %swap3A_65 = vector.shape_cast %swap3A_64 : vector<1x16xf32> to vector<16xf32>
      %swap3A_66 = vector.shape_cast %broadcast_in_dim3A_3 : vector<16xf32> to vector<1x16xf32>
      tpu.vector_store %arg5[%swap3A_62, %swap3A_63], %swap3A_66 {strides = array<i32>} : memref<1000x16xf32, #tpu.memory_space<vmem>>, vector<1x16xf32>,
      %mul3A_67 = arith.constant 8 : i32
      %mul3A_68 = arith.muli %scan3A_38, %mul3A_67 : i32
      %add3A_69 = arith.constant 3 : i32
      %add3A_70 = arith.addi %mul3A_68, %add3A_69 : i32
      %swap3A_71 = arith.index_cast %add3A_70 : i32 to index
      %swap3A_72 = arith.constant 0 : index
      %swap3A_73 = tpu.vector_load %arg5[%swap3A_71, %swap3A_72] {strides = array<i32>} : memref<1000x16xf32, #tpu.memory_space<vmem>>, vector<1x16xf32>,
      %swap3A_74 = vector.shape_cast %swap3A_73 : vector<1x16xf32> to vector<16xf32>
      %swap3A_75 = vector.shape_cast %broadcast_in_dim3A_3 : vector<16xf32> to vector<1x16xf32>
      tpu.vector_store %arg5[%swap3A_71, %swap3A_72], %swap3A_75 {strides = array<i32>} : memref<1000x16xf32, #tpu.memory_space<vmem>>, vector<1x16xf32>,
      %mul3A_76 = arith.constant 8 : i32
      %mul3A_77 = arith.muli %scan3A_38, %mul3A_76 : i32
      %add3A_78 = arith.constant 4 : i32
      %add3A_79 = arith.addi %mul3A_77, %add3A_78 : i32
      %swap3A_80 = arith.index_cast %add3A_79 : i32 to index
      %swap3A_81 = arith.constant 0 : index
      %swap3A_82 = tpu.vector_load %arg5[%swap3A_80, %swap3A_81] {strides = array<i32>} : memref<1000x16xf32, #tpu.memory_space<vmem>>, vector<1x16xf32>,
      %swap3A_83 = vector.shape_cast %swap3A_82 : vector<1x16xf32> to vector<16xf32>
      %swap3A_84 = vector.shape_cast %broadcast_in_dim3A_3 : vector<16xf32> to vector<1x16xf32>
      tpu.vector_store %arg5[%swap3A_80, %swap3A_81], %swap3A_84 {strides = array<i32>} : memref<1000x16xf32, #tpu.memory_space<vmem>>, vector<1x16xf32>,
      %mul3A_85 = arith.constant 8 : i32
      %mul3A_86 = arith.muli %scan3A_38, %mul3A_85 : i32
      %add3A_87 = arith.constant 5 : i32
      %add3A_88 = arith.addi %mul3A_86, %add3A_87 : i32
      %swap3A_89 = arith.index_cast %add3A_88 : i32 to index
      %swap3A_90 = arith.constant 0 : index
      %swap3A_91 = tpu.vector_load %arg5[%swap3A_89, %swap3A_90] {strides = array<i32>} : memref<1000x16xf32, #tpu.memory_space<vmem>>, vector<1x16xf32>,
      %swap3A_92 = vector.shape_cast %swap3A_91 : vector<1x16xf32> to vector<16xf32>
      %swap3A_93 = vector.shape_cast %broadcast_in_dim3A_3 : vector<16xf32> to vector<1x16xf32>
      tpu.vector_store %arg5[%swap3A_89, %swap3A_90], %swap3A_93 {strides = array<i32>} : memref<1000x16xf32, #tpu.memory_space<vmem>>, vector<1x16xf32>,
      %mul3A_94 = arith.constant 8 : i32
      %mul3A_95 = arith.muli %scan3A_38, %mul3A_94 : i32
      %add3A_96 = arith.constant 6 : i32
      %add3A_97 = arith.addi %mul3A_95, %add3A_96 : i32
      %swap3A_98 = arith.index_cast %add3A_97 : i32 to index
      %swap3A_99 = arith.constant 0 : index
      %swap3A_100 = tpu.vector_load %arg5[%swap3A_98, %swap3A_99] {strides = array<i32>} : memref<1000x16xf32, #tpu.memory_space<vmem>>, vector<1x16xf32>,
      %swap3A_101 = vector.shape_cast %swap3A_100 : vector<1x16xf32> to vector<16xf32>
      %swap3A_102 = vector.shape_cast %broadcast_in_dim3A_3 : vector<16xf32> to vector<1x16xf32>
      tpu.vector_store %arg5[%swap3A_98, %swap3A_99], %swap3A_102 {strides = array<i32>} : memref<1000x16xf32, #tpu.memory_space<vmem>>, vector<1x16xf32>,
      %mul3A_103 = arith.constant 8 : i32
      %mul3A_104 = arith.muli %scan3A_38, %mul3A_103 : i32
      %add3A_105 = arith.constant 7 : i32
      %add3A_106 = arith.addi %mul3A_104, %add3A_105 : i32
      %swap3A_107 = arith.index_cast %add3A_106 : i32 to index
      %swap3A_108 = arith.constant 0 : index
      %swap3A_109 = tpu.vector_load %arg5[%swap3A_107, %swap3A_108] {strides = array<i32>} : memref<1000x16xf32, #tpu.memory_space<vmem>>, vector<1x16xf32>,
      %swap3A_110 = vector.shape_cast %swap3A_109 : vector<1x16xf32> to vector<16xf32>
      %swap3A_111 = vector.shape_cast %broadcast_in_dim3A_3 : vector<16xf32> to vector<1x16xf32>
      tpu.vector_store %arg5[%swap3A_107, %swap3A_108], %swap3A_111 {strides = array<i32>} : memref<1000x16xf32, #tpu.memory_space<vmem>>, vector<1x16xf32>,
      %scan3A_112 = arith.constant 0 : i32
      scf.yield %scan3A_112 : i32
    }
    %scan3A_9 = arith.constant 125 : i32
    %eq3A = arith.constant 0 : i32
    %eq3A_10 = arith.cmpi eq, %arg0, %eq3A : i32
    %jit3A = arith.constant 1.000000e+00 : f32
    %jit3A_11 = arith.constant 0.000000e+00 : f32
    %select_n3A = arith.select %eq3A_10, %jit3A, %jit3A_11 : f32
    %mul3A_12 = vector.broadcast %select_n3A : f32 to vector<16xf32>
    %mul3A_13 = arith.mulf %mul3A_12, %broadcast_in_dim3A_3 : vector<16xf32>
    %scan3A_14 = arith.constant 0 : i32
    %scan3A_15 = arith.constant 0 : i32
    %scan3A_16 = arith.constant 78 : i32
    %scan3A_17 = arith.addi %scan3A_15, %scan3A_16 : i32
    %scan3A_18 = arith.constant 1 : i32
    %scan3A_19 = scf.for %scan3A_38 = %scan3A_15 to %scan3A_17 step %scan3A_18 iter_args(%scan3A_39 = %scan3A_14) -> (i32)  : i32 {
      %mul3A_40 = arith.constant 8 : i32
      %mul3A_41 = arith.muli %scan3A_38, %mul3A_40 : i32
      %add3A_42 = arith.constant 0 : i32
      %add3A_43 = arith.addi %mul3A_41, %add3A_42 : i32
      %swap3A_44 = arith.index_cast %add3A_43 : i32 to index
      %swap3A_45 = arith.constant 0 : index
      %swap3A_46 = tpu.vector_load %arg6[%swap3A_44, %swap3A_45] {strides = array<i32>} : memref<625x16xf32, #tpu.memory_space<vmem>>, vector<1x16xf32>,
      %swap3A_47 = vector.shape_cast %swap3A_46 : vector<1x16xf32> to vector<16xf32>
      %swap3A_48 = vector.shape_cast %mul3A_13 : vector<16xf32> to vector<1x16xf32>
      tpu.vector_store %arg6[%swap3A_44, %swap3A_45], %swap3A_48 {strides = array<i32>} : memref<625x16xf32, #tpu.memory_space<vmem>>, vector<1x16xf32>,
      %mul3A_49 = arith.constant 8 : i32
      %mul3A_50 = arith.muli %scan3A_38, %mul3A_49 : i32
      %add3A_51 = arith.constant 1 : i32
      %add3A_52 = arith.addi %mul3A_50, %add3A_51 : i32
      %swap3A_53 = arith.index_cast %add3A_52 : i32 to index
      %swap3A_54 = arith.constant 0 : index
      %swap3A_55 = tpu.vector_load %arg6[%swap3A_53, %swap3A_54] {strides = array<i32>} : memref<625x16xf32, #tpu.memory_space<vmem>>, vector<1x16xf32>,
      %swap3A_56 = vector.shape_cast %swap3A_55 : vector<1x16xf32> to vector<16xf32>
      %swap3A_57 = vector.shape_cast %mul3A_13 : vector<16xf32> to vector<1x16xf32>
      tpu.vector_store %arg6[%swap3A_53, %swap3A_54], %swap3A_57 {strides = array<i32>} : memref<625x16xf32, #tpu.memory_space<vmem>>, vector<1x16xf32>,
      %mul3A_58 = arith.constant 8 : i32
      %mul3A_59 = arith.muli %scan3A_38, %mul3A_58 : i32
      %add3A_60 = arith.constant 2 : i32
      %add3A_61 = arith.addi %mul3A_59, %add3A_60 : i32
      %swap3A_62 = arith.index_cast %add3A_61 : i32 to index
      %swap3A_63 = arith.constant 0 : index
      %swap3A_64 = tpu.vector_load %arg6[%swap3A_62, %swap3A_63] {strides = array<i32>} : memref<625x16xf32, #tpu.memory_space<vmem>>, vector<1x16xf32>,
      %swap3A_65 = vector.shape_cast %swap3A_64 : vector<1x16xf32> to vector<16xf32>
      %swap3A_66 = vector.shape_cast %mul3A_13 : vector<16xf32> to vector<1x16xf32>
      tpu.vector_store %arg6[%swap3A_62, %swap3A_63], %swap3A_66 {strides = array<i32>} : memref<625x16xf32, #tpu.memory_space<vmem>>, vector<1x16xf32>,
      %mul3A_67 = arith.constant 8 : i32
      %mul3A_68 = arith.muli %scan3A_38, %mul3A_67 : i32
      %add3A_69 = arith.constant 3 : i32
      %add3A_70 = arith.addi %mul3A_68, %add3A_69 : i32
      %swap3A_71 = arith.index_cast %add3A_70 : i32 to index
      %swap3A_72 = arith.constant 0 : index
      %swap3A_73 = tpu.vector_load %arg6[%swap3A_71, %swap3A_72] {strides = array<i32>} : memref<625x16xf32, #tpu.memory_space<vmem>>, vector<1x16xf32>,
      %swap3A_74 = vector.shape_cast %swap3A_73 : vector<1x16xf32> to vector<16xf32>
      %swap3A_75 = vector.shape_cast %mul3A_13 : vector<16xf32> to vector<1x16xf32>
      tpu.vector_store %arg6[%swap3A_71, %swap3A_72], %swap3A_75 {strides = array<i32>} : memref<625x16xf32, #tpu.memory_space<vmem>>, vector<1x16xf32>,
      %mul3A_76 = arith.constant 8 : i32
      %mul3A_77 = arith.muli %scan3A_38, %mul3A_76 : i32
      %add3A_78 = arith.constant 4 : i32
      %add3A_79 = arith.addi %mul3A_77, %add3A_78 : i32
      %swap3A_80 = arith.index_cast %add3A_79 : i32 to index
      %swap3A_81 = arith.constant 0 : index
      %swap3A_82 = tpu.vector_load %arg6[%swap3A_80, %swap3A_81] {strides = array<i32>} : memref<625x16xf32, #tpu.memory_space<vmem>>, vector<1x16xf32>,
      %swap3A_83 = vector.shape_cast %swap3A_82 : vector<1x16xf32> to vector<16xf32>
      %swap3A_84 = vector.shape_cast %mul3A_13 : vector<16xf32> to vector<1x16xf32>
      tpu.vector_store %arg6[%swap3A_80, %swap3A_81], %swap3A_84 {strides = array<i32>} : memref<625x16xf32, #tpu.memory_space<vmem>>, vector<1x16xf32>,
      %mul3A_85 = arith.constant 8 : i32
      %mul3A_86 = arith.muli %scan3A_38, %mul3A_85 : i32
      %add3A_87 = arith.constant 5 : i32
      %add3A_88 = arith.addi %mul3A_86, %add3A_87 : i32
      %swap3A_89 = arith.index_cast %add3A_88 : i32 to index
      %swap3A_90 = arith.constant 0 : index
      %swap3A_91 = tpu.vector_load %arg6[%swap3A_89, %swap3A_90] {strides = array<i32>} : memref<625x16xf32, #tpu.memory_space<vmem>>, vector<1x16xf32>,
      %swap3A_92 = vector.shape_cast %swap3A_91 : vector<1x16xf32> to vector<16xf32>
      %swap3A_93 = vector.shape_cast %mul3A_13 : vector<16xf32> to vector<1x16xf32>
      tpu.vector_store %arg6[%swap3A_89, %swap3A_90], %swap3A_93 {strides = array<i32>} : memref<625x16xf32, #tpu.memory_space<vmem>>, vector<1x16xf32>,
      %mul3A_94 = arith.constant 8 : i32
      %mul3A_95 = arith.muli %scan3A_38, %mul3A_94 : i32
      %add3A_96 = arith.constant 6 : i32
      %add3A_97 = arith.addi %mul3A_95, %add3A_96 : i32
      %swap3A_98 = arith.index_cast %add3A_97 : i32 to index
      %swap3A_99 = arith.constant 0 : index
      %swap3A_100 = tpu.vector_load %arg6[%swap3A_98, %swap3A_99] {strides = array<i32>} : memref<625x16xf32, #tpu.memory_space<vmem>>, vector<1x16xf32>,
      %swap3A_101 = vector.shape_cast %swap3A_100 : vector<1x16xf32> to vector<16xf32>
      %swap3A_102 = vector.shape_cast %mul3A_13 : vector<16xf32> to vector<1x16xf32>
      tpu.vector_store %arg6[%swap3A_98, %swap3A_99], %swap3A_102 {strides = array<i32>} : memref<625x16xf32, #tpu.memory_space<vmem>>, vector<1x16xf32>,
      %mul3A_103 = arith.constant 8 : i32
      %mul3A_104 = arith.muli %scan3A_38, %mul3A_103 : i32
      %add3A_105 = arith.constant 7 : i32
      %add3A_106 = arith.addi %mul3A_104, %add3A_105 : i32
      %swap3A_107 = arith.index_cast %add3A_106 : i32 to index
      %swap3A_108 = arith.constant 0 : index
      %swap3A_109 = tpu.vector_load %arg6[%swap3A_107, %swap3A_108] {strides = array<i32>} : memref<625x16xf32, #tpu.memory_space<vmem>>, vector<1x16xf32>,
      %swap3A_110 = vector.shape_cast %swap3A_109 : vector<1x16xf32> to vector<16xf32>
      %swap3A_111 = vector.shape_cast %mul3A_13 : vector<16xf32> to vector<1x16xf32>
      tpu.vector_store %arg6[%swap3A_107, %swap3A_108], %swap3A_111 {strides = array<i32>} : memref<625x16xf32, #tpu.memory_space<vmem>>, vector<1x16xf32>,
      %scan3A_112 = arith.constant 0 : i32
      scf.yield %scan3A_112 : i32
    }
    %scan3A_20 = arith.constant 78 : i32
    %swap3A = arith.constant 624 : i32
    %swap3A_21 = arith.index_cast %swap3A : i32 to index
    %swap3A_22 = arith.constant 0 : index
    %swap3A_23 = tpu.vector_load %arg6[%swap3A_21, %swap3A_22] {strides = array<i32>} : memref<625x16xf32, #tpu.memory_space<vmem>>, vector<1x16xf32>,
    %swap3A_24 = vector.shape_cast %swap3A_23 : vector<1x16xf32> to vector<16xf32>
    %swap3A_25 = vector.shape_cast %mul3A_13 : vector<16xf32> to vector<1x16xf32>
    tpu.vector_store %arg6[%swap3A_21, %swap3A_22], %swap3A_25 {strides = array<i32>} : memref<625x16xf32, #tpu.memory_space<vmem>>, vector<1x16xf32>,
    %mul3A_26 = arith.constant 625 : i32
    %mul3A_27 = arith.muli %arg1, %mul3A_26 : i32
    "tpu.region"() ({
      %run_scoped3A_38 = tpu.sem_alloc : memref<!tpu.dma_semaphore, #tpu.memory_space<semaphore_mem>>
      %dma_start3A = arith.constant 0 : i32
      %dma_start3A_39 = tpu.memref_slice %arg7[%mul3A_27, %dma_start3A] : memref<10000x16xf32, #tpu.memory_space<vmem_shared>> -> memref<625x16xf32, #tpu.memory_space<vmem_shared>>
      %dma_start3A_40 = arith.constant 0 : i32
      %dma_start3A_41 = tpu.memref_slice %arg7[%mul3A_27, %dma_start3A_40] : memref<10000x16xf32, #tpu.memory_space<vmem_shared>> -> memref<625x16xf32, #tpu.memory_space<vmem_shared>>
      tpu.enqueue_dma source(%arg6 : memref<625x16xf32, #tpu.memory_space<vmem>>) target(%dma_start3A_41 : memref<625x16xf32, #tpu.memory_space<vmem_shared>>) target_semaphore(%run_scoped3A_38 : memref<!tpu.dma_semaphore, #tpu.memory_space<semaphore_mem>>)
      %dma_wait3A = arith.constant 0 : i32
      %dma_wait3A_42 = tpu.memref_slice %arg7[%mul3A_27, %dma_wait3A] : memref<10000x16xf32, #tpu.memory_space<vmem_shared>> -> memref<625x16xf32, #tpu.memory_space<vmem_shared>>
      %dma_wait3A_43 = arith.constant 0 : i32
      %dma_wait3A_44 = tpu.memref_slice %arg7[%mul3A_27, %dma_wait3A_43] : memref<10000x16xf32, #tpu.memory_space<vmem_shared>> -> memref<625x16xf32, #tpu.memory_space<vmem_shared>>
      tpu.wait_dma2 semaphore(%run_scoped3A_38 : memref<!tpu.dma_semaphore, #tpu.memory_space<semaphore_mem>>) src(%arg6 : memref<625x16xf32, #tpu.memory_space<vmem>>) dst(%dma_wait3A_44 : memref<625x16xf32, #tpu.memory_space<vmem_shared>>)
      tpu.yield
    }) : () -> ()
    %barrier3A = arith.constant 0 : index
    tpu.barrier barrier_id(%barrier3A)
    %run_scoped3A = arith.constant 0 : i32
    "tpu.region"() ({
      %run_scoped3A_38 = tpu.sem_alloc : memref<!tpu.dma_semaphore, #tpu.memory_space<semaphore_mem>>
      %dma_start3A = arith.constant 0 : i32
      %dma_start3A_39 = tpu.memref_slice %arg4[%run_scoped3A, %dma_start3A] : memref<10x1000xi32, #tpu.memory_space<vmem>> -> memref<1x1000xi32, #tpu.memory_space<vmem>>
      %dma_start3A_40 = tpu.memref_squeeze %dma_start3A_39 : memref<1x1000xi32, #tpu.memory_space<vmem>> -> memref<1000xi32, #tpu.memory_space<vmem>>
      %dma_start3A_41 = arith.constant 0 : i32
      %dma_start3A_42 = arith.constant 0 : i32
      %dma_start3A_43 = tpu.memref_slice %arg7[%dma_start3A_41, %dma_start3A_42] : memref<10000x16xf32, #tpu.memory_space<vmem_shared>> -> memref<10000x16xf32, #tpu.memory_space<vmem_shared>>
      tpu.enqueue_indirect_dma source(%arg5 : memref<1000x16xf32, #tpu.memory_space<vmem>>) target(%dma_start3A_43 : memref<10000x16xf32, #tpu.memory_space<vmem_shared>>) offsets(%dma_start3A_40 : memref<1000xi32, #tpu.memory_space<vmem>>) semaphore(%run_scoped3A_38 : memref<!tpu.dma_semaphore, #tpu.memory_space<semaphore_mem>>) {add = true}
      %dma_wait3A = arith.constant 0 : i32
      %dma_wait3A_44 = tpu.memref_slice %arg4[%run_scoped3A, %dma_wait3A] : memref<10x1000xi32, #tpu.memory_space<vmem>> -> memref<1x1000xi32, #tpu.memory_space<vmem>>
      %dma_wait3A_45 = tpu.memref_squeeze %dma_wait3A_44 : memref<1x1000xi32, #tpu.memory_space<vmem>> -> memref<1000xi32, #tpu.memory_space<vmem>>
      %dma_wait3A_46 = arith.constant 0 : i32
      %dma_wait3A_47 = arith.constant 0 : i32
      %dma_wait3A_48 = tpu.memref_slice %arg7[%dma_wait3A_46, %dma_wait3A_47] : memref<10000x16xf32, #tpu.memory_space<vmem_shared>> -> memref<10000x16xf32, #tpu.memory_space<vmem_shared>>
      tpu.wait_indirect_dma semaphore(%run_scoped3A_38 : memref<!tpu.dma_semaphore, #tpu.memory_space<semaphore_mem>>) src(%arg5 : memref<1000x16xf32, #tpu.memory_space<vmem>>) dst(%dma_wait3A_48 : memref<10000x16xf32, #tpu.memory_space<vmem_shared>>)
      tpu.yield
    }) : () -> ()
    %run_scoped3A_28 = arith.constant 1 : i32
    "tpu.region"() ({
      %run_scoped3A_38 = tpu.sem_alloc : memref<!tpu.dma_semaphore, #tpu.memory_space<semaphore_mem>>
      %dma_start3A = arith.constant 0 : i32
      %dma_start3A_39 = tpu.memref_slice %arg4[%run_scoped3A_28, %dma_start3A] : memref<10x1000xi32, #tpu.memory_space<vmem>> -> memref<1x1000xi32, #tpu.memory_space<vmem>>
      %dma_start3A_40 = tpu.memref_squeeze %dma_start3A_39 : memref<1x1000xi32, #tpu.memory_space<vmem>> -> memref<1000xi32, #tpu.memory_space<vmem>>
      %dma_start3A_41 = arith.constant 0 : i32
      %dma_start3A_42 = arith.constant 0 : i32
      %dma_start3A_43 = tpu.memref_slice %arg7[%dma_start3A_41, %dma_start3A_42] : memref<10000x16xf32, #tpu.memory_space<vmem_shared>> -> memref<10000x16xf32, #tpu.memory_space<vmem_shared>>
      tpu.enqueue_indirect_dma source(%arg5 : memref<1000x16xf32, #tpu.memory_space<vmem>>) target(%dma_start3A_43 : memref<10000x16xf32, #tpu.memory_space<vmem_shared>>) offsets(%dma_start3A_40 : memref<1000xi32, #tpu.memory_space<vmem>>) semaphore(%run_scoped3A_38 : memref<!tpu.dma_semaphore, #tpu.memory_space<semaphore_mem>>) {add = true}
      %dma_wait3A = arith.constant 0 : i32
      %dma_wait3A_44 = tpu.memref_slice %arg4[%run_scoped3A_28, %dma_wait3A] : memref<10x1000xi32, #tpu.memory_space<vmem>> -> memref<1x1000xi32, #tpu.memory_space<vmem>>
      %dma_wait3A_45 = tpu.memref_squeeze %dma_wait3A_44 : memref<1x1000xi32, #tpu.memory_space<vmem>> -> memref<1000xi32, #tpu.memory_space<vmem>>
      %dma_wait3A_46 = arith.constant 0 : i32
      %dma_wait3A_47 = arith.constant 0 : i32
      %dma_wait3A_48 = tpu.memref_slice %arg7[%dma_wait3A_46, %dma_wait3A_47] : memref<10000x16xf32, #tpu.memory_space<vmem_shared>> -> memref<10000x16xf32, #tpu.memory_space<vmem_shared>>
      tpu.wait_indirect_dma semaphore(%run_scoped3A_38 : memref<!tpu.dma_semaphore, #tpu.memory_space<semaphore_mem>>) src(%arg5 : memref<1000x16xf32, #tpu.memory_space<vmem>>) dst(%dma_wait3A_48 : memref<10000x16xf32, #tpu.memory_space<vmem_shared>>)
      tpu.yield
    }) : () -> ()
    %run_scoped3A_29 = arith.constant 2 : i32
    "tpu.region"() ({
      %run_scoped3A_38 = tpu.sem_alloc : memref<!tpu.dma_semaphore, #tpu.memory_space<semaphore_mem>>
      %dma_start3A = arith.constant 0 : i32
      %dma_start3A_39 = tpu.memref_slice %arg4[%run_scoped3A_29, %dma_start3A] : memref<10x1000xi32, #tpu.memory_space<vmem>> -> memref<1x1000xi32, #tpu.memory_space<vmem>>
      %dma_start3A_40 = tpu.memref_squeeze %dma_start3A_39 : memref<1x1000xi32, #tpu.memory_space<vmem>> -> memref<1000xi32, #tpu.memory_space<vmem>>
      %dma_start3A_41 = arith.constant 0 : i32
      %dma_start3A_42 = arith.constant 0 : i32
      %dma_start3A_43 = tpu.memref_slice %arg7[%dma_start3A_41, %dma_start3A_42] : memref<10000x16xf32, #tpu.memory_space<vmem_shared>> -> memref<10000x16xf32, #tpu.memory_space<vmem_shared>>
      tpu.enqueue_indirect_dma source(%arg5 : memref<1000x16xf32, #tpu.memory_space<vmem>>) target(%dma_start3A_43 : memref<10000x16xf32, #tpu.memory_space<vmem_shared>>) offsets(%dma_start3A_40 : memref<1000xi32, #tpu.memory_space<vmem>>) semaphore(%run_scoped3A_38 : memref<!tpu.dma_semaphore, #tpu.memory_space<semaphore_mem>>) {add = true}
      %dma_wait3A = arith.constant 0 : i32
      %dma_wait3A_44 = tpu.memref_slice %arg4[%run_scoped3A_29, %dma_wait3A] : memref<10x1000xi32, #tpu.memory_space<vmem>> -> memref<1x1000xi32, #tpu.memory_space<vmem>>
      %dma_wait3A_45 = tpu.memref_squeeze %dma_wait3A_44 : memref<1x1000xi32, #tpu.memory_space<vmem>> -> memref<1000xi32, #tpu.memory_space<vmem>>
      %dma_wait3A_46 = arith.constant 0 : i32
      %dma_wait3A_47 = arith.constant 0 : i32
      %dma_wait3A_48 = tpu.memref_slice %arg7[%dma_wait3A_46, %dma_wait3A_47] : memref<10000x16xf32, #tpu.memory_space<vmem_shared>> -> memref<10000x16xf32, #tpu.memory_space<vmem_shared>>
      tpu.wait_indirect_dma semaphore(%run_scoped3A_38 : memref<!tpu.dma_semaphore, #tpu.memory_space<semaphore_mem>>) src(%arg5 : memref<1000x16xf32, #tpu.memory_space<vmem>>) dst(%dma_wait3A_48 : memref<10000x16xf32, #tpu.memory_space<vmem_shared>>)
      tpu.yield
    }) : () -> ()
    %run_scoped3A_30 = arith.constant 3 : i32
    "tpu.region"() ({
      %run_scoped3A_38 = tpu.sem_alloc : memref<!tpu.dma_semaphore, #tpu.memory_space<semaphore_mem>>
      %dma_start3A = arith.constant 0 : i32
      %dma_start3A_39 = tpu.memref_slice %arg4[%run_scoped3A_30, %dma_start3A] : memref<10x1000xi32, #tpu.memory_space<vmem>> -> memref<1x1000xi32, #tpu.memory_space<vmem>>
      %dma_start3A_40 = tpu.memref_squeeze %dma_start3A_39 : memref<1x1000xi32, #tpu.memory_space<vmem>> -> memref<1000xi32, #tpu.memory_space<vmem>>
      %dma_start3A_41 = arith.constant 0 : i32
      %dma_start3A_42 = arith.constant 0 : i32
      %dma_start3A_43 = tpu.memref_slice %arg7[%dma_start3A_41, %dma_start3A_42] : memref<10000x16xf32, #tpu.memory_space<vmem_shared>> -> memref<10000x16xf32, #tpu.memory_space<vmem_shared>>
      tpu.enqueue_indirect_dma source(%arg5 : memref<1000x16xf32, #tpu.memory_space<vmem>>) target(%dma_start3A_43 : memref<10000x16xf32, #tpu.memory_space<vmem_shared>>) offsets(%dma_start3A_40 : memref<1000xi32, #tpu.memory_space<vmem>>) semaphore(%run_scoped3A_38 : memref<!tpu.dma_semaphore, #tpu.memory_space<semaphore_mem>>) {add = true}
      %dma_wait3A = arith.constant 0 : i32
      %dma_wait3A_44 = tpu.memref_slice %arg4[%run_scoped3A_30, %dma_wait3A] : memref<10x1000xi32, #tpu.memory_space<vmem>> -> memref<1x1000xi32, #tpu.memory_space<vmem>>
      %dma_wait3A_45 = tpu.memref_squeeze %dma_wait3A_44 : memref<1x1000xi32, #tpu.memory_space<vmem>> -> memref<1000xi32, #tpu.memory_space<vmem>>
      %dma_wait3A_46 = arith.constant 0 : i32
      %dma_wait3A_47 = arith.constant 0 : i32
      %dma_wait3A_48 = tpu.memref_slice %arg7[%dma_wait3A_46, %dma_wait3A_47] : memref<10000x16xf32, #tpu.memory_space<vmem_shared>> -> memref<10000x16xf32, #tpu.memory_space<vmem_shared>>
      tpu.wait_indirect_dma semaphore(%run_scoped3A_38 : memref<!tpu.dma_semaphore, #tpu.memory_space<semaphore_mem>>) src(%arg5 : memref<1000x16xf32, #tpu.memory_space<vmem>>) dst(%dma_wait3A_48 : memref<10000x16xf32, #tpu.memory_space<vmem_shared>>)
      tpu.yield
    }) : () -> ()
    %run_scoped3A_31 = arith.constant 4 : i32
    "tpu.region"() ({
      %run_scoped3A_38 = tpu.sem_alloc : memref<!tpu.dma_semaphore, #tpu.memory_space<semaphore_mem>>
      %dma_start3A = arith.constant 0 : i32
      %dma_start3A_39 = tpu.memref_slice %arg4[%run_scoped3A_31, %dma_start3A] : memref<10x1000xi32, #tpu.memory_space<vmem>> -> memref<1x1000xi32, #tpu.memory_space<vmem>>
      %dma_start3A_40 = tpu.memref_squeeze %dma_start3A_39 : memref<1x1000xi32, #tpu.memory_space<vmem>> -> memref<1000xi32, #tpu.memory_space<vmem>>
      %dma_start3A_41 = arith.constant 0 : i32
      %dma_start3A_42 = arith.constant 0 : i32
      %dma_start3A_43 = tpu.memref_slice %arg7[%dma_start3A_41, %dma_start3A_42] : memref<10000x16xf32, #tpu.memory_space<vmem_shared>> -> memref<10000x16xf32, #tpu.memory_space<vmem_shared>>
      tpu.enqueue_indirect_dma source(%arg5 : memref<1000x16xf32, #tpu.memory_space<vmem>>) target(%dma_start3A_43 : memref<10000x16xf32, #tpu.memory_space<vmem_shared>>) offsets(%dma_start3A_40 : memref<1000xi32, #tpu.memory_space<vmem>>) semaphore(%run_scoped3A_38 : memref<!tpu.dma_semaphore, #tpu.memory_space<semaphore_mem>>) {add = true}
      %dma_wait3A = arith.constant 0 : i32
      %dma_wait3A_44 = tpu.memref_slice %arg4[%run_scoped3A_31, %dma_wait3A] : memref<10x1000xi32, #tpu.memory_space<vmem>> -> memref<1x1000xi32, #tpu.memory_space<vmem>>
      %dma_wait3A_45 = tpu.memref_squeeze %dma_wait3A_44 : memref<1x1000xi32, #tpu.memory_space<vmem>> -> memref<1000xi32, #tpu.memory_space<vmem>>
      %dma_wait3A_46 = arith.constant 0 : i32
      %dma_wait3A_47 = arith.constant 0 : i32
      %dma_wait3A_48 = tpu.memref_slice %arg7[%dma_wait3A_46, %dma_wait3A_47] : memref<10000x16xf32, #tpu.memory_space<vmem_shared>> -> memref<10000x16xf32, #tpu.memory_space<vmem_shared>>
      tpu.wait_indirect_dma semaphore(%run_scoped3A_38 : memref<!tpu.dma_semaphore, #tpu.memory_space<semaphore_mem>>) src(%arg5 : memref<1000x16xf32, #tpu.memory_space<vmem>>) dst(%dma_wait3A_48 : memref<10000x16xf32, #tpu.memory_space<vmem_shared>>)
      tpu.yield
    }) : () -> ()
    %run_scoped3A_32 = arith.constant 5 : i32
    "tpu.region"() ({
      %run_scoped3A_38 = tpu.sem_alloc : memref<!tpu.dma_semaphore, #tpu.memory_space<semaphore_mem>>
      %dma_start3A = arith.constant 0 : i32
      %dma_start3A_39 = tpu.memref_slice %arg4[%run_scoped3A_32, %dma_start3A] : memref<10x1000xi32, #tpu.memory_space<vmem>> -> memref<1x1000xi32, #tpu.memory_space<vmem>>
      %dma_start3A_40 = tpu.memref_squeeze %dma_start3A_39 : memref<1x1000xi32, #tpu.memory_space<vmem>> -> memref<1000xi32, #tpu.memory_space<vmem>>
      %dma_start3A_41 = arith.constant 0 : i32
      %dma_start3A_42 = arith.constant 0 : i32
      %dma_start3A_43 = tpu.memref_slice %arg7[%dma_start3A_41, %dma_start3A_42] : memref<10000x16xf32, #tpu.memory_space<vmem_shared>> -> memref<10000x16xf32, #tpu.memory_space<vmem_shared>>
      tpu.enqueue_indirect_dma source(%arg5 : memref<1000x16xf32, #tpu.memory_space<vmem>>) target(%dma_start3A_43 : memref<10000x16xf32, #tpu.memory_space<vmem_shared>>) offsets(%dma_start3A_40 : memref<1000xi32, #tpu.memory_space<vmem>>) semaphore(%run_scoped3A_38 : memref<!tpu.dma_semaphore, #tpu.memory_space<semaphore_mem>>) {add = true}
      %dma_wait3A = arith.constant 0 : i32
      %dma_wait3A_44 = tpu.memref_slice %arg4[%run_scoped3A_32, %dma_wait3A] : memref<10x1000xi32, #tpu.memory_space<vmem>> -> memref<1x1000xi32, #tpu.memory_space<vmem>>
      %dma_wait3A_45 = tpu.memref_squeeze %dma_wait3A_44 : memref<1x1000xi32, #tpu.memory_space<vmem>> -> memref<1000xi32, #tpu.memory_space<vmem>>
      %dma_wait3A_46 = arith.constant 0 : i32
      %dma_wait3A_47 = arith.constant 0 : i32
      %dma_wait3A_48 = tpu.memref_slice %arg7[%dma_wait3A_46, %dma_wait3A_47] : memref<10000x16xf32, #tpu.memory_space<vmem_shared>> -> memref<10000x16xf32, #tpu.memory_space<vmem_shared>>
      tpu.wait_indirect_dma semaphore(%run_scoped3A_38 : memref<!tpu.dma_semaphore, #tpu.memory_space<semaphore_mem>>) src(%arg5 : memref<1000x16xf32, #tpu.memory_space<vmem>>) dst(%dma_wait3A_48 : memref<10000x16xf32, #tpu.memory_space<vmem_shared>>)
      tpu.yield
    }) : () -> ()
    %run_scoped3A_33 = arith.constant 6 : i32
    "tpu.region"() ({
      %run_scoped3A_38 = tpu.sem_alloc : memref<!tpu.dma_semaphore, #tpu.memory_space<semaphore_mem>>
      %dma_start3A = arith.constant 0 : i32
      %dma_start3A_39 = tpu.memref_slice %arg4[%run_scoped3A_33, %dma_start3A] : memref<10x1000xi32, #tpu.memory_space<vmem>> -> memref<1x1000xi32, #tpu.memory_space<vmem>>
      %dma_start3A_40 = tpu.memref_squeeze %dma_start3A_39 : memref<1x1000xi32, #tpu.memory_space<vmem>> -> memref<1000xi32, #tpu.memory_space<vmem>>
      %dma_start3A_41 = arith.constant 0 : i32
      %dma_start3A_42 = arith.constant 0 : i32
      %dma_start3A_43 = tpu.memref_slice %arg7[%dma_start3A_41, %dma_start3A_42] : memref<10000x16xf32, #tpu.memory_space<vmem_shared>> -> memref<10000x16xf32, #tpu.memory_space<vmem_shared>>
      tpu.enqueue_indirect_dma source(%arg5 : memref<1000x16xf32, #tpu.memory_space<vmem>>) target(%dma_start3A_43 : memref<10000x16xf32, #tpu.memory_space<vmem_shared>>) offsets(%dma_start3A_40 : memref<1000xi32, #tpu.memory_space<vmem>>) semaphore(%run_scoped3A_38 : memref<!tpu.dma_semaphore, #tpu.memory_space<semaphore_mem>>) {add = true}
      %dma_wait3A = arith.constant 0 : i32
      %dma_wait3A_44 = tpu.memref_slice %arg4[%run_scoped3A_33, %dma_wait3A] : memref<10x1000xi32, #tpu.memory_space<vmem>> -> memref<1x1000xi32, #tpu.memory_space<vmem>>
      %dma_wait3A_45 = tpu.memref_squeeze %dma_wait3A_44 : memref<1x1000xi32, #tpu.memory_space<vmem>> -> memref<1000xi32, #tpu.memory_space<vmem>>
      %dma_wait3A_46 = arith.constant 0 : i32
      %dma_wait3A_47 = arith.constant 0 : i32
      %dma_wait3A_48 = tpu.memref_slice %arg7[%dma_wait3A_46, %dma_wait3A_47] : memref<10000x16xf32, #tpu.memory_space<vmem_shared>> -> memref<10000x16xf32, #tpu.memory_space<vmem_shared>>
      tpu.wait_indirect_dma semaphore(%run_scoped3A_38 : memref<!tpu.dma_semaphore, #tpu.memory_space<semaphore_mem>>) src(%arg5 : memref<1000x16xf32, #tpu.memory_space<vmem>>) dst(%dma_wait3A_48 : memref<10000x16xf32, #tpu.memory_space<vmem_shared>>)
      tpu.yield
    }) : () -> ()
    %run_scoped3A_34 = arith.constant 7 : i32
    "tpu.region"() ({
      %run_scoped3A_38 = tpu.sem_alloc : memref<!tpu.dma_semaphore, #tpu.memory_space<semaphore_mem>>
      %dma_start3A = arith.constant 0 : i32
      %dma_start3A_39 = tpu.memref_slice %arg4[%run_scoped3A_34, %dma_start3A] : memref<10x1000xi32, #tpu.memory_space<vmem>> -> memref<1x1000xi32, #tpu.memory_space<vmem>>
      %dma_start3A_40 = tpu.memref_squeeze %dma_start3A_39 : memref<1x1000xi32, #tpu.memory_space<vmem>> -> memref<1000xi32, #tpu.memory_space<vmem>>
      %dma_start3A_41 = arith.constant 0 : i32
      %dma_start3A_42 = arith.constant 0 : i32
      %dma_start3A_43 = tpu.memref_slice %arg7[%dma_start3A_41, %dma_start3A_42] : memref<10000x16xf32, #tpu.memory_space<vmem_shared>> -> memref<10000x16xf32, #tpu.memory_space<vmem_shared>>
      tpu.enqueue_indirect_dma source(%arg5 : memref<1000x16xf32, #tpu.memory_space<vmem>>) target(%dma_start3A_43 : memref<10000x16xf32, #tpu.memory_space<vmem_shared>>) offsets(%dma_start3A_40 : memref<1000xi32, #tpu.memory_space<vmem>>) semaphore(%run_scoped3A_38 : memref<!tpu.dma_semaphore, #tpu.memory_space<semaphore_mem>>) {add = true}
      %dma_wait3A = arith.constant 0 : i32
      %dma_wait3A_44 = tpu.memref_slice %arg4[%run_scoped3A_34, %dma_wait3A] : memref<10x1000xi32, #tpu.memory_space<vmem>> -> memref<1x1000xi32, #tpu.memory_space<vmem>>
      %dma_wait3A_45 = tpu.memref_squeeze %dma_wait3A_44 : memref<1x1000xi32, #tpu.memory_space<vmem>> -> memref<1000xi32, #tpu.memory_space<vmem>>
      %dma_wait3A_46 = arith.constant 0 : i32
      %dma_wait3A_47 = arith.constant 0 : i32
      %dma_wait3A_48 = tpu.memref_slice %arg7[%dma_wait3A_46, %dma_wait3A_47] : memref<10000x16xf32, #tpu.memory_space<vmem_shared>> -> memref<10000x16xf32, #tpu.memory_space<vmem_shared>>
      tpu.wait_indirect_dma semaphore(%run_scoped3A_38 : memref<!tpu.dma_semaphore, #tpu.memory_space<semaphore_mem>>) src(%arg5 : memref<1000x16xf32, #tpu.memory_space<vmem>>) dst(%dma_wait3A_48 : memref<10000x16xf32, #tpu.memory_space<vmem_shared>>)
      tpu.yield
    }) : () -> ()
    %run_scoped3A_35 = arith.constant 8 : i32
    "tpu.region"() ({
      %run_scoped3A_38 = tpu.sem_alloc : memref<!tpu.dma_semaphore, #tpu.memory_space<semaphore_mem>>
      %dma_start3A = arith.constant 0 : i32
      %dma_start3A_39 = tpu.memref_slice %arg4[%run_scoped3A_35, %dma_start3A] : memref<10x1000xi32, #tpu.memory_space<vmem>> -> memref<1x1000xi32, #tpu.memory_space<vmem>>
      %dma_start3A_40 = tpu.memref_squeeze %dma_start3A_39 : memref<1x1000xi32, #tpu.memory_space<vmem>> -> memref<1000xi32, #tpu.memory_space<vmem>>
      %dma_start3A_41 = arith.constant 0 : i32
      %dma_start3A_42 = arith.constant 0 : i32
      %dma_start3A_43 = tpu.memref_slice %arg7[%dma_start3A_41, %dma_start3A_42] : memref<10000x16xf32, #tpu.memory_space<vmem_shared>> -> memref<10000x16xf32, #tpu.memory_space<vmem_shared>>
      tpu.enqueue_indirect_dma source(%arg5 : memref<1000x16xf32, #tpu.memory_space<vmem>>) target(%dma_start3A_43 : memref<10000x16xf32, #tpu.memory_space<vmem_shared>>) offsets(%dma_start3A_40 : memref<1000xi32, #tpu.memory_space<vmem>>) semaphore(%run_scoped3A_38 : memref<!tpu.dma_semaphore, #tpu.memory_space<semaphore_mem>>) {add = true}
      %dma_wait3A = arith.constant 0 : i32
      %dma_wait3A_44 = tpu.memref_slice %arg4[%run_scoped3A_35, %dma_wait3A] : memref<10x1000xi32, #tpu.memory_space<vmem>> -> memref<1x1000xi32, #tpu.memory_space<vmem>>
      %dma_wait3A_45 = tpu.memref_squeeze %dma_wait3A_44 : memref<1x1000xi32, #tpu.memory_space<vmem>> -> memref<1000xi32, #tpu.memory_space<vmem>>
      %dma_wait3A_46 = arith.constant 0 : i32
      %dma_wait3A_47 = arith.constant 0 : i32
      %dma_wait3A_48 = tpu.memref_slice %arg7[%dma_wait3A_46, %dma_wait3A_47] : memref<10000x16xf32, #tpu.memory_space<vmem_shared>> -> memref<10000x16xf32, #tpu.memory_space<vmem_shared>>
      tpu.wait_indirect_dma semaphore(%run_scoped3A_38 : memref<!tpu.dma_semaphore, #tpu.memory_space<semaphore_mem>>) src(%arg5 : memref<1000x16xf32, #tpu.memory_space<vmem>>) dst(%dma_wait3A_48 : memref<10000x16xf32, #tpu.memory_space<vmem_shared>>)
      tpu.yield
    }) : () -> ()
    %run_scoped3A_36 = arith.constant 9 : i32
    "tpu.region"() ({
      %run_scoped3A_38 = tpu.sem_alloc : memref<!tpu.dma_semaphore, #tpu.memory_space<semaphore_mem>>
      %dma_start3A = arith.constant 0 : i32
      %dma_start3A_39 = tpu.memref_slice %arg4[%run_scoped3A_36, %dma_start3A] : memref<10x1000xi32, #tpu.memory_space<vmem>> -> memref<1x1000xi32, #tpu.memory_space<vmem>>
      %dma_start3A_40 = tpu.memref_squeeze %dma_start3A_39 : memref<1x1000xi32, #tpu.memory_space<vmem>> -> memref<1000xi32, #tpu.memory_space<vmem>>
      %dma_start3A_41 = arith.constant 0 : i32
      %dma_start3A_42 = arith.constant 0 : i32
      %dma_start3A_43 = tpu.memref_slice %arg7[%dma_start3A_41, %dma_start3A_42] : memref<10000x16xf32, #tpu.memory_space<vmem_shared>> -> memref<10000x16xf32, #tpu.memory_space<vmem_shared>>
      tpu.enqueue_indirect_dma source(%arg5 : memref<1000x16xf32, #tpu.memory_space<vmem>>) target(%dma_start3A_43 : memref<10000x16xf32, #tpu.memory_space<vmem_shared>>) offsets(%dma_start3A_40 : memref<1000xi32, #tpu.memory_space<vmem>>) semaphore(%run_scoped3A_38 : memref<!tpu.dma_semaphore, #tpu.memory_space<semaphore_mem>>) {add = true}
      %dma_wait3A = arith.constant 0 : i32
      %dma_wait3A_44 = tpu.memref_slice %arg4[%run_scoped3A_36, %dma_wait3A] : memref<10x1000xi32, #tpu.memory_space<vmem>> -> memref<1x1000xi32, #tpu.memory_space<vmem>>
      %dma_wait3A_45 = tpu.memref_squeeze %dma_wait3A_44 : memref<1x1000xi32, #tpu.memory_space<vmem>> -> memref<1000xi32, #tpu.memory_space<vmem>>
      %dma_wait3A_46 = arith.constant 0 : i32
      %dma_wait3A_47 = arith.constant 0 : i32
      %dma_wait3A_48 = tpu.memref_slice %arg7[%dma_wait3A_46, %dma_wait3A_47] : memref<10000x16xf32, #tpu.memory_space<vmem_shared>> -> memref<10000x16xf32, #tpu.memory_space<vmem_shared>>
      tpu.wait_indirect_dma semaphore(%run_scoped3A_38 : memref<!tpu.dma_semaphore, #tpu.memory_space<semaphore_mem>>) src(%arg5 : memref<1000x16xf32, #tpu.memory_space<vmem>>) dst(%dma_wait3A_48 : memref<10000x16xf32, #tpu.memory_space<vmem_shared>>)
      tpu.yield
    }) : () -> ()
    %barrier3A_37 = arith.constant 0 : index
    tpu.barrier barrier_id(%barrier3A_37)
    "tpu.region"() ({
      %run_scoped3A_38 = tpu.sem_alloc : memref<!tpu.dma_semaphore, #tpu.memory_space<semaphore_mem>>
      %dma_start3A = arith.constant 0 : i32
      %dma_start3A_39 = tpu.memref_slice %arg3[%arg0, %mul3A_27, %dma_start3A] : memref<2x10000x16xf32, #tpu.memory_space<hbm>> -> memref<1x625x16xf32, #tpu.memory_space<hbm>>
      %dma_start3A_40 = tpu.memref_squeeze %dma_start3A_39 : memref<1x625x16xf32, #tpu.memory_space<hbm>> -> memref<625x16xf32, #tpu.memory_space<hbm>>
      %dma_start3A_41 = arith.constant 0 : i32
      %dma_start3A_42 = tpu.memref_slice %arg7[%mul3A_27, %dma_start3A_41] : memref<10000x16xf32, #tpu.memory_space<vmem_shared>> -> memref<625x16xf32, #tpu.memory_space<vmem_shared>>
      tpu.enqueue_dma source(%dma_start3A_42 : memref<625x16xf32, #tpu.memory_space<vmem_shared>>) target(%dma_start3A_40 : memref<625x16xf32, #tpu.memory_space<hbm>>) target_semaphore(%run_scoped3A_38 : memref<!tpu.dma_semaphore, #tpu.memory_space<semaphore_mem>>)
      %dma_wait3A = arith.constant 0 : i32
      %dma_wait3A_43 = tpu.memref_slice %arg3[%arg0, %mul3A_27, %dma_wait3A] : memref<2x10000x16xf32, #tpu.memory_space<hbm>> -> memref<1x625x16xf32, #tpu.memory_space<hbm>>
      %dma_wait3A_44 = tpu.memref_squeeze %dma_wait3A_43 : memref<1x625x16xf32, #tpu.memory_space<hbm>> -> memref<625x16xf32, #tpu.memory_space<hbm>>
      %dma_wait3A_45 = arith.constant 0 : i32
      %dma_wait3A_46 = tpu.memref_slice %arg7[%mul3A_27, %dma_wait3A_45] : memref<10000x16xf32, #tpu.memory_space<vmem_shared>> -> memref<625x16xf32, #tpu.memory_space<vmem_shared>>
      tpu.wait_dma2 semaphore(%run_scoped3A_38 : memref<!tpu.dma_semaphore, #tpu.memory_space<semaphore_mem>>) src(%dma_wait3A_46 : memref<625x16xf32, #tpu.memory_space<vmem_shared>>) dst(%dma_wait3A_44 : memref<625x16xf32, #tpu.memory_space<hbm>>)
      tpu.yield
    }) : () -> ()
    return
  }
}

#map = affine_map<(d0, d1) -> (0, 0)>
#map1 = affine_map<(d0, d1) -> (0, 0, 0)>
module attributes {stable_mosaic.version = 14 : i64} {
  func.func @_sc_prop1(%arg0: i32, %arg1: i32, %arg2: memref<10000x16xf32, #tpu.memory_space<hbm>>, %arg3: memref<2x10000x16xf32, #tpu.memory_space<hbm>>, %arg4: memref<320x1000xi32, #tpu.memory_space<hbm>>, %arg5: memref<320x1000xi32, #tpu.memory_space<hbm>>, %arg6: memref<2x10000x16xf32, #tpu.memory_space<hbm>>, %arg7: memref<10000x16xf32, #tpu.memory_space<hbm>>, %arg8: memref<10x1000xi32, #tpu.memory_space<vmem>>, %arg9: memref<10x1000xi32, #tpu.memory_space<vmem>>, %arg10: memref<1000x16xf32, #tpu.memory_space<vmem>>, %arg11: memref<1000x16xf32, #tpu.memory_space<vmem>>, %arg12: memref<625x16xf32, #tpu.memory_space<vmem>>, %arg13: memref<625x16xf32, #tpu.memory_space<vmem>>, %arg14: memref<625x16xf32, #tpu.memory_space<vmem>>, %arg15: memref<625x16xf32, #tpu.memory_space<vmem>>, %arg16: memref<10000x16xf32, #tpu.memory_space<vmem_shared>>, %arg17: memref<10000x16xf32, #tpu.memory_space<vmem_shared>>, %arg18: memref<!tpu.dma_semaphore, #tpu.memory_space<semaphore_mem>>, %arg19: memref<!tpu.dma_semaphore, #tpu.memory_space<semaphore_mem>>) attributes {dimension_semantics = [#tpu.dimension_semantics<core_parallel>, #tpu.dimension_semantics<subcore_parallel>], iteration_bounds = array<i64: 2, 16>, scalar_prefetch = 0 : i64, scratch_operands = 12 : i64, tpu.core_type = #tpu.core_type<sc_vector_subcore>, window_params = [{transform_indices = #map}, {transform_indices = #map1}, {transform_indices = #map}, {transform_indices = #map}, {transform_indices = #map1}, {transform_indices = #map}]} {
    %mul3A = arith.constant 2 : i32
    %mul3A_0 = arith.muli %arg1, %mul3A : i32
    %add3A = arith.addi %mul3A_0, %arg0 : i32
    %mul3A_1 = arith.constant 10 : i32
    %mul3A_2 = arith.muli %add3A, %mul3A_1 : i32
    "tpu.region"() ({
      %run_scoped3A_182 = tpu.sem_alloc : memref<!tpu.dma_semaphore, #tpu.memory_space<semaphore_mem>>
      %dma_start3A_183 = arith.constant 0 : i32
      %dma_start3A_184 = tpu.memref_slice %arg4[%mul3A_2, %dma_start3A_183] : memref<320x1000xi32, #tpu.memory_space<hbm>> -> memref<10x1000xi32, #tpu.memory_space<hbm>>
      %dma_start3A_185 = arith.constant 0 : i32
      %dma_start3A_186 = tpu.memref_slice %arg4[%mul3A_2, %dma_start3A_185] : memref<320x1000xi32, #tpu.memory_space<hbm>> -> memref<10x1000xi32, #tpu.memory_space<hbm>>
      tpu.enqueue_dma source(%dma_start3A_186 : memref<10x1000xi32, #tpu.memory_space<hbm>>) target(%arg8 : memref<10x1000xi32, #tpu.memory_space<vmem>>) target_semaphore(%run_scoped3A_182 : memref<!tpu.dma_semaphore, #tpu.memory_space<semaphore_mem>>)
      %dma_wait3A_187 = arith.constant 0 : i32
      %dma_wait3A_188 = tpu.memref_slice %arg4[%mul3A_2, %dma_wait3A_187] : memref<320x1000xi32, #tpu.memory_space<hbm>> -> memref<10x1000xi32, #tpu.memory_space<hbm>>
      %dma_wait3A_189 = arith.constant 0 : i32
      %dma_wait3A_190 = tpu.memref_slice %arg4[%mul3A_2, %dma_wait3A_189] : memref<320x1000xi32, #tpu.memory_space<hbm>> -> memref<10x1000xi32, #tpu.memory_space<hbm>>
      tpu.wait_dma2 semaphore(%run_scoped3A_182 : memref<!tpu.dma_semaphore, #tpu.memory_space<semaphore_mem>>) src(%dma_wait3A_190 : memref<10x1000xi32, #tpu.memory_space<hbm>>) dst(%arg8 : memref<10x1000xi32, #tpu.memory_space<vmem>>)
      tpu.yield
    }) : () -> ()
    %mul3A_3 = arith.constant 10 : i32
    %mul3A_4 = arith.muli %add3A, %mul3A_3 : i32
    "tpu.region"() ({
      %run_scoped3A_182 = tpu.sem_alloc : memref<!tpu.dma_semaphore, #tpu.memory_space<semaphore_mem>>
      %dma_start3A_183 = arith.constant 0 : i32
      %dma_start3A_184 = tpu.memref_slice %arg5[%mul3A_4, %dma_start3A_183] : memref<320x1000xi32, #tpu.memory_space<hbm>> -> memref<10x1000xi32, #tpu.memory_space<hbm>>
      %dma_start3A_185 = arith.constant 0 : i32
      %dma_start3A_186 = tpu.memref_slice %arg5[%mul3A_4, %dma_start3A_185] : memref<320x1000xi32, #tpu.memory_space<hbm>> -> memref<10x1000xi32, #tpu.memory_space<hbm>>
      tpu.enqueue_dma source(%dma_start3A_186 : memref<10x1000xi32, #tpu.memory_space<hbm>>) target(%arg9 : memref<10x1000xi32, #tpu.memory_space<vmem>>) target_semaphore(%run_scoped3A_182 : memref<!tpu.dma_semaphore, #tpu.memory_space<semaphore_mem>>)
      %dma_wait3A_187 = arith.constant 0 : i32
      %dma_wait3A_188 = tpu.memref_slice %arg5[%mul3A_4, %dma_wait3A_187] : memref<320x1000xi32, #tpu.memory_space<hbm>> -> memref<10x1000xi32, #tpu.memory_space<hbm>>
      %dma_wait3A_189 = arith.constant 0 : i32
      %dma_wait3A_190 = tpu.memref_slice %arg5[%mul3A_4, %dma_wait3A_189] : memref<320x1000xi32, #tpu.memory_space<hbm>> -> memref<10x1000xi32, #tpu.memory_space<hbm>>
      tpu.wait_dma2 semaphore(%run_scoped3A_182 : memref<!tpu.dma_semaphore, #tpu.memory_space<semaphore_mem>>) src(%dma_wait3A_190 : memref<10x1000xi32, #tpu.memory_space<hbm>>) dst(%arg9 : memref<10x1000xi32, #tpu.memory_space<vmem>>)
      tpu.yield
    }) : () -> ()
    %mul3A_5 = arith.constant 625 : i32
    %mul3A_6 = arith.muli %arg1, %mul3A_5 : i32
    %run_scoped3A = arith.constant 0 : i32
    "tpu.region"() ({
      %run_scoped3A_182 = tpu.sem_alloc : memref<!tpu.dma_semaphore, #tpu.memory_space<semaphore_mem>>
      %dma_start3A_183 = arith.constant 0 : i32
      %dma_start3A_184 = tpu.memref_slice %arg3[%run_scoped3A, %mul3A_6, %dma_start3A_183] : memref<2x10000x16xf32, #tpu.memory_space<hbm>> -> memref<1x625x16xf32, #tpu.memory_space<hbm>>
      %dma_start3A_185 = tpu.memref_squeeze %dma_start3A_184 : memref<1x625x16xf32, #tpu.memory_space<hbm>> -> memref<625x16xf32, #tpu.memory_space<hbm>>
      %dma_start3A_186 = arith.constant 0 : i32
      %dma_start3A_187 = tpu.memref_slice %arg3[%run_scoped3A, %mul3A_6, %dma_start3A_186] : memref<2x10000x16xf32, #tpu.memory_space<hbm>> -> memref<1x625x16xf32, #tpu.memory_space<hbm>>
      %dma_start3A_188 = tpu.memref_squeeze %dma_start3A_187 : memref<1x625x16xf32, #tpu.memory_space<hbm>> -> memref<625x16xf32, #tpu.memory_space<hbm>>
      tpu.enqueue_dma source(%dma_start3A_188 : memref<625x16xf32, #tpu.memory_space<hbm>>) target(%arg12 : memref<625x16xf32, #tpu.memory_space<vmem>>) target_semaphore(%run_scoped3A_182 : memref<!tpu.dma_semaphore, #tpu.memory_space<semaphore_mem>>)
      %dma_wait3A_189 = arith.constant 0 : i32
      %dma_wait3A_190 = tpu.memref_slice %arg3[%run_scoped3A, %mul3A_6, %dma_wait3A_189] : memref<2x10000x16xf32, #tpu.memory_space<hbm>> -> memref<1x625x16xf32, #tpu.memory_space<hbm>>
      %dma_wait3A_191 = tpu.memref_squeeze %dma_wait3A_190 : memref<1x625x16xf32, #tpu.memory_space<hbm>> -> memref<625x16xf32, #tpu.memory_space<hbm>>
      %dma_wait3A_192 = arith.constant 0 : i32
      %dma_wait3A_193 = tpu.memref_slice %arg3[%run_scoped3A, %mul3A_6, %dma_wait3A_192] : memref<2x10000x16xf32, #tpu.memory_space<hbm>> -> memref<1x625x16xf32, #tpu.memory_space<hbm>>
      %dma_wait3A_194 = tpu.memref_squeeze %dma_wait3A_193 : memref<1x625x16xf32, #tpu.memory_space<hbm>> -> memref<625x16xf32, #tpu.memory_space<hbm>>
      tpu.wait_dma2 semaphore(%run_scoped3A_182 : memref<!tpu.dma_semaphore, #tpu.memory_space<semaphore_mem>>) src(%dma_wait3A_194 : memref<625x16xf32, #tpu.memory_space<hbm>>) dst(%arg12 : memref<625x16xf32, #tpu.memory_space<vmem>>)
      tpu.yield
    }) : () -> ()
    %run_scoped3A_7 = arith.constant 1 : i32
    "tpu.region"() ({
      %run_scoped3A_182 = tpu.sem_alloc : memref<!tpu.dma_semaphore, #tpu.memory_space<semaphore_mem>>
      %dma_start3A_183 = arith.constant 0 : i32
      %dma_start3A_184 = tpu.memref_slice %arg3[%run_scoped3A_7, %mul3A_6, %dma_start3A_183] : memref<2x10000x16xf32, #tpu.memory_space<hbm>> -> memref<1x625x16xf32, #tpu.memory_space<hbm>>
      %dma_start3A_185 = tpu.memref_squeeze %dma_start3A_184 : memref<1x625x16xf32, #tpu.memory_space<hbm>> -> memref<625x16xf32, #tpu.memory_space<hbm>>
      %dma_start3A_186 = arith.constant 0 : i32
      %dma_start3A_187 = tpu.memref_slice %arg3[%run_scoped3A_7, %mul3A_6, %dma_start3A_186] : memref<2x10000x16xf32, #tpu.memory_space<hbm>> -> memref<1x625x16xf32, #tpu.memory_space<hbm>>
      %dma_start3A_188 = tpu.memref_squeeze %dma_start3A_187 : memref<1x625x16xf32, #tpu.memory_space<hbm>> -> memref<625x16xf32, #tpu.memory_space<hbm>>
      tpu.enqueue_dma source(%dma_start3A_188 : memref<625x16xf32, #tpu.memory_space<hbm>>) target(%arg13 : memref<625x16xf32, #tpu.memory_space<vmem>>) target_semaphore(%run_scoped3A_182 : memref<!tpu.dma_semaphore, #tpu.memory_space<semaphore_mem>>)
      %dma_wait3A_189 = arith.constant 0 : i32
      %dma_wait3A_190 = tpu.memref_slice %arg3[%run_scoped3A_7, %mul3A_6, %dma_wait3A_189] : memref<2x10000x16xf32, #tpu.memory_space<hbm>> -> memref<1x625x16xf32, #tpu.memory_space<hbm>>
      %dma_wait3A_191 = tpu.memref_squeeze %dma_wait3A_190 : memref<1x625x16xf32, #tpu.memory_space<hbm>> -> memref<625x16xf32, #tpu.memory_space<hbm>>
      %dma_wait3A_192 = arith.constant 0 : i32
      %dma_wait3A_193 = tpu.memref_slice %arg3[%run_scoped3A_7, %mul3A_6, %dma_wait3A_192] : memref<2x10000x16xf32, #tpu.memory_space<hbm>> -> memref<1x625x16xf32, #tpu.memory_space<hbm>>
      %dma_wait3A_194 = tpu.memref_squeeze %dma_wait3A_193 : memref<1x625x16xf32, #tpu.memory_space<hbm>> -> memref<625x16xf32, #tpu.memory_space<hbm>>
      tpu.wait_dma2 semaphore(%run_scoped3A_182 : memref<!tpu.dma_semaphore, #tpu.memory_space<semaphore_mem>>) src(%dma_wait3A_194 : memref<625x16xf32, #tpu.memory_space<hbm>>) dst(%arg13 : memref<625x16xf32, #tpu.memory_space<vmem>>)
      tpu.yield
    }) : () -> ()
    "tpu.region"() ({
      %run_scoped3A_182 = tpu.sem_alloc : memref<!tpu.dma_semaphore, #tpu.memory_space<semaphore_mem>>
      %dma_start3A_183 = arith.constant 0 : i32
      %dma_start3A_184 = tpu.memref_slice %arg2[%mul3A_6, %dma_start3A_183] : memref<10000x16xf32, #tpu.memory_space<hbm>> -> memref<625x16xf32, #tpu.memory_space<hbm>>
      %dma_start3A_185 = arith.constant 0 : i32
      %dma_start3A_186 = tpu.memref_slice %arg2[%mul3A_6, %dma_start3A_185] : memref<10000x16xf32, #tpu.memory_space<hbm>> -> memref<625x16xf32, #tpu.memory_space<hbm>>
      tpu.enqueue_dma source(%dma_start3A_186 : memref<625x16xf32, #tpu.memory_space<hbm>>) target(%arg14 : memref<625x16xf32, #tpu.memory_space<vmem>>) target_semaphore(%run_scoped3A_182 : memref<!tpu.dma_semaphore, #tpu.memory_space<semaphore_mem>>)
      %dma_wait3A_187 = arith.constant 0 : i32
      %dma_wait3A_188 = tpu.memref_slice %arg2[%mul3A_6, %dma_wait3A_187] : memref<10000x16xf32, #tpu.memory_space<hbm>> -> memref<625x16xf32, #tpu.memory_space<hbm>>
      %dma_wait3A_189 = arith.constant 0 : i32
      %dma_wait3A_190 = tpu.memref_slice %arg2[%mul3A_6, %dma_wait3A_189] : memref<10000x16xf32, #tpu.memory_space<hbm>> -> memref<625x16xf32, #tpu.memory_space<hbm>>
      tpu.wait_dma2 semaphore(%run_scoped3A_182 : memref<!tpu.dma_semaphore, #tpu.memory_space<semaphore_mem>>) src(%dma_wait3A_190 : memref<625x16xf32, #tpu.memory_space<hbm>>) dst(%arg14 : memref<625x16xf32, #tpu.memory_space<vmem>>)
      tpu.yield
    }) : () -> ()
    %scan3A = arith.constant 0 : i32
    %scan3A_8 = arith.constant 0 : i32
    %scan3A_9 = arith.constant 625 : i32
    %scan3A_10 = arith.addi %scan3A_8, %scan3A_9 : i32
    %scan3A_11 = arith.constant 1 : i32
    %scan3A_12 = scf.for %scan3A_182 = %scan3A_8 to %scan3A_10 step %scan3A_11 iter_args(%scan3A_183 = %scan3A) -> (i32)  : i32 {
      %get3A = arith.index_cast %scan3A_182 : i32 to index
      %get3A_184 = arith.constant 0 : index
      %get3A_185 = tpu.vector_load %arg12[%get3A, %get3A_184] {strides = array<i32>} : memref<625x16xf32, #tpu.memory_space<vmem>>, vector<1x16xf32>,
      %get3A_186 = vector.shape_cast %get3A_185 : vector<1x16xf32> to vector<16xf32>
      %get3A_187 = arith.index_cast %scan3A_182 : i32 to index
      %get3A_188 = arith.constant 0 : index
      %get3A_189 = tpu.vector_load %arg13[%get3A_187, %get3A_188] {strides = array<i32>} : memref<625x16xf32, #tpu.memory_space<vmem>>, vector<1x16xf32>,
      %get3A_190 = vector.shape_cast %get3A_189 : vector<1x16xf32> to vector<16xf32>
      %add3A_191 = arith.addf %get3A_186, %get3A_190 : vector<16xf32>
      %bitcast_convert_type3A = tpu.bitcast %add3A_191 : vector<16xf32> -> vector<16xi32>
      %shift_right_logical3A = arith.constant 1 : i32
      %shift_right_logical3A_192 = vector.broadcast %shift_right_logical3A : i32 to vector<16xi32>
      %shift_right_logical3A_193 = arith.shrui %bitcast_convert_type3A, %shift_right_logical3A_192 : vector<16xi32>
      %sub3A = arith.constant 1597463007 : i32
      %sub3A_194 = vector.broadcast %sub3A : i32 to vector<16xi32>
      %sub3A_195 = arith.subi %sub3A_194, %shift_right_logical3A_193 : vector<16xi32>
      %bitcast_convert_type3A_196 = tpu.bitcast %sub3A_195 : vector<16xi32> -> vector<16xf32>
      %mul3A_197 = arith.constant 5.000000e-01 : f32
      %mul3A_198 = vector.broadcast %mul3A_197 : f32 to vector<16xf32>
      %mul3A_199 = arith.mulf %mul3A_198, %add3A_191 : vector<16xf32>
      %mul3A_200 = arith.mulf %mul3A_199, %bitcast_convert_type3A_196 : vector<16xf32>
      %mul3A_201 = arith.mulf %mul3A_200, %bitcast_convert_type3A_196 : vector<16xf32>
      %sub3A_202 = arith.constant 1.500000e+00 : f32
      %sub3A_203 = vector.broadcast %sub3A_202 : f32 to vector<16xf32>
      %sub3A_204 = arith.subf %sub3A_203, %mul3A_201 : vector<16xf32>
      %mul3A_205 = arith.mulf %bitcast_convert_type3A_196, %sub3A_204 : vector<16xf32>
      %mul3A_206 = arith.mulf %mul3A_199, %mul3A_205 : vector<16xf32>
      %mul3A_207 = arith.mulf %mul3A_206, %mul3A_205 : vector<16xf32>
      %sub3A_208 = arith.constant 1.500000e+00 : f32
      %sub3A_209 = vector.broadcast %sub3A_208 : f32 to vector<16xf32>
      %sub3A_210 = arith.subf %sub3A_209, %mul3A_207 : vector<16xf32>
      %mul3A_211 = arith.mulf %mul3A_205, %sub3A_210 : vector<16xf32>
      %mul3A_212 = arith.mulf %mul3A_199, %mul3A_211 : vector<16xf32>
      %mul3A_213 = arith.mulf %mul3A_212, %mul3A_211 : vector<16xf32>
      %sub3A_214 = arith.constant 1.500000e+00 : f32
      %sub3A_215 = vector.broadcast %sub3A_214 : f32 to vector<16xf32>
      %sub3A_216 = arith.subf %sub3A_215, %mul3A_213 : vector<16xf32>
      %mul3A_217 = arith.mulf %mul3A_211, %sub3A_216 : vector<16xf32>
      %get3A_218 = arith.index_cast %scan3A_182 : i32 to index
      %get3A_219 = arith.constant 0 : index
      %get3A_220 = tpu.vector_load %arg14[%get3A_218, %get3A_219] {strides = array<i32>} : memref<625x16xf32, #tpu.memory_space<vmem>>, vector<1x16xf32>,
      %get3A_221 = vector.shape_cast %get3A_220 : vector<1x16xf32> to vector<16xf32>
      %mul3A_222 = arith.mulf %mul3A_217, %get3A_221 : vector<16xf32>
      %swap3A_223 = arith.index_cast %scan3A_182 : i32 to index
      %swap3A_224 = arith.constant 0 : index
      %swap3A_225 = tpu.vector_load %arg15[%swap3A_223, %swap3A_224] {strides = array<i32>} : memref<625x16xf32, #tpu.memory_space<vmem>>, vector<1x16xf32>,
      %swap3A_226 = vector.shape_cast %swap3A_225 : vector<1x16xf32> to vector<16xf32>
      %swap3A_227 = vector.shape_cast %mul3A_222 : vector<16xf32> to vector<1x16xf32>
      tpu.vector_store %arg15[%swap3A_223, %swap3A_224], %swap3A_227 {strides = array<i32>} : memref<625x16xf32, #tpu.memory_space<vmem>>, vector<1x16xf32>,
      %swap3A_228 = arith.index_cast %scan3A_182 : i32 to index
      %swap3A_229 = arith.constant 0 : index
      %swap3A_230 = tpu.vector_load %arg14[%swap3A_228, %swap3A_229] {strides = array<i32>} : memref<625x16xf32, #tpu.memory_space<vmem>>, vector<1x16xf32>,
      %swap3A_231 = vector.shape_cast %swap3A_230 : vector<1x16xf32> to vector<16xf32>
      %swap3A_232 = vector.shape_cast %mul3A_217 : vector<16xf32> to vector<1x16xf32>
      tpu.vector_store %arg14[%swap3A_228, %swap3A_229], %swap3A_232 {strides = array<i32>} : memref<625x16xf32, #tpu.memory_space<vmem>>, vector<1x16xf32>,
      %scan3A_233 = arith.constant 0 : i32
      scf.yield %scan3A_233 : i32
    }
    %scan3A_13 = arith.constant 625 : i32
    "tpu.region"() ({
      %run_scoped3A_182 = tpu.sem_alloc : memref<!tpu.dma_semaphore, #tpu.memory_space<semaphore_mem>>
      %dma_start3A_183 = arith.constant 0 : i32
      %dma_start3A_184 = tpu.memref_slice %arg17[%mul3A_6, %dma_start3A_183] : memref<10000x16xf32, #tpu.memory_space<vmem_shared>> -> memref<625x16xf32, #tpu.memory_space<vmem_shared>>
      %dma_start3A_185 = arith.constant 0 : i32
      %dma_start3A_186 = tpu.memref_slice %arg17[%mul3A_6, %dma_start3A_185] : memref<10000x16xf32, #tpu.memory_space<vmem_shared>> -> memref<625x16xf32, #tpu.memory_space<vmem_shared>>
      tpu.enqueue_dma source(%arg15 : memref<625x16xf32, #tpu.memory_space<vmem>>) target(%dma_start3A_186 : memref<625x16xf32, #tpu.memory_space<vmem_shared>>) target_semaphore(%run_scoped3A_182 : memref<!tpu.dma_semaphore, #tpu.memory_space<semaphore_mem>>)
      %dma_wait3A_187 = arith.constant 0 : i32
      %dma_wait3A_188 = tpu.memref_slice %arg17[%mul3A_6, %dma_wait3A_187] : memref<10000x16xf32, #tpu.memory_space<vmem_shared>> -> memref<625x16xf32, #tpu.memory_space<vmem_shared>>
      %dma_wait3A_189 = arith.constant 0 : i32
      %dma_wait3A_190 = tpu.memref_slice %arg17[%mul3A_6, %dma_wait3A_189] : memref<10000x16xf32, #tpu.memory_space<vmem_shared>> -> memref<625x16xf32, #tpu.memory_space<vmem_shared>>
      tpu.wait_dma2 semaphore(%run_scoped3A_182 : memref<!tpu.dma_semaphore, #tpu.memory_space<semaphore_mem>>) src(%arg15 : memref<625x16xf32, #tpu.memory_space<vmem>>) dst(%dma_wait3A_190 : memref<625x16xf32, #tpu.memory_space<vmem_shared>>)
      tpu.yield
    }) : () -> ()
    "tpu.region"() ({
      %run_scoped3A_182 = tpu.sem_alloc : memref<!tpu.dma_semaphore, #tpu.memory_space<semaphore_mem>>
      %dma_start3A_183 = arith.constant 0 : i32
      %dma_start3A_184 = tpu.memref_slice %arg7[%mul3A_6, %dma_start3A_183] : memref<10000x16xf32, #tpu.memory_space<hbm>> -> memref<625x16xf32, #tpu.memory_space<hbm>>
      %dma_start3A_185 = arith.constant 0 : i32
      %dma_start3A_186 = tpu.memref_slice %arg7[%mul3A_6, %dma_start3A_185] : memref<10000x16xf32, #tpu.memory_space<hbm>> -> memref<625x16xf32, #tpu.memory_space<hbm>>
      tpu.enqueue_dma source(%arg14 : memref<625x16xf32, #tpu.memory_space<vmem>>) target(%dma_start3A_186 : memref<625x16xf32, #tpu.memory_space<hbm>>) target_semaphore(%run_scoped3A_182 : memref<!tpu.dma_semaphore, #tpu.memory_space<semaphore_mem>>)
      %dma_wait3A_187 = arith.constant 0 : i32
      %dma_wait3A_188 = tpu.memref_slice %arg7[%mul3A_6, %dma_wait3A_187] : memref<10000x16xf32, #tpu.memory_space<hbm>> -> memref<625x16xf32, #tpu.memory_space<hbm>>
      %dma_wait3A_189 = arith.constant 0 : i32
      %dma_wait3A_190 = tpu.memref_slice %arg7[%mul3A_6, %dma_wait3A_189] : memref<10000x16xf32, #tpu.memory_space<hbm>> -> memref<625x16xf32, #tpu.memory_space<hbm>>
      tpu.wait_dma2 semaphore(%run_scoped3A_182 : memref<!tpu.dma_semaphore, #tpu.memory_space<semaphore_mem>>) src(%arg14 : memref<625x16xf32, #tpu.memory_space<vmem>>) dst(%dma_wait3A_190 : memref<625x16xf32, #tpu.memory_space<hbm>>)
      tpu.yield
    }) : () -> ()
    %broadcast_in_dim3A = arith.constant 0.000000e+00 : f32
    %broadcast_in_dim3A_14 = vector.broadcast %broadcast_in_dim3A : f32 to vector<16xf32>
    %scan3A_15 = arith.constant 0 : i32
    %scan3A_16 = arith.constant 0 : i32
    %scan3A_17 = arith.constant 78 : i32
    %scan3A_18 = arith.addi %scan3A_16, %scan3A_17 : i32
    %scan3A_19 = arith.constant 1 : i32
    %scan3A_20 = scf.for %scan3A_182 = %scan3A_16 to %scan3A_18 step %scan3A_19 iter_args(%scan3A_183 = %scan3A_15) -> (i32)  : i32 {
      %mul3A_184 = arith.constant 8 : i32
      %mul3A_185 = arith.muli %scan3A_182, %mul3A_184 : i32
      %add3A_186 = arith.constant 0 : i32
      %add3A_187 = arith.addi %mul3A_185, %add3A_186 : i32
      %swap3A_188 = arith.index_cast %add3A_187 : i32 to index
      %swap3A_189 = arith.constant 0 : index
      %swap3A_190 = tpu.vector_load %arg12[%swap3A_188, %swap3A_189] {strides = array<i32>} : memref<625x16xf32, #tpu.memory_space<vmem>>, vector<1x16xf32>,
      %swap3A_191 = vector.shape_cast %swap3A_190 : vector<1x16xf32> to vector<16xf32>
      %swap3A_192 = vector.shape_cast %broadcast_in_dim3A_14 : vector<16xf32> to vector<1x16xf32>
      tpu.vector_store %arg12[%swap3A_188, %swap3A_189], %swap3A_192 {strides = array<i32>} : memref<625x16xf32, #tpu.memory_space<vmem>>, vector<1x16xf32>,
      %mul3A_193 = arith.constant 8 : i32
      %mul3A_194 = arith.muli %scan3A_182, %mul3A_193 : i32
      %add3A_195 = arith.constant 1 : i32
      %add3A_196 = arith.addi %mul3A_194, %add3A_195 : i32
      %swap3A_197 = arith.index_cast %add3A_196 : i32 to index
      %swap3A_198 = arith.constant 0 : index
      %swap3A_199 = tpu.vector_load %arg12[%swap3A_197, %swap3A_198] {strides = array<i32>} : memref<625x16xf32, #tpu.memory_space<vmem>>, vector<1x16xf32>,
      %swap3A_200 = vector.shape_cast %swap3A_199 : vector<1x16xf32> to vector<16xf32>
      %swap3A_201 = vector.shape_cast %broadcast_in_dim3A_14 : vector<16xf32> to vector<1x16xf32>
      tpu.vector_store %arg12[%swap3A_197, %swap3A_198], %swap3A_201 {strides = array<i32>} : memref<625x16xf32, #tpu.memory_space<vmem>>, vector<1x16xf32>,
      %mul3A_202 = arith.constant 8 : i32
      %mul3A_203 = arith.muli %scan3A_182, %mul3A_202 : i32
      %add3A_204 = arith.constant 2 : i32
      %add3A_205 = arith.addi %mul3A_203, %add3A_204 : i32
      %swap3A_206 = arith.index_cast %add3A_205 : i32 to index
      %swap3A_207 = arith.constant 0 : index
      %swap3A_208 = tpu.vector_load %arg12[%swap3A_206, %swap3A_207] {strides = array<i32>} : memref<625x16xf32, #tpu.memory_space<vmem>>, vector<1x16xf32>,
      %swap3A_209 = vector.shape_cast %swap3A_208 : vector<1x16xf32> to vector<16xf32>
      %swap3A_210 = vector.shape_cast %broadcast_in_dim3A_14 : vector<16xf32> to vector<1x16xf32>
      tpu.vector_store %arg12[%swap3A_206, %swap3A_207], %swap3A_210 {strides = array<i32>} : memref<625x16xf32, #tpu.memory_space<vmem>>, vector<1x16xf32>,
      %mul3A_211 = arith.constant 8 : i32
      %mul3A_212 = arith.muli %scan3A_182, %mul3A_211 : i32
      %add3A_213 = arith.constant 3 : i32
      %add3A_214 = arith.addi %mul3A_212, %add3A_213 : i32
      %swap3A_215 = arith.index_cast %add3A_214 : i32 to index
      %swap3A_216 = arith.constant 0 : index
      %swap3A_217 = tpu.vector_load %arg12[%swap3A_215, %swap3A_216] {strides = array<i32>} : memref<625x16xf32, #tpu.memory_space<vmem>>, vector<1x16xf32>,
      %swap3A_218 = vector.shape_cast %swap3A_217 : vector<1x16xf32> to vector<16xf32>
      %swap3A_219 = vector.shape_cast %broadcast_in_dim3A_14 : vector<16xf32> to vector<1x16xf32>
      tpu.vector_store %arg12[%swap3A_215, %swap3A_216], %swap3A_219 {strides = array<i32>} : memref<625x16xf32, #tpu.memory_space<vmem>>, vector<1x16xf32>,
      %mul3A_220 = arith.constant 8 : i32
      %mul3A_221 = arith.muli %scan3A_182, %mul3A_220 : i32
      %add3A_222 = arith.constant 4 : i32
      %add3A_223 = arith.addi %mul3A_221, %add3A_222 : i32
      %swap3A_224 = arith.index_cast %add3A_223 : i32 to index
      %swap3A_225 = arith.constant 0 : index
      %swap3A_226 = tpu.vector_load %arg12[%swap3A_224, %swap3A_225] {strides = array<i32>} : memref<625x16xf32, #tpu.memory_space<vmem>>, vector<1x16xf32>,
      %swap3A_227 = vector.shape_cast %swap3A_226 : vector<1x16xf32> to vector<16xf32>
      %swap3A_228 = vector.shape_cast %broadcast_in_dim3A_14 : vector<16xf32> to vector<1x16xf32>
      tpu.vector_store %arg12[%swap3A_224, %swap3A_225], %swap3A_228 {strides = array<i32>} : memref<625x16xf32, #tpu.memory_space<vmem>>, vector<1x16xf32>,
      %mul3A_229 = arith.constant 8 : i32
      %mul3A_230 = arith.muli %scan3A_182, %mul3A_229 : i32
      %add3A_231 = arith.constant 5 : i32
      %add3A_232 = arith.addi %mul3A_230, %add3A_231 : i32
      %swap3A_233 = arith.index_cast %add3A_232 : i32 to index
      %swap3A_234 = arith.constant 0 : index
      %swap3A_235 = tpu.vector_load %arg12[%swap3A_233, %swap3A_234] {strides = array<i32>} : memref<625x16xf32, #tpu.memory_space<vmem>>, vector<1x16xf32>,
      %swap3A_236 = vector.shape_cast %swap3A_235 : vector<1x16xf32> to vector<16xf32>
      %swap3A_237 = vector.shape_cast %broadcast_in_dim3A_14 : vector<16xf32> to vector<1x16xf32>
      tpu.vector_store %arg12[%swap3A_233, %swap3A_234], %swap3A_237 {strides = array<i32>} : memref<625x16xf32, #tpu.memory_space<vmem>>, vector<1x16xf32>,
      %mul3A_238 = arith.constant 8 : i32
      %mul3A_239 = arith.muli %scan3A_182, %mul3A_238 : i32
      %add3A_240 = arith.constant 6 : i32
      %add3A_241 = arith.addi %mul3A_239, %add3A_240 : i32
      %swap3A_242 = arith.index_cast %add3A_241 : i32 to index
      %swap3A_243 = arith.constant 0 : index
      %swap3A_244 = tpu.vector_load %arg12[%swap3A_242, %swap3A_243] {strides = array<i32>} : memref<625x16xf32, #tpu.memory_space<vmem>>, vector<1x16xf32>,
      %swap3A_245 = vector.shape_cast %swap3A_244 : vector<1x16xf32> to vector<16xf32>
      %swap3A_246 = vector.shape_cast %broadcast_in_dim3A_14 : vector<16xf32> to vector<1x16xf32>
      tpu.vector_store %arg12[%swap3A_242, %swap3A_243], %swap3A_246 {strides = array<i32>} : memref<625x16xf32, #tpu.memory_space<vmem>>, vector<1x16xf32>,
      %mul3A_247 = arith.constant 8 : i32
      %mul3A_248 = arith.muli %scan3A_182, %mul3A_247 : i32
      %add3A_249 = arith.constant 7 : i32
      %add3A_250 = arith.addi %mul3A_248, %add3A_249 : i32
      %swap3A_251 = arith.index_cast %add3A_250 : i32 to index
      %swap3A_252 = arith.constant 0 : index
      %swap3A_253 = tpu.vector_load %arg12[%swap3A_251, %swap3A_252] {strides = array<i32>} : memref<625x16xf32, #tpu.memory_space<vmem>>, vector<1x16xf32>,
      %swap3A_254 = vector.shape_cast %swap3A_253 : vector<1x16xf32> to vector<16xf32>
      %swap3A_255 = vector.shape_cast %broadcast_in_dim3A_14 : vector<16xf32> to vector<1x16xf32>
      tpu.vector_store %arg12[%swap3A_251, %swap3A_252], %swap3A_255 {strides = array<i32>} : memref<625x16xf32, #tpu.memory_space<vmem>>, vector<1x16xf32>,
      %scan3A_256 = arith.constant 0 : i32
      scf.yield %scan3A_256 : i32
    }
    %scan3A_21 = arith.constant 78 : i32
    %swap3A = arith.constant 624 : i32
    %swap3A_22 = arith.index_cast %swap3A : i32 to index
    %swap3A_23 = arith.constant 0 : index
    %swap3A_24 = tpu.vector_load %arg12[%swap3A_22, %swap3A_23] {strides = array<i32>} : memref<625x16xf32, #tpu.memory_space<vmem>>, vector<1x16xf32>,
    %swap3A_25 = vector.shape_cast %swap3A_24 : vector<1x16xf32> to vector<16xf32>
    %swap3A_26 = vector.shape_cast %broadcast_in_dim3A_14 : vector<16xf32> to vector<1x16xf32>
    tpu.vector_store %arg12[%swap3A_22, %swap3A_23], %swap3A_26 {strides = array<i32>} : memref<625x16xf32, #tpu.memory_space<vmem>>, vector<1x16xf32>,
    %eq3A = arith.constant 0 : i32
    %eq3A_27 = arith.cmpi eq, %arg0, %eq3A : i32
    %convert_element_type3A = arith.extui %eq3A_27 : i1 to i32
    %cond3A = arith.constant 0 : i32
    %cond3A_28 = arith.cmpi ne, %convert_element_type3A, %cond3A : i32
    scf.if %cond3A_28 {
      "tpu.region"() ({
        %run_scoped3A_182 = tpu.sem_alloc : memref<!tpu.dma_semaphore, #tpu.memory_space<semaphore_mem>>
        %dma_start3A_183 = arith.constant 0 : i32
        %dma_start3A_184 = tpu.memref_slice %arg16[%mul3A_6, %dma_start3A_183] : memref<10000x16xf32, #tpu.memory_space<vmem_shared>> -> memref<625x16xf32, #tpu.memory_space<vmem_shared>>
        %dma_start3A_185 = arith.constant 0 : i32
        %dma_start3A_186 = tpu.memref_slice %arg16[%mul3A_6, %dma_start3A_185] : memref<10000x16xf32, #tpu.memory_space<vmem_shared>> -> memref<625x16xf32, #tpu.memory_space<vmem_shared>>
        tpu.enqueue_dma source(%arg15 : memref<625x16xf32, #tpu.memory_space<vmem>>) target(%dma_start3A_186 : memref<625x16xf32, #tpu.memory_space<vmem_shared>>) target_semaphore(%run_scoped3A_182 : memref<!tpu.dma_semaphore, #tpu.memory_space<semaphore_mem>>)
        %dma_wait3A_187 = arith.constant 0 : i32
        %dma_wait3A_188 = tpu.memref_slice %arg16[%mul3A_6, %dma_wait3A_187] : memref<10000x16xf32, #tpu.memory_space<vmem_shared>> -> memref<625x16xf32, #tpu.memory_space<vmem_shared>>
        %dma_wait3A_189 = arith.constant 0 : i32
        %dma_wait3A_190 = tpu.memref_slice %arg16[%mul3A_6, %dma_wait3A_189] : memref<10000x16xf32, #tpu.memory_space<vmem_shared>> -> memref<625x16xf32, #tpu.memory_space<vmem_shared>>
        tpu.wait_dma2 semaphore(%run_scoped3A_182 : memref<!tpu.dma_semaphore, #tpu.memory_space<semaphore_mem>>) src(%arg15 : memref<625x16xf32, #tpu.memory_space<vmem>>) dst(%dma_wait3A_190 : memref<625x16xf32, #tpu.memory_space<vmem_shared>>)
        tpu.yield
      }) : () -> ()
    } else {
    }
    %ne3A = arith.constant 0 : i32
    %ne3A_29 = arith.cmpi ne, %arg0, %ne3A : i32
    %convert_element_type3A_30 = arith.extui %ne3A_29 : i1 to i32
    %cond3A_31 = arith.constant 0 : i32
    %cond3A_32 = arith.cmpi ne, %convert_element_type3A_30, %cond3A_31 : i32
    scf.if %cond3A_32 {
      "tpu.region"() ({
        %run_scoped3A_182 = tpu.sem_alloc : memref<!tpu.dma_semaphore, #tpu.memory_space<semaphore_mem>>
        %dma_start3A_183 = arith.constant 0 : i32
        %dma_start3A_184 = tpu.memref_slice %arg16[%mul3A_6, %dma_start3A_183] : memref<10000x16xf32, #tpu.memory_space<vmem_shared>> -> memref<625x16xf32, #tpu.memory_space<vmem_shared>>
        %dma_start3A_185 = arith.constant 0 : i32
        %dma_start3A_186 = tpu.memref_slice %arg16[%mul3A_6, %dma_start3A_185] : memref<10000x16xf32, #tpu.memory_space<vmem_shared>> -> memref<625x16xf32, #tpu.memory_space<vmem_shared>>
        tpu.enqueue_dma source(%arg12 : memref<625x16xf32, #tpu.memory_space<vmem>>) target(%dma_start3A_186 : memref<625x16xf32, #tpu.memory_space<vmem_shared>>) target_semaphore(%run_scoped3A_182 : memref<!tpu.dma_semaphore, #tpu.memory_space<semaphore_mem>>)
        %dma_wait3A_187 = arith.constant 0 : i32
        %dma_wait3A_188 = tpu.memref_slice %arg16[%mul3A_6, %dma_wait3A_187] : memref<10000x16xf32, #tpu.memory_space<vmem_shared>> -> memref<625x16xf32, #tpu.memory_space<vmem_shared>>
        %dma_wait3A_189 = arith.constant 0 : i32
        %dma_wait3A_190 = tpu.memref_slice %arg16[%mul3A_6, %dma_wait3A_189] : memref<10000x16xf32, #tpu.memory_space<vmem_shared>> -> memref<625x16xf32, #tpu.memory_space<vmem_shared>>
        tpu.wait_dma2 semaphore(%run_scoped3A_182 : memref<!tpu.dma_semaphore, #tpu.memory_space<semaphore_mem>>) src(%arg12 : memref<625x16xf32, #tpu.memory_space<vmem>>) dst(%dma_wait3A_190 : memref<625x16xf32, #tpu.memory_space<vmem_shared>>)
        tpu.yield
      }) : () -> ()
    } else {
    }
    %barrier3A = arith.constant 0 : index
    tpu.barrier barrier_id(%barrier3A)
    %dma_start3A = arith.constant 0 : i32
    %dma_start3A_33 = arith.constant 0 : i32
    %dma_start3A_34 = tpu.memref_slice %arg8[%dma_start3A, %dma_start3A_33] : memref<10x1000xi32, #tpu.memory_space<vmem>> -> memref<1x1000xi32, #tpu.memory_space<vmem>>
    %dma_start3A_35 = tpu.memref_squeeze %dma_start3A_34 : memref<1x1000xi32, #tpu.memory_space<vmem>> -> memref<1000xi32, #tpu.memory_space<vmem>>
    %dma_start3A_36 = arith.constant 0 : i32
    %dma_start3A_37 = arith.constant 0 : i32
    %dma_start3A_38 = tpu.memref_slice %arg17[%dma_start3A_36, %dma_start3A_37] : memref<10000x16xf32, #tpu.memory_space<vmem_shared>> -> memref<10000x16xf32, #tpu.memory_space<vmem_shared>>
    tpu.enqueue_indirect_dma source(%dma_start3A_38 : memref<10000x16xf32, #tpu.memory_space<vmem_shared>>) target(%arg10 : memref<1000x16xf32, #tpu.memory_space<vmem>>) offsets(%dma_start3A_35 : memref<1000xi32, #tpu.memory_space<vmem>>) semaphore(%arg18 : memref<!tpu.dma_semaphore, #tpu.memory_space<semaphore_mem>>)
    %dma_start3A_39 = arith.constant 1 : i32
    %dma_start3A_40 = arith.constant 0 : i32
    %dma_start3A_41 = tpu.memref_slice %arg8[%dma_start3A_39, %dma_start3A_40] : memref<10x1000xi32, #tpu.memory_space<vmem>> -> memref<1x1000xi32, #tpu.memory_space<vmem>>
    %dma_start3A_42 = tpu.memref_squeeze %dma_start3A_41 : memref<1x1000xi32, #tpu.memory_space<vmem>> -> memref<1000xi32, #tpu.memory_space<vmem>>
    %dma_start3A_43 = arith.constant 0 : i32
    %dma_start3A_44 = arith.constant 0 : i32
    %dma_start3A_45 = tpu.memref_slice %arg17[%dma_start3A_43, %dma_start3A_44] : memref<10000x16xf32, #tpu.memory_space<vmem_shared>> -> memref<10000x16xf32, #tpu.memory_space<vmem_shared>>
    tpu.enqueue_indirect_dma source(%dma_start3A_45 : memref<10000x16xf32, #tpu.memory_space<vmem_shared>>) target(%arg11 : memref<1000x16xf32, #tpu.memory_space<vmem>>) offsets(%dma_start3A_42 : memref<1000xi32, #tpu.memory_space<vmem>>) semaphore(%arg19 : memref<!tpu.dma_semaphore, #tpu.memory_space<semaphore_mem>>)
    %dma_wait3A = arith.constant 0 : i32
    %dma_wait3A_46 = arith.constant 0 : i32
    %dma_wait3A_47 = tpu.memref_slice %arg8[%dma_wait3A, %dma_wait3A_46] : memref<10x1000xi32, #tpu.memory_space<vmem>> -> memref<1x1000xi32, #tpu.memory_space<vmem>>
    %dma_wait3A_48 = tpu.memref_squeeze %dma_wait3A_47 : memref<1x1000xi32, #tpu.memory_space<vmem>> -> memref<1000xi32, #tpu.memory_space<vmem>>
    %dma_wait3A_49 = arith.constant 0 : i32
    %dma_wait3A_50 = arith.constant 0 : i32
    %dma_wait3A_51 = tpu.memref_slice %arg17[%dma_wait3A_49, %dma_wait3A_50] : memref<10000x16xf32, #tpu.memory_space<vmem_shared>> -> memref<10000x16xf32, #tpu.memory_space<vmem_shared>>
    tpu.wait_indirect_dma semaphore(%arg18 : memref<!tpu.dma_semaphore, #tpu.memory_space<semaphore_mem>>) src(%dma_wait3A_51 : memref<10000x16xf32, #tpu.memory_space<vmem_shared>>) dst(%arg10 : memref<1000x16xf32, #tpu.memory_space<vmem>>)
    %run_scoped3A_52 = arith.constant 0 : i32
    "tpu.region"() ({
      %run_scoped3A_182 = tpu.sem_alloc : memref<!tpu.dma_semaphore, #tpu.memory_space<semaphore_mem>>
      %dma_start3A_183 = arith.constant 0 : i32
      %dma_start3A_184 = tpu.memref_slice %arg9[%run_scoped3A_52, %dma_start3A_183] : memref<10x1000xi32, #tpu.memory_space<vmem>> -> memref<1x1000xi32, #tpu.memory_space<vmem>>
      %dma_start3A_185 = tpu.memref_squeeze %dma_start3A_184 : memref<1x1000xi32, #tpu.memory_space<vmem>> -> memref<1000xi32, #tpu.memory_space<vmem>>
      %dma_start3A_186 = arith.constant 0 : i32
      %dma_start3A_187 = arith.constant 0 : i32
      %dma_start3A_188 = tpu.memref_slice %arg16[%dma_start3A_186, %dma_start3A_187] : memref<10000x16xf32, #tpu.memory_space<vmem_shared>> -> memref<10000x16xf32, #tpu.memory_space<vmem_shared>>
      tpu.enqueue_indirect_dma source(%arg10 : memref<1000x16xf32, #tpu.memory_space<vmem>>) target(%dma_start3A_188 : memref<10000x16xf32, #tpu.memory_space<vmem_shared>>) offsets(%dma_start3A_185 : memref<1000xi32, #tpu.memory_space<vmem>>) semaphore(%run_scoped3A_182 : memref<!tpu.dma_semaphore, #tpu.memory_space<semaphore_mem>>) {add = true}
      %dma_wait3A_189 = arith.constant 0 : i32
      %dma_wait3A_190 = tpu.memref_slice %arg9[%run_scoped3A_52, %dma_wait3A_189] : memref<10x1000xi32, #tpu.memory_space<vmem>> -> memref<1x1000xi32, #tpu.memory_space<vmem>>
      %dma_wait3A_191 = tpu.memref_squeeze %dma_wait3A_190 : memref<1x1000xi32, #tpu.memory_space<vmem>> -> memref<1000xi32, #tpu.memory_space<vmem>>
      %dma_wait3A_192 = arith.constant 0 : i32
      %dma_wait3A_193 = arith.constant 0 : i32
      %dma_wait3A_194 = tpu.memref_slice %arg16[%dma_wait3A_192, %dma_wait3A_193] : memref<10000x16xf32, #tpu.memory_space<vmem_shared>> -> memref<10000x16xf32, #tpu.memory_space<vmem_shared>>
      tpu.wait_indirect_dma semaphore(%run_scoped3A_182 : memref<!tpu.dma_semaphore, #tpu.memory_space<semaphore_mem>>) src(%arg10 : memref<1000x16xf32, #tpu.memory_space<vmem>>) dst(%dma_wait3A_194 : memref<10000x16xf32, #tpu.memory_space<vmem_shared>>)
      tpu.yield
    }) : () -> ()
    %dma_start3A_53 = arith.constant 2 : i32
    %dma_start3A_54 = arith.constant 0 : i32
    %dma_start3A_55 = tpu.memref_slice %arg8[%dma_start3A_53, %dma_start3A_54] : memref<10x1000xi32, #tpu.memory_space<vmem>> -> memref<1x1000xi32, #tpu.memory_space<vmem>>
    %dma_start3A_56 = tpu.memref_squeeze %dma_start3A_55 : memref<1x1000xi32, #tpu.memory_space<vmem>> -> memref<1000xi32, #tpu.memory_space<vmem>>
    %dma_start3A_57 = arith.constant 0 : i32
    %dma_start3A_58 = arith.constant 0 : i32
    %dma_start3A_59 = tpu.memref_slice %arg17[%dma_start3A_57, %dma_start3A_58] : memref<10000x16xf32, #tpu.memory_space<vmem_shared>> -> memref<10000x16xf32, #tpu.memory_space<vmem_shared>>
    tpu.enqueue_indirect_dma source(%dma_start3A_59 : memref<10000x16xf32, #tpu.memory_space<vmem_shared>>) target(%arg10 : memref<1000x16xf32, #tpu.memory_space<vmem>>) offsets(%dma_start3A_56 : memref<1000xi32, #tpu.memory_space<vmem>>) semaphore(%arg18 : memref<!tpu.dma_semaphore, #tpu.memory_space<semaphore_mem>>)
    %dma_wait3A_60 = arith.constant 1 : i32
    %dma_wait3A_61 = arith.constant 0 : i32
    %dma_wait3A_62 = tpu.memref_slice %arg8[%dma_wait3A_60, %dma_wait3A_61] : memref<10x1000xi32, #tpu.memory_space<vmem>> -> memref<1x1000xi32, #tpu.memory_space<vmem>>
    %dma_wait3A_63 = tpu.memref_squeeze %dma_wait3A_62 : memref<1x1000xi32, #tpu.memory_space<vmem>> -> memref<1000xi32, #tpu.memory_space<vmem>>
    %dma_wait3A_64 = arith.constant 0 : i32
    %dma_wait3A_65 = arith.constant 0 : i32
    %dma_wait3A_66 = tpu.memref_slice %arg17[%dma_wait3A_64, %dma_wait3A_65] : memref<10000x16xf32, #tpu.memory_space<vmem_shared>> -> memref<10000x16xf32, #tpu.memory_space<vmem_shared>>
    tpu.wait_indirect_dma semaphore(%arg19 : memref<!tpu.dma_semaphore, #tpu.memory_space<semaphore_mem>>) src(%dma_wait3A_66 : memref<10000x16xf32, #tpu.memory_space<vmem_shared>>) dst(%arg11 : memref<1000x16xf32, #tpu.memory_space<vmem>>)
    %run_scoped3A_67 = arith.constant 1 : i32
    "tpu.region"() ({
      %run_scoped3A_182 = tpu.sem_alloc : memref<!tpu.dma_semaphore, #tpu.memory_space<semaphore_mem>>
      %dma_start3A_183 = arith.constant 0 : i32
      %dma_start3A_184 = tpu.memref_slice %arg9[%run_scoped3A_67, %dma_start3A_183] : memref<10x1000xi32, #tpu.memory_space<vmem>> -> memref<1x1000xi32, #tpu.memory_space<vmem>>
      %dma_start3A_185 = tpu.memref_squeeze %dma_start3A_184 : memref<1x1000xi32, #tpu.memory_space<vmem>> -> memref<1000xi32, #tpu.memory_space<vmem>>
      %dma_start3A_186 = arith.constant 0 : i32
      %dma_start3A_187 = arith.constant 0 : i32
      %dma_start3A_188 = tpu.memref_slice %arg16[%dma_start3A_186, %dma_start3A_187] : memref<10000x16xf32, #tpu.memory_space<vmem_shared>> -> memref<10000x16xf32, #tpu.memory_space<vmem_shared>>
      tpu.enqueue_indirect_dma source(%arg11 : memref<1000x16xf32, #tpu.memory_space<vmem>>) target(%dma_start3A_188 : memref<10000x16xf32, #tpu.memory_space<vmem_shared>>) offsets(%dma_start3A_185 : memref<1000xi32, #tpu.memory_space<vmem>>) semaphore(%run_scoped3A_182 : memref<!tpu.dma_semaphore, #tpu.memory_space<semaphore_mem>>) {add = true}
      %dma_wait3A_189 = arith.constant 0 : i32
      %dma_wait3A_190 = tpu.memref_slice %arg9[%run_scoped3A_67, %dma_wait3A_189] : memref<10x1000xi32, #tpu.memory_space<vmem>> -> memref<1x1000xi32, #tpu.memory_space<vmem>>
      %dma_wait3A_191 = tpu.memref_squeeze %dma_wait3A_190 : memref<1x1000xi32, #tpu.memory_space<vmem>> -> memref<1000xi32, #tpu.memory_space<vmem>>
      %dma_wait3A_192 = arith.constant 0 : i32
      %dma_wait3A_193 = arith.constant 0 : i32
      %dma_wait3A_194 = tpu.memref_slice %arg16[%dma_wait3A_192, %dma_wait3A_193] : memref<10000x16xf32, #tpu.memory_space<vmem_shared>> -> memref<10000x16xf32, #tpu.memory_space<vmem_shared>>
      tpu.wait_indirect_dma semaphore(%run_scoped3A_182 : memref<!tpu.dma_semaphore, #tpu.memory_space<semaphore_mem>>) src(%arg11 : memref<1000x16xf32, #tpu.memory_space<vmem>>) dst(%dma_wait3A_194 : memref<10000x16xf32, #tpu.memory_space<vmem_shared>>)
      tpu.yield
    }) : () -> ()
    %dma_start3A_68 = arith.constant 3 : i32
    %dma_start3A_69 = arith.constant 0 : i32
    %dma_start3A_70 = tpu.memref_slice %arg8[%dma_start3A_68, %dma_start3A_69] : memref<10x1000xi32, #tpu.memory_space<vmem>> -> memref<1x1000xi32, #tpu.memory_space<vmem>>
    %dma_start3A_71 = tpu.memref_squeeze %dma_start3A_70 : memref<1x1000xi32, #tpu.memory_space<vmem>> -> memref<1000xi32, #tpu.memory_space<vmem>>
    %dma_start3A_72 = arith.constant 0 : i32
    %dma_start3A_73 = arith.constant 0 : i32
    %dma_start3A_74 = tpu.memref_slice %arg17[%dma_start3A_72, %dma_start3A_73] : memref<10000x16xf32, #tpu.memory_space<vmem_shared>> -> memref<10000x16xf32, #tpu.memory_space<vmem_shared>>
    tpu.enqueue_indirect_dma source(%dma_start3A_74 : memref<10000x16xf32, #tpu.memory_space<vmem_shared>>) target(%arg11 : memref<1000x16xf32, #tpu.memory_space<vmem>>) offsets(%dma_start3A_71 : memref<1000xi32, #tpu.memory_space<vmem>>) semaphore(%arg19 : memref<!tpu.dma_semaphore, #tpu.memory_space<semaphore_mem>>)
    %dma_wait3A_75 = arith.constant 2 : i32
    %dma_wait3A_76 = arith.constant 0 : i32
    %dma_wait3A_77 = tpu.memref_slice %arg8[%dma_wait3A_75, %dma_wait3A_76] : memref<10x1000xi32, #tpu.memory_space<vmem>> -> memref<1x1000xi32, #tpu.memory_space<vmem>>
    %dma_wait3A_78 = tpu.memref_squeeze %dma_wait3A_77 : memref<1x1000xi32, #tpu.memory_space<vmem>> -> memref<1000xi32, #tpu.memory_space<vmem>>
    %dma_wait3A_79 = arith.constant 0 : i32
    %dma_wait3A_80 = arith.constant 0 : i32
    %dma_wait3A_81 = tpu.memref_slice %arg17[%dma_wait3A_79, %dma_wait3A_80] : memref<10000x16xf32, #tpu.memory_space<vmem_shared>> -> memref<10000x16xf32, #tpu.memory_space<vmem_shared>>
    tpu.wait_indirect_dma semaphore(%arg18 : memref<!tpu.dma_semaphore, #tpu.memory_space<semaphore_mem>>) src(%dma_wait3A_81 : memref<10000x16xf32, #tpu.memory_space<vmem_shared>>) dst(%arg10 : memref<1000x16xf32, #tpu.memory_space<vmem>>)
    %run_scoped3A_82 = arith.constant 2 : i32
    "tpu.region"() ({
      %run_scoped3A_182 = tpu.sem_alloc : memref<!tpu.dma_semaphore, #tpu.memory_space<semaphore_mem>>
      %dma_start3A_183 = arith.constant 0 : i32
      %dma_start3A_184 = tpu.memref_slice %arg9[%run_scoped3A_82, %dma_start3A_183] : memref<10x1000xi32, #tpu.memory_space<vmem>> -> memref<1x1000xi32, #tpu.memory_space<vmem>>
      %dma_start3A_185 = tpu.memref_squeeze %dma_start3A_184 : memref<1x1000xi32, #tpu.memory_space<vmem>> -> memref<1000xi32, #tpu.memory_space<vmem>>
      %dma_start3A_186 = arith.constant 0 : i32
      %dma_start3A_187 = arith.constant 0 : i32
      %dma_start3A_188 = tpu.memref_slice %arg16[%dma_start3A_186, %dma_start3A_187] : memref<10000x16xf32, #tpu.memory_space<vmem_shared>> -> memref<10000x16xf32, #tpu.memory_space<vmem_shared>>
      tpu.enqueue_indirect_dma source(%arg10 : memref<1000x16xf32, #tpu.memory_space<vmem>>) target(%dma_start3A_188 : memref<10000x16xf32, #tpu.memory_space<vmem_shared>>) offsets(%dma_start3A_185 : memref<1000xi32, #tpu.memory_space<vmem>>) semaphore(%run_scoped3A_182 : memref<!tpu.dma_semaphore, #tpu.memory_space<semaphore_mem>>) {add = true}
      %dma_wait3A_189 = arith.constant 0 : i32
      %dma_wait3A_190 = tpu.memref_slice %arg9[%run_scoped3A_82, %dma_wait3A_189] : memref<10x1000xi32, #tpu.memory_space<vmem>> -> memref<1x1000xi32, #tpu.memory_space<vmem>>
      %dma_wait3A_191 = tpu.memref_squeeze %dma_wait3A_190 : memref<1x1000xi32, #tpu.memory_space<vmem>> -> memref<1000xi32, #tpu.memory_space<vmem>>
      %dma_wait3A_192 = arith.constant 0 : i32
      %dma_wait3A_193 = arith.constant 0 : i32
      %dma_wait3A_194 = tpu.memref_slice %arg16[%dma_wait3A_192, %dma_wait3A_193] : memref<10000x16xf32, #tpu.memory_space<vmem_shared>> -> memref<10000x16xf32, #tpu.memory_space<vmem_shared>>
      tpu.wait_indirect_dma semaphore(%run_scoped3A_182 : memref<!tpu.dma_semaphore, #tpu.memory_space<semaphore_mem>>) src(%arg10 : memref<1000x16xf32, #tpu.memory_space<vmem>>) dst(%dma_wait3A_194 : memref<10000x16xf32, #tpu.memory_space<vmem_shared>>)
      tpu.yield
    }) : () -> ()
    %dma_start3A_83 = arith.constant 4 : i32
    %dma_start3A_84 = arith.constant 0 : i32
    %dma_start3A_85 = tpu.memref_slice %arg8[%dma_start3A_83, %dma_start3A_84] : memref<10x1000xi32, #tpu.memory_space<vmem>> -> memref<1x1000xi32, #tpu.memory_space<vmem>>
    %dma_start3A_86 = tpu.memref_squeeze %dma_start3A_85 : memref<1x1000xi32, #tpu.memory_space<vmem>> -> memref<1000xi32, #tpu.memory_space<vmem>>
    %dma_start3A_87 = arith.constant 0 : i32
    %dma_start3A_88 = arith.constant 0 : i32
    %dma_start3A_89 = tpu.memref_slice %arg17[%dma_start3A_87, %dma_start3A_88] : memref<10000x16xf32, #tpu.memory_space<vmem_shared>> -> memref<10000x16xf32, #tpu.memory_space<vmem_shared>>
    tpu.enqueue_indirect_dma source(%dma_start3A_89 : memref<10000x16xf32, #tpu.memory_space<vmem_shared>>) target(%arg10 : memref<1000x16xf32, #tpu.memory_space<vmem>>) offsets(%dma_start3A_86 : memref<1000xi32, #tpu.memory_space<vmem>>) semaphore(%arg18 : memref<!tpu.dma_semaphore, #tpu.memory_space<semaphore_mem>>)
    %dma_wait3A_90 = arith.constant 3 : i32
    %dma_wait3A_91 = arith.constant 0 : i32
    %dma_wait3A_92 = tpu.memref_slice %arg8[%dma_wait3A_90, %dma_wait3A_91] : memref<10x1000xi32, #tpu.memory_space<vmem>> -> memref<1x1000xi32, #tpu.memory_space<vmem>>
    %dma_wait3A_93 = tpu.memref_squeeze %dma_wait3A_92 : memref<1x1000xi32, #tpu.memory_space<vmem>> -> memref<1000xi32, #tpu.memory_space<vmem>>
    %dma_wait3A_94 = arith.constant 0 : i32
    %dma_wait3A_95 = arith.constant 0 : i32
    %dma_wait3A_96 = tpu.memref_slice %arg17[%dma_wait3A_94, %dma_wait3A_95] : memref<10000x16xf32, #tpu.memory_space<vmem_shared>> -> memref<10000x16xf32, #tpu.memory_space<vmem_shared>>
    tpu.wait_indirect_dma semaphore(%arg19 : memref<!tpu.dma_semaphore, #tpu.memory_space<semaphore_mem>>) src(%dma_wait3A_96 : memref<10000x16xf32, #tpu.memory_space<vmem_shared>>) dst(%arg11 : memref<1000x16xf32, #tpu.memory_space<vmem>>)
    %run_scoped3A_97 = arith.constant 3 : i32
    "tpu.region"() ({
      %run_scoped3A_182 = tpu.sem_alloc : memref<!tpu.dma_semaphore, #tpu.memory_space<semaphore_mem>>
      %dma_start3A_183 = arith.constant 0 : i32
      %dma_start3A_184 = tpu.memref_slice %arg9[%run_scoped3A_97, %dma_start3A_183] : memref<10x1000xi32, #tpu.memory_space<vmem>> -> memref<1x1000xi32, #tpu.memory_space<vmem>>
      %dma_start3A_185 = tpu.memref_squeeze %dma_start3A_184 : memref<1x1000xi32, #tpu.memory_space<vmem>> -> memref<1000xi32, #tpu.memory_space<vmem>>
      %dma_start3A_186 = arith.constant 0 : i32
      %dma_start3A_187 = arith.constant 0 : i32
      %dma_start3A_188 = tpu.memref_slice %arg16[%dma_start3A_186, %dma_start3A_187] : memref<10000x16xf32, #tpu.memory_space<vmem_shared>> -> memref<10000x16xf32, #tpu.memory_space<vmem_shared>>
      tpu.enqueue_indirect_dma source(%arg11 : memref<1000x16xf32, #tpu.memory_space<vmem>>) target(%dma_start3A_188 : memref<10000x16xf32, #tpu.memory_space<vmem_shared>>) offsets(%dma_start3A_185 : memref<1000xi32, #tpu.memory_space<vmem>>) semaphore(%run_scoped3A_182 : memref<!tpu.dma_semaphore, #tpu.memory_space<semaphore_mem>>) {add = true}
      %dma_wait3A_189 = arith.constant 0 : i32
      %dma_wait3A_190 = tpu.memref_slice %arg9[%run_scoped3A_97, %dma_wait3A_189] : memref<10x1000xi32, #tpu.memory_space<vmem>> -> memref<1x1000xi32, #tpu.memory_space<vmem>>
      %dma_wait3A_191 = tpu.memref_squeeze %dma_wait3A_190 : memref<1x1000xi32, #tpu.memory_space<vmem>> -> memref<1000xi32, #tpu.memory_space<vmem>>
      %dma_wait3A_192 = arith.constant 0 : i32
      %dma_wait3A_193 = arith.constant 0 : i32
      %dma_wait3A_194 = tpu.memref_slice %arg16[%dma_wait3A_192, %dma_wait3A_193] : memref<10000x16xf32, #tpu.memory_space<vmem_shared>> -> memref<10000x16xf32, #tpu.memory_space<vmem_shared>>
      tpu.wait_indirect_dma semaphore(%run_scoped3A_182 : memref<!tpu.dma_semaphore, #tpu.memory_space<semaphore_mem>>) src(%arg11 : memref<1000x16xf32, #tpu.memory_space<vmem>>) dst(%dma_wait3A_194 : memref<10000x16xf32, #tpu.memory_space<vmem_shared>>)
      tpu.yield
    }) : () -> ()
    %dma_start3A_98 = arith.constant 5 : i32
    %dma_start3A_99 = arith.constant 0 : i32
    %dma_start3A_100 = tpu.memref_slice %arg8[%dma_start3A_98, %dma_start3A_99] : memref<10x1000xi32, #tpu.memory_space<vmem>> -> memref<1x1000xi32, #tpu.memory_space<vmem>>
    %dma_start3A_101 = tpu.memref_squeeze %dma_start3A_100 : memref<1x1000xi32, #tpu.memory_space<vmem>> -> memref<1000xi32, #tpu.memory_space<vmem>>
    %dma_start3A_102 = arith.constant 0 : i32
    %dma_start3A_103 = arith.constant 0 : i32
    %dma_start3A_104 = tpu.memref_slice %arg17[%dma_start3A_102, %dma_start3A_103] : memref<10000x16xf32, #tpu.memory_space<vmem_shared>> -> memref<10000x16xf32, #tpu.memory_space<vmem_shared>>
    tpu.enqueue_indirect_dma source(%dma_start3A_104 : memref<10000x16xf32, #tpu.memory_space<vmem_shared>>) target(%arg11 : memref<1000x16xf32, #tpu.memory_space<vmem>>) offsets(%dma_start3A_101 : memref<1000xi32, #tpu.memory_space<vmem>>) semaphore(%arg19 : memref<!tpu.dma_semaphore, #tpu.memory_space<semaphore_mem>>)
    %dma_wait3A_105 = arith.constant 4 : i32
    %dma_wait3A_106 = arith.constant 0 : i32
    %dma_wait3A_107 = tpu.memref_slice %arg8[%dma_wait3A_105, %dma_wait3A_106] : memref<10x1000xi32, #tpu.memory_space<vmem>> -> memref<1x1000xi32, #tpu.memory_space<vmem>>
    %dma_wait3A_108 = tpu.memref_squeeze %dma_wait3A_107 : memref<1x1000xi32, #tpu.memory_space<vmem>> -> memref<1000xi32, #tpu.memory_space<vmem>>
    %dma_wait3A_109 = arith.constant 0 : i32
    %dma_wait3A_110 = arith.constant 0 : i32
    %dma_wait3A_111 = tpu.memref_slice %arg17[%dma_wait3A_109, %dma_wait3A_110] : memref<10000x16xf32, #tpu.memory_space<vmem_shared>> -> memref<10000x16xf32, #tpu.memory_space<vmem_shared>>
    tpu.wait_indirect_dma semaphore(%arg18 : memref<!tpu.dma_semaphore, #tpu.memory_space<semaphore_mem>>) src(%dma_wait3A_111 : memref<10000x16xf32, #tpu.memory_space<vmem_shared>>) dst(%arg10 : memref<1000x16xf32, #tpu.memory_space<vmem>>)
    %run_scoped3A_112 = arith.constant 4 : i32
    "tpu.region"() ({
      %run_scoped3A_182 = tpu.sem_alloc : memref<!tpu.dma_semaphore, #tpu.memory_space<semaphore_mem>>
      %dma_start3A_183 = arith.constant 0 : i32
      %dma_start3A_184 = tpu.memref_slice %arg9[%run_scoped3A_112, %dma_start3A_183] : memref<10x1000xi32, #tpu.memory_space<vmem>> -> memref<1x1000xi32, #tpu.memory_space<vmem>>
      %dma_start3A_185 = tpu.memref_squeeze %dma_start3A_184 : memref<1x1000xi32, #tpu.memory_space<vmem>> -> memref<1000xi32, #tpu.memory_space<vmem>>
      %dma_start3A_186 = arith.constant 0 : i32
      %dma_start3A_187 = arith.constant 0 : i32
      %dma_start3A_188 = tpu.memref_slice %arg16[%dma_start3A_186, %dma_start3A_187] : memref<10000x16xf32, #tpu.memory_space<vmem_shared>> -> memref<10000x16xf32, #tpu.memory_space<vmem_shared>>
      tpu.enqueue_indirect_dma source(%arg10 : memref<1000x16xf32, #tpu.memory_space<vmem>>) target(%dma_start3A_188 : memref<10000x16xf32, #tpu.memory_space<vmem_shared>>) offsets(%dma_start3A_185 : memref<1000xi32, #tpu.memory_space<vmem>>) semaphore(%run_scoped3A_182 : memref<!tpu.dma_semaphore, #tpu.memory_space<semaphore_mem>>) {add = true}
      %dma_wait3A_189 = arith.constant 0 : i32
      %dma_wait3A_190 = tpu.memref_slice %arg9[%run_scoped3A_112, %dma_wait3A_189] : memref<10x1000xi32, #tpu.memory_space<vmem>> -> memref<1x1000xi32, #tpu.memory_space<vmem>>
      %dma_wait3A_191 = tpu.memref_squeeze %dma_wait3A_190 : memref<1x1000xi32, #tpu.memory_space<vmem>> -> memref<1000xi32, #tpu.memory_space<vmem>>
      %dma_wait3A_192 = arith.constant 0 : i32
      %dma_wait3A_193 = arith.constant 0 : i32
      %dma_wait3A_194 = tpu.memref_slice %arg16[%dma_wait3A_192, %dma_wait3A_193] : memref<10000x16xf32, #tpu.memory_space<vmem_shared>> -> memref<10000x16xf32, #tpu.memory_space<vmem_shared>>
      tpu.wait_indirect_dma semaphore(%run_scoped3A_182 : memref<!tpu.dma_semaphore, #tpu.memory_space<semaphore_mem>>) src(%arg10 : memref<1000x16xf32, #tpu.memory_space<vmem>>) dst(%dma_wait3A_194 : memref<10000x16xf32, #tpu.memory_space<vmem_shared>>)
      tpu.yield
    }) : () -> ()
    %dma_start3A_113 = arith.constant 6 : i32
    %dma_start3A_114 = arith.constant 0 : i32
    %dma_start3A_115 = tpu.memref_slice %arg8[%dma_start3A_113, %dma_start3A_114] : memref<10x1000xi32, #tpu.memory_space<vmem>> -> memref<1x1000xi32, #tpu.memory_space<vmem>>
    %dma_start3A_116 = tpu.memref_squeeze %dma_start3A_115 : memref<1x1000xi32, #tpu.memory_space<vmem>> -> memref<1000xi32, #tpu.memory_space<vmem>>
    %dma_start3A_117 = arith.constant 0 : i32
    %dma_start3A_118 = arith.constant 0 : i32
    %dma_start3A_119 = tpu.memref_slice %arg17[%dma_start3A_117, %dma_start3A_118] : memref<10000x16xf32, #tpu.memory_space<vmem_shared>> -> memref<10000x16xf32, #tpu.memory_space<vmem_shared>>
    tpu.enqueue_indirect_dma source(%dma_start3A_119 : memref<10000x16xf32, #tpu.memory_space<vmem_shared>>) target(%arg10 : memref<1000x16xf32, #tpu.memory_space<vmem>>) offsets(%dma_start3A_116 : memref<1000xi32, #tpu.memory_space<vmem>>) semaphore(%arg18 : memref<!tpu.dma_semaphore, #tpu.memory_space<semaphore_mem>>)
    %dma_wait3A_120 = arith.constant 5 : i32
    %dma_wait3A_121 = arith.constant 0 : i32
    %dma_wait3A_122 = tpu.memref_slice %arg8[%dma_wait3A_120, %dma_wait3A_121] : memref<10x1000xi32, #tpu.memory_space<vmem>> -> memref<1x1000xi32, #tpu.memory_space<vmem>>
    %dma_wait3A_123 = tpu.memref_squeeze %dma_wait3A_122 : memref<1x1000xi32, #tpu.memory_space<vmem>> -> memref<1000xi32, #tpu.memory_space<vmem>>
    %dma_wait3A_124 = arith.constant 0 : i32
    %dma_wait3A_125 = arith.constant 0 : i32
    %dma_wait3A_126 = tpu.memref_slice %arg17[%dma_wait3A_124, %dma_wait3A_125] : memref<10000x16xf32, #tpu.memory_space<vmem_shared>> -> memref<10000x16xf32, #tpu.memory_space<vmem_shared>>
    tpu.wait_indirect_dma semaphore(%arg19 : memref<!tpu.dma_semaphore, #tpu.memory_space<semaphore_mem>>) src(%dma_wait3A_126 : memref<10000x16xf32, #tpu.memory_space<vmem_shared>>) dst(%arg11 : memref<1000x16xf32, #tpu.memory_space<vmem>>)
    %run_scoped3A_127 = arith.constant 5 : i32
    "tpu.region"() ({
      %run_scoped3A_182 = tpu.sem_alloc : memref<!tpu.dma_semaphore, #tpu.memory_space<semaphore_mem>>
      %dma_start3A_183 = arith.constant 0 : i32
      %dma_start3A_184 = tpu.memref_slice %arg9[%run_scoped3A_127, %dma_start3A_183] : memref<10x1000xi32, #tpu.memory_space<vmem>> -> memref<1x1000xi32, #tpu.memory_space<vmem>>
      %dma_start3A_185 = tpu.memref_squeeze %dma_start3A_184 : memref<1x1000xi32, #tpu.memory_space<vmem>> -> memref<1000xi32, #tpu.memory_space<vmem>>
      %dma_start3A_186 = arith.constant 0 : i32
      %dma_start3A_187 = arith.constant 0 : i32
      %dma_start3A_188 = tpu.memref_slice %arg16[%dma_start3A_186, %dma_start3A_187] : memref<10000x16xf32, #tpu.memory_space<vmem_shared>> -> memref<10000x16xf32, #tpu.memory_space<vmem_shared>>
      tpu.enqueue_indirect_dma source(%arg11 : memref<1000x16xf32, #tpu.memory_space<vmem>>) target(%dma_start3A_188 : memref<10000x16xf32, #tpu.memory_space<vmem_shared>>) offsets(%dma_start3A_185 : memref<1000xi32, #tpu.memory_space<vmem>>) semaphore(%run_scoped3A_182 : memref<!tpu.dma_semaphore, #tpu.memory_space<semaphore_mem>>) {add = true}
      %dma_wait3A_189 = arith.constant 0 : i32
      %dma_wait3A_190 = tpu.memref_slice %arg9[%run_scoped3A_127, %dma_wait3A_189] : memref<10x1000xi32, #tpu.memory_space<vmem>> -> memref<1x1000xi32, #tpu.memory_space<vmem>>
      %dma_wait3A_191 = tpu.memref_squeeze %dma_wait3A_190 : memref<1x1000xi32, #tpu.memory_space<vmem>> -> memref<1000xi32, #tpu.memory_space<vmem>>
      %dma_wait3A_192 = arith.constant 0 : i32
      %dma_wait3A_193 = arith.constant 0 : i32
      %dma_wait3A_194 = tpu.memref_slice %arg16[%dma_wait3A_192, %dma_wait3A_193] : memref<10000x16xf32, #tpu.memory_space<vmem_shared>> -> memref<10000x16xf32, #tpu.memory_space<vmem_shared>>
      tpu.wait_indirect_dma semaphore(%run_scoped3A_182 : memref<!tpu.dma_semaphore, #tpu.memory_space<semaphore_mem>>) src(%arg11 : memref<1000x16xf32, #tpu.memory_space<vmem>>) dst(%dma_wait3A_194 : memref<10000x16xf32, #tpu.memory_space<vmem_shared>>)
      tpu.yield
    }) : () -> ()
    %dma_start3A_128 = arith.constant 7 : i32
    %dma_start3A_129 = arith.constant 0 : i32
    %dma_start3A_130 = tpu.memref_slice %arg8[%dma_start3A_128, %dma_start3A_129] : memref<10x1000xi32, #tpu.memory_space<vmem>> -> memref<1x1000xi32, #tpu.memory_space<vmem>>
    %dma_start3A_131 = tpu.memref_squeeze %dma_start3A_130 : memref<1x1000xi32, #tpu.memory_space<vmem>> -> memref<1000xi32, #tpu.memory_space<vmem>>
    %dma_start3A_132 = arith.constant 0 : i32
    %dma_start3A_133 = arith.constant 0 : i32
    %dma_start3A_134 = tpu.memref_slice %arg17[%dma_start3A_132, %dma_start3A_133] : memref<10000x16xf32, #tpu.memory_space<vmem_shared>> -> memref<10000x16xf32, #tpu.memory_space<vmem_shared>>
    tpu.enqueue_indirect_dma source(%dma_start3A_134 : memref<10000x16xf32, #tpu.memory_space<vmem_shared>>) target(%arg11 : memref<1000x16xf32, #tpu.memory_space<vmem>>) offsets(%dma_start3A_131 : memref<1000xi32, #tpu.memory_space<vmem>>) semaphore(%arg19 : memref<!tpu.dma_semaphore, #tpu.memory_space<semaphore_mem>>)
    %dma_wait3A_135 = arith.constant 6 : i32
    %dma_wait3A_136 = arith.constant 0 : i32
    %dma_wait3A_137 = tpu.memref_slice %arg8[%dma_wait3A_135, %dma_wait3A_136] : memref<10x1000xi32, #tpu.memory_space<vmem>> -> memref<1x1000xi32, #tpu.memory_space<vmem>>
    %dma_wait3A_138 = tpu.memref_squeeze %dma_wait3A_137 : memref<1x1000xi32, #tpu.memory_space<vmem>> -> memref<1000xi32, #tpu.memory_space<vmem>>
    %dma_wait3A_139 = arith.constant 0 : i32
    %dma_wait3A_140 = arith.constant 0 : i32
    %dma_wait3A_141 = tpu.memref_slice %arg17[%dma_wait3A_139, %dma_wait3A_140] : memref<10000x16xf32, #tpu.memory_space<vmem_shared>> -> memref<10000x16xf32, #tpu.memory_space<vmem_shared>>
    tpu.wait_indirect_dma semaphore(%arg18 : memref<!tpu.dma_semaphore, #tpu.memory_space<semaphore_mem>>) src(%dma_wait3A_141 : memref<10000x16xf32, #tpu.memory_space<vmem_shared>>) dst(%arg10 : memref<1000x16xf32, #tpu.memory_space<vmem>>)
    %run_scoped3A_142 = arith.constant 6 : i32
    "tpu.region"() ({
      %run_scoped3A_182 = tpu.sem_alloc : memref<!tpu.dma_semaphore, #tpu.memory_space<semaphore_mem>>
      %dma_start3A_183 = arith.constant 0 : i32
      %dma_start3A_184 = tpu.memref_slice %arg9[%run_scoped3A_142, %dma_start3A_183] : memref<10x1000xi32, #tpu.memory_space<vmem>> -> memref<1x1000xi32, #tpu.memory_space<vmem>>
      %dma_start3A_185 = tpu.memref_squeeze %dma_start3A_184 : memref<1x1000xi32, #tpu.memory_space<vmem>> -> memref<1000xi32, #tpu.memory_space<vmem>>
      %dma_start3A_186 = arith.constant 0 : i32
      %dma_start3A_187 = arith.constant 0 : i32
      %dma_start3A_188 = tpu.memref_slice %arg16[%dma_start3A_186, %dma_start3A_187] : memref<10000x16xf32, #tpu.memory_space<vmem_shared>> -> memref<10000x16xf32, #tpu.memory_space<vmem_shared>>
      tpu.enqueue_indirect_dma source(%arg10 : memref<1000x16xf32, #tpu.memory_space<vmem>>) target(%dma_start3A_188 : memref<10000x16xf32, #tpu.memory_space<vmem_shared>>) offsets(%dma_start3A_185 : memref<1000xi32, #tpu.memory_space<vmem>>) semaphore(%run_scoped3A_182 : memref<!tpu.dma_semaphore, #tpu.memory_space<semaphore_mem>>) {add = true}
      %dma_wait3A_189 = arith.constant 0 : i32
      %dma_wait3A_190 = tpu.memref_slice %arg9[%run_scoped3A_142, %dma_wait3A_189] : memref<10x1000xi32, #tpu.memory_space<vmem>> -> memref<1x1000xi32, #tpu.memory_space<vmem>>
      %dma_wait3A_191 = tpu.memref_squeeze %dma_wait3A_190 : memref<1x1000xi32, #tpu.memory_space<vmem>> -> memref<1000xi32, #tpu.memory_space<vmem>>
      %dma_wait3A_192 = arith.constant 0 : i32
      %dma_wait3A_193 = arith.constant 0 : i32
      %dma_wait3A_194 = tpu.memref_slice %arg16[%dma_wait3A_192, %dma_wait3A_193] : memref<10000x16xf32, #tpu.memory_space<vmem_shared>> -> memref<10000x16xf32, #tpu.memory_space<vmem_shared>>
      tpu.wait_indirect_dma semaphore(%run_scoped3A_182 : memref<!tpu.dma_semaphore, #tpu.memory_space<semaphore_mem>>) src(%arg10 : memref<1000x16xf32, #tpu.memory_space<vmem>>) dst(%dma_wait3A_194 : memref<10000x16xf32, #tpu.memory_space<vmem_shared>>)
      tpu.yield
    }) : () -> ()
    %dma_start3A_143 = arith.constant 8 : i32
    %dma_start3A_144 = arith.constant 0 : i32
    %dma_start3A_145 = tpu.memref_slice %arg8[%dma_start3A_143, %dma_start3A_144] : memref<10x1000xi32, #tpu.memory_space<vmem>> -> memref<1x1000xi32, #tpu.memory_space<vmem>>
    %dma_start3A_146 = tpu.memref_squeeze %dma_start3A_145 : memref<1x1000xi32, #tpu.memory_space<vmem>> -> memref<1000xi32, #tpu.memory_space<vmem>>
    %dma_start3A_147 = arith.constant 0 : i32
    %dma_start3A_148 = arith.constant 0 : i32
    %dma_start3A_149 = tpu.memref_slice %arg17[%dma_start3A_147, %dma_start3A_148] : memref<10000x16xf32, #tpu.memory_space<vmem_shared>> -> memref<10000x16xf32, #tpu.memory_space<vmem_shared>>
    tpu.enqueue_indirect_dma source(%dma_start3A_149 : memref<10000x16xf32, #tpu.memory_space<vmem_shared>>) target(%arg10 : memref<1000x16xf32, #tpu.memory_space<vmem>>) offsets(%dma_start3A_146 : memref<1000xi32, #tpu.memory_space<vmem>>) semaphore(%arg18 : memref<!tpu.dma_semaphore, #tpu.memory_space<semaphore_mem>>)
    %dma_wait3A_150 = arith.constant 7 : i32
    %dma_wait3A_151 = arith.constant 0 : i32
    %dma_wait3A_152 = tpu.memref_slice %arg8[%dma_wait3A_150, %dma_wait3A_151] : memref<10x1000xi32, #tpu.memory_space<vmem>> -> memref<1x1000xi32, #tpu.memory_space<vmem>>
    %dma_wait3A_153 = tpu.memref_squeeze %dma_wait3A_152 : memref<1x1000xi32, #tpu.memory_space<vmem>> -> memref<1000xi32, #tpu.memory_space<vmem>>
    %dma_wait3A_154 = arith.constant 0 : i32
    %dma_wait3A_155 = arith.constant 0 : i32
    %dma_wait3A_156 = tpu.memref_slice %arg17[%dma_wait3A_154, %dma_wait3A_155] : memref<10000x16xf32, #tpu.memory_space<vmem_shared>> -> memref<10000x16xf32, #tpu.memory_space<vmem_shared>>
    tpu.wait_indirect_dma semaphore(%arg19 : memref<!tpu.dma_semaphore, #tpu.memory_space<semaphore_mem>>) src(%dma_wait3A_156 : memref<10000x16xf32, #tpu.memory_space<vmem_shared>>) dst(%arg11 : memref<1000x16xf32, #tpu.memory_space<vmem>>)
    %run_scoped3A_157 = arith.constant 7 : i32
    "tpu.region"() ({
      %run_scoped3A_182 = tpu.sem_alloc : memref<!tpu.dma_semaphore, #tpu.memory_space<semaphore_mem>>
      %dma_start3A_183 = arith.constant 0 : i32
      %dma_start3A_184 = tpu.memref_slice %arg9[%run_scoped3A_157, %dma_start3A_183] : memref<10x1000xi32, #tpu.memory_space<vmem>> -> memref<1x1000xi32, #tpu.memory_space<vmem>>
      %dma_start3A_185 = tpu.memref_squeeze %dma_start3A_184 : memref<1x1000xi32, #tpu.memory_space<vmem>> -> memref<1000xi32, #tpu.memory_space<vmem>>
      %dma_start3A_186 = arith.constant 0 : i32
      %dma_start3A_187 = arith.constant 0 : i32
      %dma_start3A_188 = tpu.memref_slice %arg16[%dma_start3A_186, %dma_start3A_187] : memref<10000x16xf32, #tpu.memory_space<vmem_shared>> -> memref<10000x16xf32, #tpu.memory_space<vmem_shared>>
      tpu.enqueue_indirect_dma source(%arg11 : memref<1000x16xf32, #tpu.memory_space<vmem>>) target(%dma_start3A_188 : memref<10000x16xf32, #tpu.memory_space<vmem_shared>>) offsets(%dma_start3A_185 : memref<1000xi32, #tpu.memory_space<vmem>>) semaphore(%run_scoped3A_182 : memref<!tpu.dma_semaphore, #tpu.memory_space<semaphore_mem>>) {add = true}
      %dma_wait3A_189 = arith.constant 0 : i32
      %dma_wait3A_190 = tpu.memref_slice %arg9[%run_scoped3A_157, %dma_wait3A_189] : memref<10x1000xi32, #tpu.memory_space<vmem>> -> memref<1x1000xi32, #tpu.memory_space<vmem>>
      %dma_wait3A_191 = tpu.memref_squeeze %dma_wait3A_190 : memref<1x1000xi32, #tpu.memory_space<vmem>> -> memref<1000xi32, #tpu.memory_space<vmem>>
      %dma_wait3A_192 = arith.constant 0 : i32
      %dma_wait3A_193 = arith.constant 0 : i32
      %dma_wait3A_194 = tpu.memref_slice %arg16[%dma_wait3A_192, %dma_wait3A_193] : memref<10000x16xf32, #tpu.memory_space<vmem_shared>> -> memref<10000x16xf32, #tpu.memory_space<vmem_shared>>
      tpu.wait_indirect_dma semaphore(%run_scoped3A_182 : memref<!tpu.dma_semaphore, #tpu.memory_space<semaphore_mem>>) src(%arg11 : memref<1000x16xf32, #tpu.memory_space<vmem>>) dst(%dma_wait3A_194 : memref<10000x16xf32, #tpu.memory_space<vmem_shared>>)
      tpu.yield
    }) : () -> ()
    %dma_start3A_158 = arith.constant 9 : i32
    %dma_start3A_159 = arith.constant 0 : i32
    %dma_start3A_160 = tpu.memref_slice %arg8[%dma_start3A_158, %dma_start3A_159] : memref<10x1000xi32, #tpu.memory_space<vmem>> -> memref<1x1000xi32, #tpu.memory_space<vmem>>
    %dma_start3A_161 = tpu.memref_squeeze %dma_start3A_160 : memref<1x1000xi32, #tpu.memory_space<vmem>> -> memref<1000xi32, #tpu.memory_space<vmem>>
    %dma_start3A_162 = arith.constant 0 : i32
    %dma_start3A_163 = arith.constant 0 : i32
    %dma_start3A_164 = tpu.memref_slice %arg17[%dma_start3A_162, %dma_start3A_163] : memref<10000x16xf32, #tpu.memory_space<vmem_shared>> -> memref<10000x16xf32, #tpu.memory_space<vmem_shared>>
    tpu.enqueue_indirect_dma source(%dma_start3A_164 : memref<10000x16xf32, #tpu.memory_space<vmem_shared>>) target(%arg11 : memref<1000x16xf32, #tpu.memory_space<vmem>>) offsets(%dma_start3A_161 : memref<1000xi32, #tpu.memory_space<vmem>>) semaphore(%arg19 : memref<!tpu.dma_semaphore, #tpu.memory_space<semaphore_mem>>)
    %dma_wait3A_165 = arith.constant 8 : i32
    %dma_wait3A_166 = arith.constant 0 : i32
    %dma_wait3A_167 = tpu.memref_slice %arg8[%dma_wait3A_165, %dma_wait3A_166] : memref<10x1000xi32, #tpu.memory_space<vmem>> -> memref<1x1000xi32, #tpu.memory_space<vmem>>
    %dma_wait3A_168 = tpu.memref_squeeze %dma_wait3A_167 : memref<1x1000xi32, #tpu.memory_space<vmem>> -> memref<1000xi32, #tpu.memory_space<vmem>>
    %dma_wait3A_169 = arith.constant 0 : i32
    %dma_wait3A_170 = arith.constant 0 : i32
    %dma_wait3A_171 = tpu.memref_slice %arg17[%dma_wait3A_169, %dma_wait3A_170] : memref<10000x16xf32, #tpu.memory_space<vmem_shared>> -> memref<10000x16xf32, #tpu.memory_space<vmem_shared>>
    tpu.wait_indirect_dma semaphore(%arg18 : memref<!tpu.dma_semaphore, #tpu.memory_space<semaphore_mem>>) src(%dma_wait3A_171 : memref<10000x16xf32, #tpu.memory_space<vmem_shared>>) dst(%arg10 : memref<1000x16xf32, #tpu.memory_space<vmem>>)
    %run_scoped3A_172 = arith.constant 8 : i32
    "tpu.region"() ({
      %run_scoped3A_182 = tpu.sem_alloc : memref<!tpu.dma_semaphore, #tpu.memory_space<semaphore_mem>>
      %dma_start3A_183 = arith.constant 0 : i32
      %dma_start3A_184 = tpu.memref_slice %arg9[%run_scoped3A_172, %dma_start3A_183] : memref<10x1000xi32, #tpu.memory_space<vmem>> -> memref<1x1000xi32, #tpu.memory_space<vmem>>
      %dma_start3A_185 = tpu.memref_squeeze %dma_start3A_184 : memref<1x1000xi32, #tpu.memory_space<vmem>> -> memref<1000xi32, #tpu.memory_space<vmem>>
      %dma_start3A_186 = arith.constant 0 : i32
      %dma_start3A_187 = arith.constant 0 : i32
      %dma_start3A_188 = tpu.memref_slice %arg16[%dma_start3A_186, %dma_start3A_187] : memref<10000x16xf32, #tpu.memory_space<vmem_shared>> -> memref<10000x16xf32, #tpu.memory_space<vmem_shared>>
      tpu.enqueue_indirect_dma source(%arg10 : memref<1000x16xf32, #tpu.memory_space<vmem>>) target(%dma_start3A_188 : memref<10000x16xf32, #tpu.memory_space<vmem_shared>>) offsets(%dma_start3A_185 : memref<1000xi32, #tpu.memory_space<vmem>>) semaphore(%run_scoped3A_182 : memref<!tpu.dma_semaphore, #tpu.memory_space<semaphore_mem>>) {add = true}
      %dma_wait3A_189 = arith.constant 0 : i32
      %dma_wait3A_190 = tpu.memref_slice %arg9[%run_scoped3A_172, %dma_wait3A_189] : memref<10x1000xi32, #tpu.memory_space<vmem>> -> memref<1x1000xi32, #tpu.memory_space<vmem>>
      %dma_wait3A_191 = tpu.memref_squeeze %dma_wait3A_190 : memref<1x1000xi32, #tpu.memory_space<vmem>> -> memref<1000xi32, #tpu.memory_space<vmem>>
      %dma_wait3A_192 = arith.constant 0 : i32
      %dma_wait3A_193 = arith.constant 0 : i32
      %dma_wait3A_194 = tpu.memref_slice %arg16[%dma_wait3A_192, %dma_wait3A_193] : memref<10000x16xf32, #tpu.memory_space<vmem_shared>> -> memref<10000x16xf32, #tpu.memory_space<vmem_shared>>
      tpu.wait_indirect_dma semaphore(%run_scoped3A_182 : memref<!tpu.dma_semaphore, #tpu.memory_space<semaphore_mem>>) src(%arg10 : memref<1000x16xf32, #tpu.memory_space<vmem>>) dst(%dma_wait3A_194 : memref<10000x16xf32, #tpu.memory_space<vmem_shared>>)
      tpu.yield
    }) : () -> ()
    %dma_wait3A_173 = arith.constant 9 : i32
    %dma_wait3A_174 = arith.constant 0 : i32
    %dma_wait3A_175 = tpu.memref_slice %arg8[%dma_wait3A_173, %dma_wait3A_174] : memref<10x1000xi32, #tpu.memory_space<vmem>> -> memref<1x1000xi32, #tpu.memory_space<vmem>>
    %dma_wait3A_176 = tpu.memref_squeeze %dma_wait3A_175 : memref<1x1000xi32, #tpu.memory_space<vmem>> -> memref<1000xi32, #tpu.memory_space<vmem>>
    %dma_wait3A_177 = arith.constant 0 : i32
    %dma_wait3A_178 = arith.constant 0 : i32
    %dma_wait3A_179 = tpu.memref_slice %arg17[%dma_wait3A_177, %dma_wait3A_178] : memref<10000x16xf32, #tpu.memory_space<vmem_shared>> -> memref<10000x16xf32, #tpu.memory_space<vmem_shared>>
    tpu.wait_indirect_dma semaphore(%arg19 : memref<!tpu.dma_semaphore, #tpu.memory_space<semaphore_mem>>) src(%dma_wait3A_179 : memref<10000x16xf32, #tpu.memory_space<vmem_shared>>) dst(%arg11 : memref<1000x16xf32, #tpu.memory_space<vmem>>)
    %run_scoped3A_180 = arith.constant 9 : i32
    "tpu.region"() ({
      %run_scoped3A_182 = tpu.sem_alloc : memref<!tpu.dma_semaphore, #tpu.memory_space<semaphore_mem>>
      %dma_start3A_183 = arith.constant 0 : i32
      %dma_start3A_184 = tpu.memref_slice %arg9[%run_scoped3A_180, %dma_start3A_183] : memref<10x1000xi32, #tpu.memory_space<vmem>> -> memref<1x1000xi32, #tpu.memory_space<vmem>>
      %dma_start3A_185 = tpu.memref_squeeze %dma_start3A_184 : memref<1x1000xi32, #tpu.memory_space<vmem>> -> memref<1000xi32, #tpu.memory_space<vmem>>
      %dma_start3A_186 = arith.constant 0 : i32
      %dma_start3A_187 = arith.constant 0 : i32
      %dma_start3A_188 = tpu.memref_slice %arg16[%dma_start3A_186, %dma_start3A_187] : memref<10000x16xf32, #tpu.memory_space<vmem_shared>> -> memref<10000x16xf32, #tpu.memory_space<vmem_shared>>
      tpu.enqueue_indirect_dma source(%arg11 : memref<1000x16xf32, #tpu.memory_space<vmem>>) target(%dma_start3A_188 : memref<10000x16xf32, #tpu.memory_space<vmem_shared>>) offsets(%dma_start3A_185 : memref<1000xi32, #tpu.memory_space<vmem>>) semaphore(%run_scoped3A_182 : memref<!tpu.dma_semaphore, #tpu.memory_space<semaphore_mem>>) {add = true}
      %dma_wait3A_189 = arith.constant 0 : i32
      %dma_wait3A_190 = tpu.memref_slice %arg9[%run_scoped3A_180, %dma_wait3A_189] : memref<10x1000xi32, #tpu.memory_space<vmem>> -> memref<1x1000xi32, #tpu.memory_space<vmem>>
      %dma_wait3A_191 = tpu.memref_squeeze %dma_wait3A_190 : memref<1x1000xi32, #tpu.memory_space<vmem>> -> memref<1000xi32, #tpu.memory_space<vmem>>
      %dma_wait3A_192 = arith.constant 0 : i32
      %dma_wait3A_193 = arith.constant 0 : i32
      %dma_wait3A_194 = tpu.memref_slice %arg16[%dma_wait3A_192, %dma_wait3A_193] : memref<10000x16xf32, #tpu.memory_space<vmem_shared>> -> memref<10000x16xf32, #tpu.memory_space<vmem_shared>>
      tpu.wait_indirect_dma semaphore(%run_scoped3A_182 : memref<!tpu.dma_semaphore, #tpu.memory_space<semaphore_mem>>) src(%arg11 : memref<1000x16xf32, #tpu.memory_space<vmem>>) dst(%dma_wait3A_194 : memref<10000x16xf32, #tpu.memory_space<vmem_shared>>)
      tpu.yield
    }) : () -> ()
    %barrier3A_181 = arith.constant 0 : index
    tpu.barrier barrier_id(%barrier3A_181)
    "tpu.region"() ({
      %run_scoped3A_182 = tpu.sem_alloc : memref<!tpu.dma_semaphore, #tpu.memory_space<semaphore_mem>>
      %dma_start3A_183 = arith.constant 0 : i32
      %dma_start3A_184 = tpu.memref_slice %arg6[%arg0, %mul3A_6, %dma_start3A_183] : memref<2x10000x16xf32, #tpu.memory_space<hbm>> -> memref<1x625x16xf32, #tpu.memory_space<hbm>>
      %dma_start3A_185 = tpu.memref_squeeze %dma_start3A_184 : memref<1x625x16xf32, #tpu.memory_space<hbm>> -> memref<625x16xf32, #tpu.memory_space<hbm>>
      %dma_start3A_186 = arith.constant 0 : i32
      %dma_start3A_187 = tpu.memref_slice %arg16[%mul3A_6, %dma_start3A_186] : memref<10000x16xf32, #tpu.memory_space<vmem_shared>> -> memref<625x16xf32, #tpu.memory_space<vmem_shared>>
      tpu.enqueue_dma source(%dma_start3A_187 : memref<625x16xf32, #tpu.memory_space<vmem_shared>>) target(%dma_start3A_185 : memref<625x16xf32, #tpu.memory_space<hbm>>) target_semaphore(%run_scoped3A_182 : memref<!tpu.dma_semaphore, #tpu.memory_space<semaphore_mem>>)
      %dma_wait3A_188 = arith.constant 0 : i32
      %dma_wait3A_189 = tpu.memref_slice %arg6[%arg0, %mul3A_6, %dma_wait3A_188] : memref<2x10000x16xf32, #tpu.memory_space<hbm>> -> memref<1x625x16xf32, #tpu.memory_space<hbm>>
      %dma_wait3A_190 = tpu.memref_squeeze %dma_wait3A_189 : memref<1x625x16xf32, #tpu.memory_space<hbm>> -> memref<625x16xf32, #tpu.memory_space<hbm>>
      %dma_wait3A_191 = arith.constant 0 : i32
      %dma_wait3A_192 = tpu.memref_slice %arg16[%mul3A_6, %dma_wait3A_191] : memref<10000x16xf32, #tpu.memory_space<vmem_shared>> -> memref<625x16xf32, #tpu.memory_space<vmem_shared>>
      tpu.wait_dma2 semaphore(%run_scoped3A_182 : memref<!tpu.dma_semaphore, #tpu.memory_space<semaphore_mem>>) src(%dma_wait3A_192 : memref<625x16xf32, #tpu.memory_space<vmem_shared>>) dst(%dma_wait3A_190 : memref<625x16xf32, #tpu.memory_space<hbm>>)
      tpu.yield
    }) : () -> ()
    return
  }
}

#map = affine_map<(d0, d1) -> (0, 0, 0)>
#map1 = affine_map<(d0, d1) -> (0, 0)>
#map2 = affine_map<(d0, d1) -> (0)>
module attributes {stable_mosaic.version = 14 : i64} {
  func.func @_sc_prop2(%arg0: i32, %arg1: i32, %arg2: memref<2x10000x16xf32, #tpu.memory_space<hbm>>, %arg3: memref<10000x16xf32, #tpu.memory_space<hbm>>, %arg4: memref<16xf32, #tpu.memory_space<hbm>>, %arg5: memref<320x1000xi32, #tpu.memory_space<hbm>>, %arg6: memref<320x1000xi32, #tpu.memory_space<hbm>>, %arg7: memref<2x10000x16xf32, #tpu.memory_space<hbm>>, %arg8: memref<10x1000xi32, #tpu.memory_space<vmem>>, %arg9: memref<10x1000xi32, #tpu.memory_space<vmem>>, %arg10: memref<1000x16xf32, #tpu.memory_space<vmem>>, %arg11: memref<1000x16xf32, #tpu.memory_space<vmem>>, %arg12: memref<625x16xf32, #tpu.memory_space<vmem>>, %arg13: memref<625x16xf32, #tpu.memory_space<vmem>>, %arg14: memref<625x16xf32, #tpu.memory_space<vmem>>, %arg15: memref<625x16xf32, #tpu.memory_space<vmem>>, %arg16: memref<16xf32, #tpu.memory_space<vmem>>, %arg17: memref<10000x16xf32, #tpu.memory_space<vmem_shared>>, %arg18: memref<10000x16xf32, #tpu.memory_space<vmem_shared>>, %arg19: memref<!tpu.dma_semaphore, #tpu.memory_space<semaphore_mem>>, %arg20: memref<!tpu.dma_semaphore, #tpu.memory_space<semaphore_mem>>) attributes {dimension_semantics = [#tpu.dimension_semantics<core_parallel>, #tpu.dimension_semantics<subcore_parallel>], iteration_bounds = array<i64: 2, 16>, scalar_prefetch = 0 : i64, scratch_operands = 13 : i64, tpu.core_type = #tpu.core_type<sc_vector_subcore>, window_params = [{transform_indices = #map}, {transform_indices = #map1}, {transform_indices = #map2}, {transform_indices = #map1}, {transform_indices = #map1}, {transform_indices = #map}]} {
    %mul3A = arith.constant 2 : i32
    %mul3A_0 = arith.muli %arg1, %mul3A : i32
    %add3A = arith.addi %mul3A_0, %arg0 : i32
    %mul3A_1 = arith.constant 10 : i32
    %mul3A_2 = arith.muli %add3A, %mul3A_1 : i32
    "tpu.region"() ({
      %run_scoped3A_182 = tpu.sem_alloc : memref<!tpu.dma_semaphore, #tpu.memory_space<semaphore_mem>>
      %dma_start3A_183 = arith.constant 0 : i32
      %dma_start3A_184 = tpu.memref_slice %arg5[%mul3A_2, %dma_start3A_183] : memref<320x1000xi32, #tpu.memory_space<hbm>> -> memref<10x1000xi32, #tpu.memory_space<hbm>>
      %dma_start3A_185 = arith.constant 0 : i32
      %dma_start3A_186 = tpu.memref_slice %arg5[%mul3A_2, %dma_start3A_185] : memref<320x1000xi32, #tpu.memory_space<hbm>> -> memref<10x1000xi32, #tpu.memory_space<hbm>>
      tpu.enqueue_dma source(%dma_start3A_186 : memref<10x1000xi32, #tpu.memory_space<hbm>>) target(%arg8 : memref<10x1000xi32, #tpu.memory_space<vmem>>) target_semaphore(%run_scoped3A_182 : memref<!tpu.dma_semaphore, #tpu.memory_space<semaphore_mem>>)
      %dma_wait3A_187 = arith.constant 0 : i32
      %dma_wait3A_188 = tpu.memref_slice %arg5[%mul3A_2, %dma_wait3A_187] : memref<320x1000xi32, #tpu.memory_space<hbm>> -> memref<10x1000xi32, #tpu.memory_space<hbm>>
      %dma_wait3A_189 = arith.constant 0 : i32
      %dma_wait3A_190 = tpu.memref_slice %arg5[%mul3A_2, %dma_wait3A_189] : memref<320x1000xi32, #tpu.memory_space<hbm>> -> memref<10x1000xi32, #tpu.memory_space<hbm>>
      tpu.wait_dma2 semaphore(%run_scoped3A_182 : memref<!tpu.dma_semaphore, #tpu.memory_space<semaphore_mem>>) src(%dma_wait3A_190 : memref<10x1000xi32, #tpu.memory_space<hbm>>) dst(%arg8 : memref<10x1000xi32, #tpu.memory_space<vmem>>)
      tpu.yield
    }) : () -> ()
    %mul3A_3 = arith.constant 10 : i32
    %mul3A_4 = arith.muli %add3A, %mul3A_3 : i32
    "tpu.region"() ({
      %run_scoped3A_182 = tpu.sem_alloc : memref<!tpu.dma_semaphore, #tpu.memory_space<semaphore_mem>>
      %dma_start3A_183 = arith.constant 0 : i32
      %dma_start3A_184 = tpu.memref_slice %arg6[%mul3A_4, %dma_start3A_183] : memref<320x1000xi32, #tpu.memory_space<hbm>> -> memref<10x1000xi32, #tpu.memory_space<hbm>>
      %dma_start3A_185 = arith.constant 0 : i32
      %dma_start3A_186 = tpu.memref_slice %arg6[%mul3A_4, %dma_start3A_185] : memref<320x1000xi32, #tpu.memory_space<hbm>> -> memref<10x1000xi32, #tpu.memory_space<hbm>>
      tpu.enqueue_dma source(%dma_start3A_186 : memref<10x1000xi32, #tpu.memory_space<hbm>>) target(%arg9 : memref<10x1000xi32, #tpu.memory_space<vmem>>) target_semaphore(%run_scoped3A_182 : memref<!tpu.dma_semaphore, #tpu.memory_space<semaphore_mem>>)
      %dma_wait3A_187 = arith.constant 0 : i32
      %dma_wait3A_188 = tpu.memref_slice %arg6[%mul3A_4, %dma_wait3A_187] : memref<320x1000xi32, #tpu.memory_space<hbm>> -> memref<10x1000xi32, #tpu.memory_space<hbm>>
      %dma_wait3A_189 = arith.constant 0 : i32
      %dma_wait3A_190 = tpu.memref_slice %arg6[%mul3A_4, %dma_wait3A_189] : memref<320x1000xi32, #tpu.memory_space<hbm>> -> memref<10x1000xi32, #tpu.memory_space<hbm>>
      tpu.wait_dma2 semaphore(%run_scoped3A_182 : memref<!tpu.dma_semaphore, #tpu.memory_space<semaphore_mem>>) src(%dma_wait3A_190 : memref<10x1000xi32, #tpu.memory_space<hbm>>) dst(%arg9 : memref<10x1000xi32, #tpu.memory_space<vmem>>)
      tpu.yield
    }) : () -> ()
    %mul3A_5 = arith.constant 625 : i32
    %mul3A_6 = arith.muli %arg1, %mul3A_5 : i32
    %run_scoped3A = arith.constant 0 : i32
    "tpu.region"() ({
      %run_scoped3A_182 = tpu.sem_alloc : memref<!tpu.dma_semaphore, #tpu.memory_space<semaphore_mem>>
      %dma_start3A_183 = arith.constant 0 : i32
      %dma_start3A_184 = tpu.memref_slice %arg2[%run_scoped3A, %mul3A_6, %dma_start3A_183] : memref<2x10000x16xf32, #tpu.memory_space<hbm>> -> memref<1x625x16xf32, #tpu.memory_space<hbm>>
      %dma_start3A_185 = tpu.memref_squeeze %dma_start3A_184 : memref<1x625x16xf32, #tpu.memory_space<hbm>> -> memref<625x16xf32, #tpu.memory_space<hbm>>
      %dma_start3A_186 = arith.constant 0 : i32
      %dma_start3A_187 = tpu.memref_slice %arg2[%run_scoped3A, %mul3A_6, %dma_start3A_186] : memref<2x10000x16xf32, #tpu.memory_space<hbm>> -> memref<1x625x16xf32, #tpu.memory_space<hbm>>
      %dma_start3A_188 = tpu.memref_squeeze %dma_start3A_187 : memref<1x625x16xf32, #tpu.memory_space<hbm>> -> memref<625x16xf32, #tpu.memory_space<hbm>>
      tpu.enqueue_dma source(%dma_start3A_188 : memref<625x16xf32, #tpu.memory_space<hbm>>) target(%arg12 : memref<625x16xf32, #tpu.memory_space<vmem>>) target_semaphore(%run_scoped3A_182 : memref<!tpu.dma_semaphore, #tpu.memory_space<semaphore_mem>>)
      %dma_wait3A_189 = arith.constant 0 : i32
      %dma_wait3A_190 = tpu.memref_slice %arg2[%run_scoped3A, %mul3A_6, %dma_wait3A_189] : memref<2x10000x16xf32, #tpu.memory_space<hbm>> -> memref<1x625x16xf32, #tpu.memory_space<hbm>>
      %dma_wait3A_191 = tpu.memref_squeeze %dma_wait3A_190 : memref<1x625x16xf32, #tpu.memory_space<hbm>> -> memref<625x16xf32, #tpu.memory_space<hbm>>
      %dma_wait3A_192 = arith.constant 0 : i32
      %dma_wait3A_193 = tpu.memref_slice %arg2[%run_scoped3A, %mul3A_6, %dma_wait3A_192] : memref<2x10000x16xf32, #tpu.memory_space<hbm>> -> memref<1x625x16xf32, #tpu.memory_space<hbm>>
      %dma_wait3A_194 = tpu.memref_squeeze %dma_wait3A_193 : memref<1x625x16xf32, #tpu.memory_space<hbm>> -> memref<625x16xf32, #tpu.memory_space<hbm>>
      tpu.wait_dma2 semaphore(%run_scoped3A_182 : memref<!tpu.dma_semaphore, #tpu.memory_space<semaphore_mem>>) src(%dma_wait3A_194 : memref<625x16xf32, #tpu.memory_space<hbm>>) dst(%arg12 : memref<625x16xf32, #tpu.memory_space<vmem>>)
      tpu.yield
    }) : () -> ()
    %run_scoped3A_7 = arith.constant 1 : i32
    "tpu.region"() ({
      %run_scoped3A_182 = tpu.sem_alloc : memref<!tpu.dma_semaphore, #tpu.memory_space<semaphore_mem>>
      %dma_start3A_183 = arith.constant 0 : i32
      %dma_start3A_184 = tpu.memref_slice %arg2[%run_scoped3A_7, %mul3A_6, %dma_start3A_183] : memref<2x10000x16xf32, #tpu.memory_space<hbm>> -> memref<1x625x16xf32, #tpu.memory_space<hbm>>
      %dma_start3A_185 = tpu.memref_squeeze %dma_start3A_184 : memref<1x625x16xf32, #tpu.memory_space<hbm>> -> memref<625x16xf32, #tpu.memory_space<hbm>>
      %dma_start3A_186 = arith.constant 0 : i32
      %dma_start3A_187 = tpu.memref_slice %arg2[%run_scoped3A_7, %mul3A_6, %dma_start3A_186] : memref<2x10000x16xf32, #tpu.memory_space<hbm>> -> memref<1x625x16xf32, #tpu.memory_space<hbm>>
      %dma_start3A_188 = tpu.memref_squeeze %dma_start3A_187 : memref<1x625x16xf32, #tpu.memory_space<hbm>> -> memref<625x16xf32, #tpu.memory_space<hbm>>
      tpu.enqueue_dma source(%dma_start3A_188 : memref<625x16xf32, #tpu.memory_space<hbm>>) target(%arg13 : memref<625x16xf32, #tpu.memory_space<vmem>>) target_semaphore(%run_scoped3A_182 : memref<!tpu.dma_semaphore, #tpu.memory_space<semaphore_mem>>)
      %dma_wait3A_189 = arith.constant 0 : i32
      %dma_wait3A_190 = tpu.memref_slice %arg2[%run_scoped3A_7, %mul3A_6, %dma_wait3A_189] : memref<2x10000x16xf32, #tpu.memory_space<hbm>> -> memref<1x625x16xf32, #tpu.memory_space<hbm>>
      %dma_wait3A_191 = tpu.memref_squeeze %dma_wait3A_190 : memref<1x625x16xf32, #tpu.memory_space<hbm>> -> memref<625x16xf32, #tpu.memory_space<hbm>>
      %dma_wait3A_192 = arith.constant 0 : i32
      %dma_wait3A_193 = tpu.memref_slice %arg2[%run_scoped3A_7, %mul3A_6, %dma_wait3A_192] : memref<2x10000x16xf32, #tpu.memory_space<hbm>> -> memref<1x625x16xf32, #tpu.memory_space<hbm>>
      %dma_wait3A_194 = tpu.memref_squeeze %dma_wait3A_193 : memref<1x625x16xf32, #tpu.memory_space<hbm>> -> memref<625x16xf32, #tpu.memory_space<hbm>>
      tpu.wait_dma2 semaphore(%run_scoped3A_182 : memref<!tpu.dma_semaphore, #tpu.memory_space<semaphore_mem>>) src(%dma_wait3A_194 : memref<625x16xf32, #tpu.memory_space<hbm>>) dst(%arg13 : memref<625x16xf32, #tpu.memory_space<vmem>>)
      tpu.yield
    }) : () -> ()
    "tpu.region"() ({
      %run_scoped3A_182 = tpu.sem_alloc : memref<!tpu.dma_semaphore, #tpu.memory_space<semaphore_mem>>
      %dma_start3A_183 = arith.constant 0 : i32
      %dma_start3A_184 = tpu.memref_slice %arg3[%mul3A_6, %dma_start3A_183] : memref<10000x16xf32, #tpu.memory_space<hbm>> -> memref<625x16xf32, #tpu.memory_space<hbm>>
      %dma_start3A_185 = arith.constant 0 : i32
      %dma_start3A_186 = tpu.memref_slice %arg3[%mul3A_6, %dma_start3A_185] : memref<10000x16xf32, #tpu.memory_space<hbm>> -> memref<625x16xf32, #tpu.memory_space<hbm>>
      tpu.enqueue_dma source(%dma_start3A_186 : memref<625x16xf32, #tpu.memory_space<hbm>>) target(%arg14 : memref<625x16xf32, #tpu.memory_space<vmem>>) target_semaphore(%run_scoped3A_182 : memref<!tpu.dma_semaphore, #tpu.memory_space<semaphore_mem>>)
      %dma_wait3A_187 = arith.constant 0 : i32
      %dma_wait3A_188 = tpu.memref_slice %arg3[%mul3A_6, %dma_wait3A_187] : memref<10000x16xf32, #tpu.memory_space<hbm>> -> memref<625x16xf32, #tpu.memory_space<hbm>>
      %dma_wait3A_189 = arith.constant 0 : i32
      %dma_wait3A_190 = tpu.memref_slice %arg3[%mul3A_6, %dma_wait3A_189] : memref<10000x16xf32, #tpu.memory_space<hbm>> -> memref<625x16xf32, #tpu.memory_space<hbm>>
      tpu.wait_dma2 semaphore(%run_scoped3A_182 : memref<!tpu.dma_semaphore, #tpu.memory_space<semaphore_mem>>) src(%dma_wait3A_190 : memref<625x16xf32, #tpu.memory_space<hbm>>) dst(%arg14 : memref<625x16xf32, #tpu.memory_space<vmem>>)
      tpu.yield
    }) : () -> ()
    "tpu.region"() ({
      %run_scoped3A_182 = tpu.sem_alloc : memref<!tpu.dma_semaphore, #tpu.memory_space<semaphore_mem>>
      tpu.enqueue_dma source(%arg4 : memref<16xf32, #tpu.memory_space<hbm>>) target(%arg16 : memref<16xf32, #tpu.memory_space<vmem>>) target_semaphore(%run_scoped3A_182 : memref<!tpu.dma_semaphore, #tpu.memory_space<semaphore_mem>>)
      tpu.wait_dma2 semaphore(%run_scoped3A_182 : memref<!tpu.dma_semaphore, #tpu.memory_space<semaphore_mem>>) src(%arg4 : memref<16xf32, #tpu.memory_space<hbm>>) dst(%arg16 : memref<16xf32, #tpu.memory_space<vmem>>)
      tpu.yield
    }) : () -> ()
    %scan3A = arith.constant 0 : i32
    %scan3A_8 = arith.constant 0 : i32
    %scan3A_9 = arith.constant 625 : i32
    %scan3A_10 = arith.addi %scan3A_8, %scan3A_9 : i32
    %scan3A_11 = arith.constant 1 : i32
    %scan3A_12 = scf.for %scan3A_182 = %scan3A_8 to %scan3A_10 step %scan3A_11 iter_args(%scan3A_183 = %scan3A) -> (i32)  : i32 {
      %get3A = arith.index_cast %scan3A_182 : i32 to index
      %get3A_184 = arith.constant 0 : index
      %get3A_185 = tpu.vector_load %arg14[%get3A, %get3A_184] {strides = array<i32>} : memref<625x16xf32, #tpu.memory_space<vmem>>, vector<1x16xf32>,
      %get3A_186 = vector.shape_cast %get3A_185 : vector<1x16xf32> to vector<16xf32>
      %get3A_187 = arith.index_cast %scan3A_182 : i32 to index
      %get3A_188 = arith.constant 0 : index
      %get3A_189 = tpu.vector_load %arg12[%get3A_187, %get3A_188] {strides = array<i32>} : memref<625x16xf32, #tpu.memory_space<vmem>>, vector<1x16xf32>,
      %get3A_190 = vector.shape_cast %get3A_189 : vector<1x16xf32> to vector<16xf32>
      %get3A_191 = arith.index_cast %scan3A_182 : i32 to index
      %get3A_192 = arith.constant 0 : index
      %get3A_193 = tpu.vector_load %arg13[%get3A_191, %get3A_192] {strides = array<i32>} : memref<625x16xf32, #tpu.memory_space<vmem>>, vector<1x16xf32>,
      %get3A_194 = vector.shape_cast %get3A_193 : vector<1x16xf32> to vector<16xf32>
      %add3A_195 = arith.addf %get3A_190, %get3A_194 : vector<16xf32>
      %mul3A_196 = arith.mulf %get3A_186, %add3A_195 : vector<16xf32>
      %get3A_197 = arith.constant 0 : index
      %get3A_198 = tpu.vector_load %arg16[%get3A_197] {strides = array<i32>} : memref<16xf32, #tpu.memory_space<vmem>>, vector<16xf32>,
      %get3A_199 = vector.shape_cast %get3A_198 : vector<16xf32> to vector<16xf32>
      %add3A_200 = arith.addf %mul3A_196, %get3A_199 : vector<16xf32>
      %max3A = arith.constant 0.000000e+00 : f32
      %max3A_201 = vector.broadcast %max3A : f32 to vector<16xf32>
      %max3A_202 = arith.maximumf %add3A_200, %max3A_201 : vector<16xf32>
      %mul3A_203 = arith.mulf %get3A_186, %max3A_202 : vector<16xf32>
      %swap3A_204 = arith.index_cast %scan3A_182 : i32 to index
      %swap3A_205 = arith.constant 0 : index
      %swap3A_206 = tpu.vector_load %arg15[%swap3A_204, %swap3A_205] {strides = array<i32>} : memref<625x16xf32, #tpu.memory_space<vmem>>, vector<1x16xf32>,
      %swap3A_207 = vector.shape_cast %swap3A_206 : vector<1x16xf32> to vector<16xf32>
      %swap3A_208 = vector.shape_cast %mul3A_203 : vector<16xf32> to vector<1x16xf32>
      tpu.vector_store %arg15[%swap3A_204, %swap3A_205], %swap3A_208 {strides = array<i32>} : memref<625x16xf32, #tpu.memory_space<vmem>>, vector<1x16xf32>,
      %scan3A_209 = arith.constant 0 : i32
      scf.yield %scan3A_209 : i32
    }
    %scan3A_13 = arith.constant 625 : i32
    "tpu.region"() ({
      %run_scoped3A_182 = tpu.sem_alloc : memref<!tpu.dma_semaphore, #tpu.memory_space<semaphore_mem>>
      %dma_start3A_183 = arith.constant 0 : i32
      %dma_start3A_184 = tpu.memref_slice %arg18[%mul3A_6, %dma_start3A_183] : memref<10000x16xf32, #tpu.memory_space<vmem_shared>> -> memref<625x16xf32, #tpu.memory_space<vmem_shared>>
      %dma_start3A_185 = arith.constant 0 : i32
      %dma_start3A_186 = tpu.memref_slice %arg18[%mul3A_6, %dma_start3A_185] : memref<10000x16xf32, #tpu.memory_space<vmem_shared>> -> memref<625x16xf32, #tpu.memory_space<vmem_shared>>
      tpu.enqueue_dma source(%arg15 : memref<625x16xf32, #tpu.memory_space<vmem>>) target(%dma_start3A_186 : memref<625x16xf32, #tpu.memory_space<vmem_shared>>) target_semaphore(%run_scoped3A_182 : memref<!tpu.dma_semaphore, #tpu.memory_space<semaphore_mem>>)
      %dma_wait3A_187 = arith.constant 0 : i32
      %dma_wait3A_188 = tpu.memref_slice %arg18[%mul3A_6, %dma_wait3A_187] : memref<10000x16xf32, #tpu.memory_space<vmem_shared>> -> memref<625x16xf32, #tpu.memory_space<vmem_shared>>
      %dma_wait3A_189 = arith.constant 0 : i32
      %dma_wait3A_190 = tpu.memref_slice %arg18[%mul3A_6, %dma_wait3A_189] : memref<10000x16xf32, #tpu.memory_space<vmem_shared>> -> memref<625x16xf32, #tpu.memory_space<vmem_shared>>
      tpu.wait_dma2 semaphore(%run_scoped3A_182 : memref<!tpu.dma_semaphore, #tpu.memory_space<semaphore_mem>>) src(%arg15 : memref<625x16xf32, #tpu.memory_space<vmem>>) dst(%dma_wait3A_190 : memref<625x16xf32, #tpu.memory_space<vmem_shared>>)
      tpu.yield
    }) : () -> ()
    %broadcast_in_dim3A = arith.constant 0.000000e+00 : f32
    %broadcast_in_dim3A_14 = vector.broadcast %broadcast_in_dim3A : f32 to vector<16xf32>
    %scan3A_15 = arith.constant 0 : i32
    %scan3A_16 = arith.constant 0 : i32
    %scan3A_17 = arith.constant 78 : i32
    %scan3A_18 = arith.addi %scan3A_16, %scan3A_17 : i32
    %scan3A_19 = arith.constant 1 : i32
    %scan3A_20 = scf.for %scan3A_182 = %scan3A_16 to %scan3A_18 step %scan3A_19 iter_args(%scan3A_183 = %scan3A_15) -> (i32)  : i32 {
      %mul3A_184 = arith.constant 8 : i32
      %mul3A_185 = arith.muli %scan3A_182, %mul3A_184 : i32
      %add3A_186 = arith.constant 0 : i32
      %add3A_187 = arith.addi %mul3A_185, %add3A_186 : i32
      %swap3A_188 = arith.index_cast %add3A_187 : i32 to index
      %swap3A_189 = arith.constant 0 : index
      %swap3A_190 = tpu.vector_load %arg12[%swap3A_188, %swap3A_189] {strides = array<i32>} : memref<625x16xf32, #tpu.memory_space<vmem>>, vector<1x16xf32>,
      %swap3A_191 = vector.shape_cast %swap3A_190 : vector<1x16xf32> to vector<16xf32>
      %swap3A_192 = vector.shape_cast %broadcast_in_dim3A_14 : vector<16xf32> to vector<1x16xf32>
      tpu.vector_store %arg12[%swap3A_188, %swap3A_189], %swap3A_192 {strides = array<i32>} : memref<625x16xf32, #tpu.memory_space<vmem>>, vector<1x16xf32>,
      %mul3A_193 = arith.constant 8 : i32
      %mul3A_194 = arith.muli %scan3A_182, %mul3A_193 : i32
      %add3A_195 = arith.constant 1 : i32
      %add3A_196 = arith.addi %mul3A_194, %add3A_195 : i32
      %swap3A_197 = arith.index_cast %add3A_196 : i32 to index
      %swap3A_198 = arith.constant 0 : index
      %swap3A_199 = tpu.vector_load %arg12[%swap3A_197, %swap3A_198] {strides = array<i32>} : memref<625x16xf32, #tpu.memory_space<vmem>>, vector<1x16xf32>,
      %swap3A_200 = vector.shape_cast %swap3A_199 : vector<1x16xf32> to vector<16xf32>
      %swap3A_201 = vector.shape_cast %broadcast_in_dim3A_14 : vector<16xf32> to vector<1x16xf32>
      tpu.vector_store %arg12[%swap3A_197, %swap3A_198], %swap3A_201 {strides = array<i32>} : memref<625x16xf32, #tpu.memory_space<vmem>>, vector<1x16xf32>,
      %mul3A_202 = arith.constant 8 : i32
      %mul3A_203 = arith.muli %scan3A_182, %mul3A_202 : i32
      %add3A_204 = arith.constant 2 : i32
      %add3A_205 = arith.addi %mul3A_203, %add3A_204 : i32
      %swap3A_206 = arith.index_cast %add3A_205 : i32 to index
      %swap3A_207 = arith.constant 0 : index
      %swap3A_208 = tpu.vector_load %arg12[%swap3A_206, %swap3A_207] {strides = array<i32>} : memref<625x16xf32, #tpu.memory_space<vmem>>, vector<1x16xf32>,
      %swap3A_209 = vector.shape_cast %swap3A_208 : vector<1x16xf32> to vector<16xf32>
      %swap3A_210 = vector.shape_cast %broadcast_in_dim3A_14 : vector<16xf32> to vector<1x16xf32>
      tpu.vector_store %arg12[%swap3A_206, %swap3A_207], %swap3A_210 {strides = array<i32>} : memref<625x16xf32, #tpu.memory_space<vmem>>, vector<1x16xf32>,
      %mul3A_211 = arith.constant 8 : i32
      %mul3A_212 = arith.muli %scan3A_182, %mul3A_211 : i32
      %add3A_213 = arith.constant 3 : i32
      %add3A_214 = arith.addi %mul3A_212, %add3A_213 : i32
      %swap3A_215 = arith.index_cast %add3A_214 : i32 to index
      %swap3A_216 = arith.constant 0 : index
      %swap3A_217 = tpu.vector_load %arg12[%swap3A_215, %swap3A_216] {strides = array<i32>} : memref<625x16xf32, #tpu.memory_space<vmem>>, vector<1x16xf32>,
      %swap3A_218 = vector.shape_cast %swap3A_217 : vector<1x16xf32> to vector<16xf32>
      %swap3A_219 = vector.shape_cast %broadcast_in_dim3A_14 : vector<16xf32> to vector<1x16xf32>
      tpu.vector_store %arg12[%swap3A_215, %swap3A_216], %swap3A_219 {strides = array<i32>} : memref<625x16xf32, #tpu.memory_space<vmem>>, vector<1x16xf32>,
      %mul3A_220 = arith.constant 8 : i32
      %mul3A_221 = arith.muli %scan3A_182, %mul3A_220 : i32
      %add3A_222 = arith.constant 4 : i32
      %add3A_223 = arith.addi %mul3A_221, %add3A_222 : i32
      %swap3A_224 = arith.index_cast %add3A_223 : i32 to index
      %swap3A_225 = arith.constant 0 : index
      %swap3A_226 = tpu.vector_load %arg12[%swap3A_224, %swap3A_225] {strides = array<i32>} : memref<625x16xf32, #tpu.memory_space<vmem>>, vector<1x16xf32>,
      %swap3A_227 = vector.shape_cast %swap3A_226 : vector<1x16xf32> to vector<16xf32>
      %swap3A_228 = vector.shape_cast %broadcast_in_dim3A_14 : vector<16xf32> to vector<1x16xf32>
      tpu.vector_store %arg12[%swap3A_224, %swap3A_225], %swap3A_228 {strides = array<i32>} : memref<625x16xf32, #tpu.memory_space<vmem>>, vector<1x16xf32>,
      %mul3A_229 = arith.constant 8 : i32
      %mul3A_230 = arith.muli %scan3A_182, %mul3A_229 : i32
      %add3A_231 = arith.constant 5 : i32
      %add3A_232 = arith.addi %mul3A_230, %add3A_231 : i32
      %swap3A_233 = arith.index_cast %add3A_232 : i32 to index
      %swap3A_234 = arith.constant 0 : index
      %swap3A_235 = tpu.vector_load %arg12[%swap3A_233, %swap3A_234] {strides = array<i32>} : memref<625x16xf32, #tpu.memory_space<vmem>>, vector<1x16xf32>,
      %swap3A_236 = vector.shape_cast %swap3A_235 : vector<1x16xf32> to vector<16xf32>
      %swap3A_237 = vector.shape_cast %broadcast_in_dim3A_14 : vector<16xf32> to vector<1x16xf32>
      tpu.vector_store %arg12[%swap3A_233, %swap3A_234], %swap3A_237 {strides = array<i32>} : memref<625x16xf32, #tpu.memory_space<vmem>>, vector<1x16xf32>,
      %mul3A_238 = arith.constant 8 : i32
      %mul3A_239 = arith.muli %scan3A_182, %mul3A_238 : i32
      %add3A_240 = arith.constant 6 : i32
      %add3A_241 = arith.addi %mul3A_239, %add3A_240 : i32
      %swap3A_242 = arith.index_cast %add3A_241 : i32 to index
      %swap3A_243 = arith.constant 0 : index
      %swap3A_244 = tpu.vector_load %arg12[%swap3A_242, %swap3A_243] {strides = array<i32>} : memref<625x16xf32, #tpu.memory_space<vmem>>, vector<1x16xf32>,
      %swap3A_245 = vector.shape_cast %swap3A_244 : vector<1x16xf32> to vector<16xf32>
      %swap3A_246 = vector.shape_cast %broadcast_in_dim3A_14 : vector<16xf32> to vector<1x16xf32>
      tpu.vector_store %arg12[%swap3A_242, %swap3A_243], %swap3A_246 {strides = array<i32>} : memref<625x16xf32, #tpu.memory_space<vmem>>, vector<1x16xf32>,
      %mul3A_247 = arith.constant 8 : i32
      %mul3A_248 = arith.muli %scan3A_182, %mul3A_247 : i32
      %add3A_249 = arith.constant 7 : i32
      %add3A_250 = arith.addi %mul3A_248, %add3A_249 : i32
      %swap3A_251 = arith.index_cast %add3A_250 : i32 to index
      %swap3A_252 = arith.constant 0 : index
      %swap3A_253 = tpu.vector_load %arg12[%swap3A_251, %swap3A_252] {strides = array<i32>} : memref<625x16xf32, #tpu.memory_space<vmem>>, vector<1x16xf32>,
      %swap3A_254 = vector.shape_cast %swap3A_253 : vector<1x16xf32> to vector<16xf32>
      %swap3A_255 = vector.shape_cast %broadcast_in_dim3A_14 : vector<16xf32> to vector<1x16xf32>
      tpu.vector_store %arg12[%swap3A_251, %swap3A_252], %swap3A_255 {strides = array<i32>} : memref<625x16xf32, #tpu.memory_space<vmem>>, vector<1x16xf32>,
      %scan3A_256 = arith.constant 0 : i32
      scf.yield %scan3A_256 : i32
    }
    %scan3A_21 = arith.constant 78 : i32
    %swap3A = arith.constant 624 : i32
    %swap3A_22 = arith.index_cast %swap3A : i32 to index
    %swap3A_23 = arith.constant 0 : index
    %swap3A_24 = tpu.vector_load %arg12[%swap3A_22, %swap3A_23] {strides = array<i32>} : memref<625x16xf32, #tpu.memory_space<vmem>>, vector<1x16xf32>,
    %swap3A_25 = vector.shape_cast %swap3A_24 : vector<1x16xf32> to vector<16xf32>
    %swap3A_26 = vector.shape_cast %broadcast_in_dim3A_14 : vector<16xf32> to vector<1x16xf32>
    tpu.vector_store %arg12[%swap3A_22, %swap3A_23], %swap3A_26 {strides = array<i32>} : memref<625x16xf32, #tpu.memory_space<vmem>>, vector<1x16xf32>,
    %eq3A = arith.constant 0 : i32
    %eq3A_27 = arith.cmpi eq, %arg0, %eq3A : i32
    %convert_element_type3A = arith.extui %eq3A_27 : i1 to i32
    %cond3A = arith.constant 0 : i32
    %cond3A_28 = arith.cmpi ne, %convert_element_type3A, %cond3A : i32
    scf.if %cond3A_28 {
      "tpu.region"() ({
        %run_scoped3A_182 = tpu.sem_alloc : memref<!tpu.dma_semaphore, #tpu.memory_space<semaphore_mem>>
        %dma_start3A_183 = arith.constant 0 : i32
        %dma_start3A_184 = tpu.memref_slice %arg17[%mul3A_6, %dma_start3A_183] : memref<10000x16xf32, #tpu.memory_space<vmem_shared>> -> memref<625x16xf32, #tpu.memory_space<vmem_shared>>
        %dma_start3A_185 = arith.constant 0 : i32
        %dma_start3A_186 = tpu.memref_slice %arg17[%mul3A_6, %dma_start3A_185] : memref<10000x16xf32, #tpu.memory_space<vmem_shared>> -> memref<625x16xf32, #tpu.memory_space<vmem_shared>>
        tpu.enqueue_dma source(%arg15 : memref<625x16xf32, #tpu.memory_space<vmem>>) target(%dma_start3A_186 : memref<625x16xf32, #tpu.memory_space<vmem_shared>>) target_semaphore(%run_scoped3A_182 : memref<!tpu.dma_semaphore, #tpu.memory_space<semaphore_mem>>)
        %dma_wait3A_187 = arith.constant 0 : i32
        %dma_wait3A_188 = tpu.memref_slice %arg17[%mul3A_6, %dma_wait3A_187] : memref<10000x16xf32, #tpu.memory_space<vmem_shared>> -> memref<625x16xf32, #tpu.memory_space<vmem_shared>>
        %dma_wait3A_189 = arith.constant 0 : i32
        %dma_wait3A_190 = tpu.memref_slice %arg17[%mul3A_6, %dma_wait3A_189] : memref<10000x16xf32, #tpu.memory_space<vmem_shared>> -> memref<625x16xf32, #tpu.memory_space<vmem_shared>>
        tpu.wait_dma2 semaphore(%run_scoped3A_182 : memref<!tpu.dma_semaphore, #tpu.memory_space<semaphore_mem>>) src(%arg15 : memref<625x16xf32, #tpu.memory_space<vmem>>) dst(%dma_wait3A_190 : memref<625x16xf32, #tpu.memory_space<vmem_shared>>)
        tpu.yield
      }) : () -> ()
    } else {
    }
    %ne3A = arith.constant 0 : i32
    %ne3A_29 = arith.cmpi ne, %arg0, %ne3A : i32
    %convert_element_type3A_30 = arith.extui %ne3A_29 : i1 to i32
    %cond3A_31 = arith.constant 0 : i32
    %cond3A_32 = arith.cmpi ne, %convert_element_type3A_30, %cond3A_31 : i32
    scf.if %cond3A_32 {
      "tpu.region"() ({
        %run_scoped3A_182 = tpu.sem_alloc : memref<!tpu.dma_semaphore, #tpu.memory_space<semaphore_mem>>
        %dma_start3A_183 = arith.constant 0 : i32
        %dma_start3A_184 = tpu.memref_slice %arg17[%mul3A_6, %dma_start3A_183] : memref<10000x16xf32, #tpu.memory_space<vmem_shared>> -> memref<625x16xf32, #tpu.memory_space<vmem_shared>>
        %dma_start3A_185 = arith.constant 0 : i32
        %dma_start3A_186 = tpu.memref_slice %arg17[%mul3A_6, %dma_start3A_185] : memref<10000x16xf32, #tpu.memory_space<vmem_shared>> -> memref<625x16xf32, #tpu.memory_space<vmem_shared>>
        tpu.enqueue_dma source(%arg12 : memref<625x16xf32, #tpu.memory_space<vmem>>) target(%dma_start3A_186 : memref<625x16xf32, #tpu.memory_space<vmem_shared>>) target_semaphore(%run_scoped3A_182 : memref<!tpu.dma_semaphore, #tpu.memory_space<semaphore_mem>>)
        %dma_wait3A_187 = arith.constant 0 : i32
        %dma_wait3A_188 = tpu.memref_slice %arg17[%mul3A_6, %dma_wait3A_187] : memref<10000x16xf32, #tpu.memory_space<vmem_shared>> -> memref<625x16xf32, #tpu.memory_space<vmem_shared>>
        %dma_wait3A_189 = arith.constant 0 : i32
        %dma_wait3A_190 = tpu.memref_slice %arg17[%mul3A_6, %dma_wait3A_189] : memref<10000x16xf32, #tpu.memory_space<vmem_shared>> -> memref<625x16xf32, #tpu.memory_space<vmem_shared>>
        tpu.wait_dma2 semaphore(%run_scoped3A_182 : memref<!tpu.dma_semaphore, #tpu.memory_space<semaphore_mem>>) src(%arg12 : memref<625x16xf32, #tpu.memory_space<vmem>>) dst(%dma_wait3A_190 : memref<625x16xf32, #tpu.memory_space<vmem_shared>>)
        tpu.yield
      }) : () -> ()
    } else {
    }
    %barrier3A = arith.constant 0 : index
    tpu.barrier barrier_id(%barrier3A)
    %dma_start3A = arith.constant 0 : i32
    %dma_start3A_33 = arith.constant 0 : i32
    %dma_start3A_34 = tpu.memref_slice %arg8[%dma_start3A, %dma_start3A_33] : memref<10x1000xi32, #tpu.memory_space<vmem>> -> memref<1x1000xi32, #tpu.memory_space<vmem>>
    %dma_start3A_35 = tpu.memref_squeeze %dma_start3A_34 : memref<1x1000xi32, #tpu.memory_space<vmem>> -> memref<1000xi32, #tpu.memory_space<vmem>>
    %dma_start3A_36 = arith.constant 0 : i32
    %dma_start3A_37 = arith.constant 0 : i32
    %dma_start3A_38 = tpu.memref_slice %arg18[%dma_start3A_36, %dma_start3A_37] : memref<10000x16xf32, #tpu.memory_space<vmem_shared>> -> memref<10000x16xf32, #tpu.memory_space<vmem_shared>>
    tpu.enqueue_indirect_dma source(%dma_start3A_38 : memref<10000x16xf32, #tpu.memory_space<vmem_shared>>) target(%arg10 : memref<1000x16xf32, #tpu.memory_space<vmem>>) offsets(%dma_start3A_35 : memref<1000xi32, #tpu.memory_space<vmem>>) semaphore(%arg19 : memref<!tpu.dma_semaphore, #tpu.memory_space<semaphore_mem>>)
    %dma_start3A_39 = arith.constant 1 : i32
    %dma_start3A_40 = arith.constant 0 : i32
    %dma_start3A_41 = tpu.memref_slice %arg8[%dma_start3A_39, %dma_start3A_40] : memref<10x1000xi32, #tpu.memory_space<vmem>> -> memref<1x1000xi32, #tpu.memory_space<vmem>>
    %dma_start3A_42 = tpu.memref_squeeze %dma_start3A_41 : memref<1x1000xi32, #tpu.memory_space<vmem>> -> memref<1000xi32, #tpu.memory_space<vmem>>
    %dma_start3A_43 = arith.constant 0 : i32
    %dma_start3A_44 = arith.constant 0 : i32
    %dma_start3A_45 = tpu.memref_slice %arg18[%dma_start3A_43, %dma_start3A_44] : memref<10000x16xf32, #tpu.memory_space<vmem_shared>> -> memref<10000x16xf32, #tpu.memory_space<vmem_shared>>
    tpu.enqueue_indirect_dma source(%dma_start3A_45 : memref<10000x16xf32, #tpu.memory_space<vmem_shared>>) target(%arg11 : memref<1000x16xf32, #tpu.memory_space<vmem>>) offsets(%dma_start3A_42 : memref<1000xi32, #tpu.memory_space<vmem>>) semaphore(%arg20 : memref<!tpu.dma_semaphore, #tpu.memory_space<semaphore_mem>>)
    %dma_wait3A = arith.constant 0 : i32
    %dma_wait3A_46 = arith.constant 0 : i32
    %dma_wait3A_47 = tpu.memref_slice %arg8[%dma_wait3A, %dma_wait3A_46] : memref<10x1000xi32, #tpu.memory_space<vmem>> -> memref<1x1000xi32, #tpu.memory_space<vmem>>
    %dma_wait3A_48 = tpu.memref_squeeze %dma_wait3A_47 : memref<1x1000xi32, #tpu.memory_space<vmem>> -> memref<1000xi32, #tpu.memory_space<vmem>>
    %dma_wait3A_49 = arith.constant 0 : i32
    %dma_wait3A_50 = arith.constant 0 : i32
    %dma_wait3A_51 = tpu.memref_slice %arg18[%dma_wait3A_49, %dma_wait3A_50] : memref<10000x16xf32, #tpu.memory_space<vmem_shared>> -> memref<10000x16xf32, #tpu.memory_space<vmem_shared>>
    tpu.wait_indirect_dma semaphore(%arg19 : memref<!tpu.dma_semaphore, #tpu.memory_space<semaphore_mem>>) src(%dma_wait3A_51 : memref<10000x16xf32, #tpu.memory_space<vmem_shared>>) dst(%arg10 : memref<1000x16xf32, #tpu.memory_space<vmem>>)
    %run_scoped3A_52 = arith.constant 0 : i32
    "tpu.region"() ({
      %run_scoped3A_182 = tpu.sem_alloc : memref<!tpu.dma_semaphore, #tpu.memory_space<semaphore_mem>>
      %dma_start3A_183 = arith.constant 0 : i32
      %dma_start3A_184 = tpu.memref_slice %arg9[%run_scoped3A_52, %dma_start3A_183] : memref<10x1000xi32, #tpu.memory_space<vmem>> -> memref<1x1000xi32, #tpu.memory_space<vmem>>
      %dma_start3A_185 = tpu.memref_squeeze %dma_start3A_184 : memref<1x1000xi32, #tpu.memory_space<vmem>> -> memref<1000xi32, #tpu.memory_space<vmem>>
      %dma_start3A_186 = arith.constant 0 : i32
      %dma_start3A_187 = arith.constant 0 : i32
      %dma_start3A_188 = tpu.memref_slice %arg17[%dma_start3A_186, %dma_start3A_187] : memref<10000x16xf32, #tpu.memory_space<vmem_shared>> -> memref<10000x16xf32, #tpu.memory_space<vmem_shared>>
      tpu.enqueue_indirect_dma source(%arg10 : memref<1000x16xf32, #tpu.memory_space<vmem>>) target(%dma_start3A_188 : memref<10000x16xf32, #tpu.memory_space<vmem_shared>>) offsets(%dma_start3A_185 : memref<1000xi32, #tpu.memory_space<vmem>>) semaphore(%run_scoped3A_182 : memref<!tpu.dma_semaphore, #tpu.memory_space<semaphore_mem>>) {add = true}
      %dma_wait3A_189 = arith.constant 0 : i32
      %dma_wait3A_190 = tpu.memref_slice %arg9[%run_scoped3A_52, %dma_wait3A_189] : memref<10x1000xi32, #tpu.memory_space<vmem>> -> memref<1x1000xi32, #tpu.memory_space<vmem>>
      %dma_wait3A_191 = tpu.memref_squeeze %dma_wait3A_190 : memref<1x1000xi32, #tpu.memory_space<vmem>> -> memref<1000xi32, #tpu.memory_space<vmem>>
      %dma_wait3A_192 = arith.constant 0 : i32
      %dma_wait3A_193 = arith.constant 0 : i32
      %dma_wait3A_194 = tpu.memref_slice %arg17[%dma_wait3A_192, %dma_wait3A_193] : memref<10000x16xf32, #tpu.memory_space<vmem_shared>> -> memref<10000x16xf32, #tpu.memory_space<vmem_shared>>
      tpu.wait_indirect_dma semaphore(%run_scoped3A_182 : memref<!tpu.dma_semaphore, #tpu.memory_space<semaphore_mem>>) src(%arg10 : memref<1000x16xf32, #tpu.memory_space<vmem>>) dst(%dma_wait3A_194 : memref<10000x16xf32, #tpu.memory_space<vmem_shared>>)
      tpu.yield
    }) : () -> ()
    %dma_start3A_53 = arith.constant 2 : i32
    %dma_start3A_54 = arith.constant 0 : i32
    %dma_start3A_55 = tpu.memref_slice %arg8[%dma_start3A_53, %dma_start3A_54] : memref<10x1000xi32, #tpu.memory_space<vmem>> -> memref<1x1000xi32, #tpu.memory_space<vmem>>
    %dma_start3A_56 = tpu.memref_squeeze %dma_start3A_55 : memref<1x1000xi32, #tpu.memory_space<vmem>> -> memref<1000xi32, #tpu.memory_space<vmem>>
    %dma_start3A_57 = arith.constant 0 : i32
    %dma_start3A_58 = arith.constant 0 : i32
    %dma_start3A_59 = tpu.memref_slice %arg18[%dma_start3A_57, %dma_start3A_58] : memref<10000x16xf32, #tpu.memory_space<vmem_shared>> -> memref<10000x16xf32, #tpu.memory_space<vmem_shared>>
    tpu.enqueue_indirect_dma source(%dma_start3A_59 : memref<10000x16xf32, #tpu.memory_space<vmem_shared>>) target(%arg10 : memref<1000x16xf32, #tpu.memory_space<vmem>>) offsets(%dma_start3A_56 : memref<1000xi32, #tpu.memory_space<vmem>>) semaphore(%arg19 : memref<!tpu.dma_semaphore, #tpu.memory_space<semaphore_mem>>)
    %dma_wait3A_60 = arith.constant 1 : i32
    %dma_wait3A_61 = arith.constant 0 : i32
    %dma_wait3A_62 = tpu.memref_slice %arg8[%dma_wait3A_60, %dma_wait3A_61] : memref<10x1000xi32, #tpu.memory_space<vmem>> -> memref<1x1000xi32, #tpu.memory_space<vmem>>
    %dma_wait3A_63 = tpu.memref_squeeze %dma_wait3A_62 : memref<1x1000xi32, #tpu.memory_space<vmem>> -> memref<1000xi32, #tpu.memory_space<vmem>>
    %dma_wait3A_64 = arith.constant 0 : i32
    %dma_wait3A_65 = arith.constant 0 : i32
    %dma_wait3A_66 = tpu.memref_slice %arg18[%dma_wait3A_64, %dma_wait3A_65] : memref<10000x16xf32, #tpu.memory_space<vmem_shared>> -> memref<10000x16xf32, #tpu.memory_space<vmem_shared>>
    tpu.wait_indirect_dma semaphore(%arg20 : memref<!tpu.dma_semaphore, #tpu.memory_space<semaphore_mem>>) src(%dma_wait3A_66 : memref<10000x16xf32, #tpu.memory_space<vmem_shared>>) dst(%arg11 : memref<1000x16xf32, #tpu.memory_space<vmem>>)
    %run_scoped3A_67 = arith.constant 1 : i32
    "tpu.region"() ({
      %run_scoped3A_182 = tpu.sem_alloc : memref<!tpu.dma_semaphore, #tpu.memory_space<semaphore_mem>>
      %dma_start3A_183 = arith.constant 0 : i32
      %dma_start3A_184 = tpu.memref_slice %arg9[%run_scoped3A_67, %dma_start3A_183] : memref<10x1000xi32, #tpu.memory_space<vmem>> -> memref<1x1000xi32, #tpu.memory_space<vmem>>
      %dma_start3A_185 = tpu.memref_squeeze %dma_start3A_184 : memref<1x1000xi32, #tpu.memory_space<vmem>> -> memref<1000xi32, #tpu.memory_space<vmem>>
      %dma_start3A_186 = arith.constant 0 : i32
      %dma_start3A_187 = arith.constant 0 : i32
      %dma_start3A_188 = tpu.memref_slice %arg17[%dma_start3A_186, %dma_start3A_187] : memref<10000x16xf32, #tpu.memory_space<vmem_shared>> -> memref<10000x16xf32, #tpu.memory_space<vmem_shared>>
      tpu.enqueue_indirect_dma source(%arg11 : memref<1000x16xf32, #tpu.memory_space<vmem>>) target(%dma_start3A_188 : memref<10000x16xf32, #tpu.memory_space<vmem_shared>>) offsets(%dma_start3A_185 : memref<1000xi32, #tpu.memory_space<vmem>>) semaphore(%run_scoped3A_182 : memref<!tpu.dma_semaphore, #tpu.memory_space<semaphore_mem>>) {add = true}
      %dma_wait3A_189 = arith.constant 0 : i32
      %dma_wait3A_190 = tpu.memref_slice %arg9[%run_scoped3A_67, %dma_wait3A_189] : memref<10x1000xi32, #tpu.memory_space<vmem>> -> memref<1x1000xi32, #tpu.memory_space<vmem>>
      %dma_wait3A_191 = tpu.memref_squeeze %dma_wait3A_190 : memref<1x1000xi32, #tpu.memory_space<vmem>> -> memref<1000xi32, #tpu.memory_space<vmem>>
      %dma_wait3A_192 = arith.constant 0 : i32
      %dma_wait3A_193 = arith.constant 0 : i32
      %dma_wait3A_194 = tpu.memref_slice %arg17[%dma_wait3A_192, %dma_wait3A_193] : memref<10000x16xf32, #tpu.memory_space<vmem_shared>> -> memref<10000x16xf32, #tpu.memory_space<vmem_shared>>
      tpu.wait_indirect_dma semaphore(%run_scoped3A_182 : memref<!tpu.dma_semaphore, #tpu.memory_space<semaphore_mem>>) src(%arg11 : memref<1000x16xf32, #tpu.memory_space<vmem>>) dst(%dma_wait3A_194 : memref<10000x16xf32, #tpu.memory_space<vmem_shared>>)
      tpu.yield
    }) : () -> ()
    %dma_start3A_68 = arith.constant 3 : i32
    %dma_start3A_69 = arith.constant 0 : i32
    %dma_start3A_70 = tpu.memref_slice %arg8[%dma_start3A_68, %dma_start3A_69] : memref<10x1000xi32, #tpu.memory_space<vmem>> -> memref<1x1000xi32, #tpu.memory_space<vmem>>
    %dma_start3A_71 = tpu.memref_squeeze %dma_start3A_70 : memref<1x1000xi32, #tpu.memory_space<vmem>> -> memref<1000xi32, #tpu.memory_space<vmem>>
    %dma_start3A_72 = arith.constant 0 : i32
    %dma_start3A_73 = arith.constant 0 : i32
    %dma_start3A_74 = tpu.memref_slice %arg18[%dma_start3A_72, %dma_start3A_73] : memref<10000x16xf32, #tpu.memory_space<vmem_shared>> -> memref<10000x16xf32, #tpu.memory_space<vmem_shared>>
    tpu.enqueue_indirect_dma source(%dma_start3A_74 : memref<10000x16xf32, #tpu.memory_space<vmem_shared>>) target(%arg11 : memref<1000x16xf32, #tpu.memory_space<vmem>>) offsets(%dma_start3A_71 : memref<1000xi32, #tpu.memory_space<vmem>>) semaphore(%arg20 : memref<!tpu.dma_semaphore, #tpu.memory_space<semaphore_mem>>)
    %dma_wait3A_75 = arith.constant 2 : i32
    %dma_wait3A_76 = arith.constant 0 : i32
    %dma_wait3A_77 = tpu.memref_slice %arg8[%dma_wait3A_75, %dma_wait3A_76] : memref<10x1000xi32, #tpu.memory_space<vmem>> -> memref<1x1000xi32, #tpu.memory_space<vmem>>
    %dma_wait3A_78 = tpu.memref_squeeze %dma_wait3A_77 : memref<1x1000xi32, #tpu.memory_space<vmem>> -> memref<1000xi32, #tpu.memory_space<vmem>>
    %dma_wait3A_79 = arith.constant 0 : i32
    %dma_wait3A_80 = arith.constant 0 : i32
    %dma_wait3A_81 = tpu.memref_slice %arg18[%dma_wait3A_79, %dma_wait3A_80] : memref<10000x16xf32, #tpu.memory_space<vmem_shared>> -> memref<10000x16xf32, #tpu.memory_space<vmem_shared>>
    tpu.wait_indirect_dma semaphore(%arg19 : memref<!tpu.dma_semaphore, #tpu.memory_space<semaphore_mem>>) src(%dma_wait3A_81 : memref<10000x16xf32, #tpu.memory_space<vmem_shared>>) dst(%arg10 : memref<1000x16xf32, #tpu.memory_space<vmem>>)
    %run_scoped3A_82 = arith.constant 2 : i32
    "tpu.region"() ({
      %run_scoped3A_182 = tpu.sem_alloc : memref<!tpu.dma_semaphore, #tpu.memory_space<semaphore_mem>>
      %dma_start3A_183 = arith.constant 0 : i32
      %dma_start3A_184 = tpu.memref_slice %arg9[%run_scoped3A_82, %dma_start3A_183] : memref<10x1000xi32, #tpu.memory_space<vmem>> -> memref<1x1000xi32, #tpu.memory_space<vmem>>
      %dma_start3A_185 = tpu.memref_squeeze %dma_start3A_184 : memref<1x1000xi32, #tpu.memory_space<vmem>> -> memref<1000xi32, #tpu.memory_space<vmem>>
      %dma_start3A_186 = arith.constant 0 : i32
      %dma_start3A_187 = arith.constant 0 : i32
      %dma_start3A_188 = tpu.memref_slice %arg17[%dma_start3A_186, %dma_start3A_187] : memref<10000x16xf32, #tpu.memory_space<vmem_shared>> -> memref<10000x16xf32, #tpu.memory_space<vmem_shared>>
      tpu.enqueue_indirect_dma source(%arg10 : memref<1000x16xf32, #tpu.memory_space<vmem>>) target(%dma_start3A_188 : memref<10000x16xf32, #tpu.memory_space<vmem_shared>>) offsets(%dma_start3A_185 : memref<1000xi32, #tpu.memory_space<vmem>>) semaphore(%run_scoped3A_182 : memref<!tpu.dma_semaphore, #tpu.memory_space<semaphore_mem>>) {add = true}
      %dma_wait3A_189 = arith.constant 0 : i32
      %dma_wait3A_190 = tpu.memref_slice %arg9[%run_scoped3A_82, %dma_wait3A_189] : memref<10x1000xi32, #tpu.memory_space<vmem>> -> memref<1x1000xi32, #tpu.memory_space<vmem>>
      %dma_wait3A_191 = tpu.memref_squeeze %dma_wait3A_190 : memref<1x1000xi32, #tpu.memory_space<vmem>> -> memref<1000xi32, #tpu.memory_space<vmem>>
      %dma_wait3A_192 = arith.constant 0 : i32
      %dma_wait3A_193 = arith.constant 0 : i32
      %dma_wait3A_194 = tpu.memref_slice %arg17[%dma_wait3A_192, %dma_wait3A_193] : memref<10000x16xf32, #tpu.memory_space<vmem_shared>> -> memref<10000x16xf32, #tpu.memory_space<vmem_shared>>
      tpu.wait_indirect_dma semaphore(%run_scoped3A_182 : memref<!tpu.dma_semaphore, #tpu.memory_space<semaphore_mem>>) src(%arg10 : memref<1000x16xf32, #tpu.memory_space<vmem>>) dst(%dma_wait3A_194 : memref<10000x16xf32, #tpu.memory_space<vmem_shared>>)
      tpu.yield
    }) : () -> ()
    %dma_start3A_83 = arith.constant 4 : i32
    %dma_start3A_84 = arith.constant 0 : i32
    %dma_start3A_85 = tpu.memref_slice %arg8[%dma_start3A_83, %dma_start3A_84] : memref<10x1000xi32, #tpu.memory_space<vmem>> -> memref<1x1000xi32, #tpu.memory_space<vmem>>
    %dma_start3A_86 = tpu.memref_squeeze %dma_start3A_85 : memref<1x1000xi32, #tpu.memory_space<vmem>> -> memref<1000xi32, #tpu.memory_space<vmem>>
    %dma_start3A_87 = arith.constant 0 : i32
    %dma_start3A_88 = arith.constant 0 : i32
    %dma_start3A_89 = tpu.memref_slice %arg18[%dma_start3A_87, %dma_start3A_88] : memref<10000x16xf32, #tpu.memory_space<vmem_shared>> -> memref<10000x16xf32, #tpu.memory_space<vmem_shared>>
    tpu.enqueue_indirect_dma source(%dma_start3A_89 : memref<10000x16xf32, #tpu.memory_space<vmem_shared>>) target(%arg10 : memref<1000x16xf32, #tpu.memory_space<vmem>>) offsets(%dma_start3A_86 : memref<1000xi32, #tpu.memory_space<vmem>>) semaphore(%arg19 : memref<!tpu.dma_semaphore, #tpu.memory_space<semaphore_mem>>)
    %dma_wait3A_90 = arith.constant 3 : i32
    %dma_wait3A_91 = arith.constant 0 : i32
    %dma_wait3A_92 = tpu.memref_slice %arg8[%dma_wait3A_90, %dma_wait3A_91] : memref<10x1000xi32, #tpu.memory_space<vmem>> -> memref<1x1000xi32, #tpu.memory_space<vmem>>
    %dma_wait3A_93 = tpu.memref_squeeze %dma_wait3A_92 : memref<1x1000xi32, #tpu.memory_space<vmem>> -> memref<1000xi32, #tpu.memory_space<vmem>>
    %dma_wait3A_94 = arith.constant 0 : i32
    %dma_wait3A_95 = arith.constant 0 : i32
    %dma_wait3A_96 = tpu.memref_slice %arg18[%dma_wait3A_94, %dma_wait3A_95] : memref<10000x16xf32, #tpu.memory_space<vmem_shared>> -> memref<10000x16xf32, #tpu.memory_space<vmem_shared>>
    tpu.wait_indirect_dma semaphore(%arg20 : memref<!tpu.dma_semaphore, #tpu.memory_space<semaphore_mem>>) src(%dma_wait3A_96 : memref<10000x16xf32, #tpu.memory_space<vmem_shared>>) dst(%arg11 : memref<1000x16xf32, #tpu.memory_space<vmem>>)
    %run_scoped3A_97 = arith.constant 3 : i32
    "tpu.region"() ({
      %run_scoped3A_182 = tpu.sem_alloc : memref<!tpu.dma_semaphore, #tpu.memory_space<semaphore_mem>>
      %dma_start3A_183 = arith.constant 0 : i32
      %dma_start3A_184 = tpu.memref_slice %arg9[%run_scoped3A_97, %dma_start3A_183] : memref<10x1000xi32, #tpu.memory_space<vmem>> -> memref<1x1000xi32, #tpu.memory_space<vmem>>
      %dma_start3A_185 = tpu.memref_squeeze %dma_start3A_184 : memref<1x1000xi32, #tpu.memory_space<vmem>> -> memref<1000xi32, #tpu.memory_space<vmem>>
      %dma_start3A_186 = arith.constant 0 : i32
      %dma_start3A_187 = arith.constant 0 : i32
      %dma_start3A_188 = tpu.memref_slice %arg17[%dma_start3A_186, %dma_start3A_187] : memref<10000x16xf32, #tpu.memory_space<vmem_shared>> -> memref<10000x16xf32, #tpu.memory_space<vmem_shared>>
      tpu.enqueue_indirect_dma source(%arg11 : memref<1000x16xf32, #tpu.memory_space<vmem>>) target(%dma_start3A_188 : memref<10000x16xf32, #tpu.memory_space<vmem_shared>>) offsets(%dma_start3A_185 : memref<1000xi32, #tpu.memory_space<vmem>>) semaphore(%run_scoped3A_182 : memref<!tpu.dma_semaphore, #tpu.memory_space<semaphore_mem>>) {add = true}
      %dma_wait3A_189 = arith.constant 0 : i32
      %dma_wait3A_190 = tpu.memref_slice %arg9[%run_scoped3A_97, %dma_wait3A_189] : memref<10x1000xi32, #tpu.memory_space<vmem>> -> memref<1x1000xi32, #tpu.memory_space<vmem>>
      %dma_wait3A_191 = tpu.memref_squeeze %dma_wait3A_190 : memref<1x1000xi32, #tpu.memory_space<vmem>> -> memref<1000xi32, #tpu.memory_space<vmem>>
      %dma_wait3A_192 = arith.constant 0 : i32
      %dma_wait3A_193 = arith.constant 0 : i32
      %dma_wait3A_194 = tpu.memref_slice %arg17[%dma_wait3A_192, %dma_wait3A_193] : memref<10000x16xf32, #tpu.memory_space<vmem_shared>> -> memref<10000x16xf32, #tpu.memory_space<vmem_shared>>
      tpu.wait_indirect_dma semaphore(%run_scoped3A_182 : memref<!tpu.dma_semaphore, #tpu.memory_space<semaphore_mem>>) src(%arg11 : memref<1000x16xf32, #tpu.memory_space<vmem>>) dst(%dma_wait3A_194 : memref<10000x16xf32, #tpu.memory_space<vmem_shared>>)
      tpu.yield
    }) : () -> ()
    %dma_start3A_98 = arith.constant 5 : i32
    %dma_start3A_99 = arith.constant 0 : i32
    %dma_start3A_100 = tpu.memref_slice %arg8[%dma_start3A_98, %dma_start3A_99] : memref<10x1000xi32, #tpu.memory_space<vmem>> -> memref<1x1000xi32, #tpu.memory_space<vmem>>
    %dma_start3A_101 = tpu.memref_squeeze %dma_start3A_100 : memref<1x1000xi32, #tpu.memory_space<vmem>> -> memref<1000xi32, #tpu.memory_space<vmem>>
    %dma_start3A_102 = arith.constant 0 : i32
    %dma_start3A_103 = arith.constant 0 : i32
    %dma_start3A_104 = tpu.memref_slice %arg18[%dma_start3A_102, %dma_start3A_103] : memref<10000x16xf32, #tpu.memory_space<vmem_shared>> -> memref<10000x16xf32, #tpu.memory_space<vmem_shared>>
    tpu.enqueue_indirect_dma source(%dma_start3A_104 : memref<10000x16xf32, #tpu.memory_space<vmem_shared>>) target(%arg11 : memref<1000x16xf32, #tpu.memory_space<vmem>>) offsets(%dma_start3A_101 : memref<1000xi32, #tpu.memory_space<vmem>>) semaphore(%arg20 : memref<!tpu.dma_semaphore, #tpu.memory_space<semaphore_mem>>)
    %dma_wait3A_105 = arith.constant 4 : i32
    %dma_wait3A_106 = arith.constant 0 : i32
    %dma_wait3A_107 = tpu.memref_slice %arg8[%dma_wait3A_105, %dma_wait3A_106] : memref<10x1000xi32, #tpu.memory_space<vmem>> -> memref<1x1000xi32, #tpu.memory_space<vmem>>
    %dma_wait3A_108 = tpu.memref_squeeze %dma_wait3A_107 : memref<1x1000xi32, #tpu.memory_space<vmem>> -> memref<1000xi32, #tpu.memory_space<vmem>>
    %dma_wait3A_109 = arith.constant 0 : i32
    %dma_wait3A_110 = arith.constant 0 : i32
    %dma_wait3A_111 = tpu.memref_slice %arg18[%dma_wait3A_109, %dma_wait3A_110] : memref<10000x16xf32, #tpu.memory_space<vmem_shared>> -> memref<10000x16xf32, #tpu.memory_space<vmem_shared>>
    tpu.wait_indirect_dma semaphore(%arg19 : memref<!tpu.dma_semaphore, #tpu.memory_space<semaphore_mem>>) src(%dma_wait3A_111 : memref<10000x16xf32, #tpu.memory_space<vmem_shared>>) dst(%arg10 : memref<1000x16xf32, #tpu.memory_space<vmem>>)
    %run_scoped3A_112 = arith.constant 4 : i32
    "tpu.region"() ({
      %run_scoped3A_182 = tpu.sem_alloc : memref<!tpu.dma_semaphore, #tpu.memory_space<semaphore_mem>>
      %dma_start3A_183 = arith.constant 0 : i32
      %dma_start3A_184 = tpu.memref_slice %arg9[%run_scoped3A_112, %dma_start3A_183] : memref<10x1000xi32, #tpu.memory_space<vmem>> -> memref<1x1000xi32, #tpu.memory_space<vmem>>
      %dma_start3A_185 = tpu.memref_squeeze %dma_start3A_184 : memref<1x1000xi32, #tpu.memory_space<vmem>> -> memref<1000xi32, #tpu.memory_space<vmem>>
      %dma_start3A_186 = arith.constant 0 : i32
      %dma_start3A_187 = arith.constant 0 : i32
      %dma_start3A_188 = tpu.memref_slice %arg17[%dma_start3A_186, %dma_start3A_187] : memref<10000x16xf32, #tpu.memory_space<vmem_shared>> -> memref<10000x16xf32, #tpu.memory_space<vmem_shared>>
      tpu.enqueue_indirect_dma source(%arg10 : memref<1000x16xf32, #tpu.memory_space<vmem>>) target(%dma_start3A_188 : memref<10000x16xf32, #tpu.memory_space<vmem_shared>>) offsets(%dma_start3A_185 : memref<1000xi32, #tpu.memory_space<vmem>>) semaphore(%run_scoped3A_182 : memref<!tpu.dma_semaphore, #tpu.memory_space<semaphore_mem>>) {add = true}
      %dma_wait3A_189 = arith.constant 0 : i32
      %dma_wait3A_190 = tpu.memref_slice %arg9[%run_scoped3A_112, %dma_wait3A_189] : memref<10x1000xi32, #tpu.memory_space<vmem>> -> memref<1x1000xi32, #tpu.memory_space<vmem>>
      %dma_wait3A_191 = tpu.memref_squeeze %dma_wait3A_190 : memref<1x1000xi32, #tpu.memory_space<vmem>> -> memref<1000xi32, #tpu.memory_space<vmem>>
      %dma_wait3A_192 = arith.constant 0 : i32
      %dma_wait3A_193 = arith.constant 0 : i32
      %dma_wait3A_194 = tpu.memref_slice %arg17[%dma_wait3A_192, %dma_wait3A_193] : memref<10000x16xf32, #tpu.memory_space<vmem_shared>> -> memref<10000x16xf32, #tpu.memory_space<vmem_shared>>
      tpu.wait_indirect_dma semaphore(%run_scoped3A_182 : memref<!tpu.dma_semaphore, #tpu.memory_space<semaphore_mem>>) src(%arg10 : memref<1000x16xf32, #tpu.memory_space<vmem>>) dst(%dma_wait3A_194 : memref<10000x16xf32, #tpu.memory_space<vmem_shared>>)
      tpu.yield
    }) : () -> ()
    %dma_start3A_113 = arith.constant 6 : i32
    %dma_start3A_114 = arith.constant 0 : i32
    %dma_start3A_115 = tpu.memref_slice %arg8[%dma_start3A_113, %dma_start3A_114] : memref<10x1000xi32, #tpu.memory_space<vmem>> -> memref<1x1000xi32, #tpu.memory_space<vmem>>
    %dma_start3A_116 = tpu.memref_squeeze %dma_start3A_115 : memref<1x1000xi32, #tpu.memory_space<vmem>> -> memref<1000xi32, #tpu.memory_space<vmem>>
    %dma_start3A_117 = arith.constant 0 : i32
    %dma_start3A_118 = arith.constant 0 : i32
    %dma_start3A_119 = tpu.memref_slice %arg18[%dma_start3A_117, %dma_start3A_118] : memref<10000x16xf32, #tpu.memory_space<vmem_shared>> -> memref<10000x16xf32, #tpu.memory_space<vmem_shared>>
    tpu.enqueue_indirect_dma source(%dma_start3A_119 : memref<10000x16xf32, #tpu.memory_space<vmem_shared>>) target(%arg10 : memref<1000x16xf32, #tpu.memory_space<vmem>>) offsets(%dma_start3A_116 : memref<1000xi32, #tpu.memory_space<vmem>>) semaphore(%arg19 : memref<!tpu.dma_semaphore, #tpu.memory_space<semaphore_mem>>)
    %dma_wait3A_120 = arith.constant 5 : i32
    %dma_wait3A_121 = arith.constant 0 : i32
    %dma_wait3A_122 = tpu.memref_slice %arg8[%dma_wait3A_120, %dma_wait3A_121] : memref<10x1000xi32, #tpu.memory_space<vmem>> -> memref<1x1000xi32, #tpu.memory_space<vmem>>
    %dma_wait3A_123 = tpu.memref_squeeze %dma_wait3A_122 : memref<1x1000xi32, #tpu.memory_space<vmem>> -> memref<1000xi32, #tpu.memory_space<vmem>>
    %dma_wait3A_124 = arith.constant 0 : i32
    %dma_wait3A_125 = arith.constant 0 : i32
    %dma_wait3A_126 = tpu.memref_slice %arg18[%dma_wait3A_124, %dma_wait3A_125] : memref<10000x16xf32, #tpu.memory_space<vmem_shared>> -> memref<10000x16xf32, #tpu.memory_space<vmem_shared>>
    tpu.wait_indirect_dma semaphore(%arg20 : memref<!tpu.dma_semaphore, #tpu.memory_space<semaphore_mem>>) src(%dma_wait3A_126 : memref<10000x16xf32, #tpu.memory_space<vmem_shared>>) dst(%arg11 : memref<1000x16xf32, #tpu.memory_space<vmem>>)
    %run_scoped3A_127 = arith.constant 5 : i32
    "tpu.region"() ({
      %run_scoped3A_182 = tpu.sem_alloc : memref<!tpu.dma_semaphore, #tpu.memory_space<semaphore_mem>>
      %dma_start3A_183 = arith.constant 0 : i32
      %dma_start3A_184 = tpu.memref_slice %arg9[%run_scoped3A_127, %dma_start3A_183] : memref<10x1000xi32, #tpu.memory_space<vmem>> -> memref<1x1000xi32, #tpu.memory_space<vmem>>
      %dma_start3A_185 = tpu.memref_squeeze %dma_start3A_184 : memref<1x1000xi32, #tpu.memory_space<vmem>> -> memref<1000xi32, #tpu.memory_space<vmem>>
      %dma_start3A_186 = arith.constant 0 : i32
      %dma_start3A_187 = arith.constant 0 : i32
      %dma_start3A_188 = tpu.memref_slice %arg17[%dma_start3A_186, %dma_start3A_187] : memref<10000x16xf32, #tpu.memory_space<vmem_shared>> -> memref<10000x16xf32, #tpu.memory_space<vmem_shared>>
      tpu.enqueue_indirect_dma source(%arg11 : memref<1000x16xf32, #tpu.memory_space<vmem>>) target(%dma_start3A_188 : memref<10000x16xf32, #tpu.memory_space<vmem_shared>>) offsets(%dma_start3A_185 : memref<1000xi32, #tpu.memory_space<vmem>>) semaphore(%run_scoped3A_182 : memref<!tpu.dma_semaphore, #tpu.memory_space<semaphore_mem>>) {add = true}
      %dma_wait3A_189 = arith.constant 0 : i32
      %dma_wait3A_190 = tpu.memref_slice %arg9[%run_scoped3A_127, %dma_wait3A_189] : memref<10x1000xi32, #tpu.memory_space<vmem>> -> memref<1x1000xi32, #tpu.memory_space<vmem>>
      %dma_wait3A_191 = tpu.memref_squeeze %dma_wait3A_190 : memref<1x1000xi32, #tpu.memory_space<vmem>> -> memref<1000xi32, #tpu.memory_space<vmem>>
      %dma_wait3A_192 = arith.constant 0 : i32
      %dma_wait3A_193 = arith.constant 0 : i32
      %dma_wait3A_194 = tpu.memref_slice %arg17[%dma_wait3A_192, %dma_wait3A_193] : memref<10000x16xf32, #tpu.memory_space<vmem_shared>> -> memref<10000x16xf32, #tpu.memory_space<vmem_shared>>
      tpu.wait_indirect_dma semaphore(%run_scoped3A_182 : memref<!tpu.dma_semaphore, #tpu.memory_space<semaphore_mem>>) src(%arg11 : memref<1000x16xf32, #tpu.memory_space<vmem>>) dst(%dma_wait3A_194 : memref<10000x16xf32, #tpu.memory_space<vmem_shared>>)
      tpu.yield
    }) : () -> ()
    %dma_start3A_128 = arith.constant 7 : i32
    %dma_start3A_129 = arith.constant 0 : i32
    %dma_start3A_130 = tpu.memref_slice %arg8[%dma_start3A_128, %dma_start3A_129] : memref<10x1000xi32, #tpu.memory_space<vmem>> -> memref<1x1000xi32, #tpu.memory_space<vmem>>
    %dma_start3A_131 = tpu.memref_squeeze %dma_start3A_130 : memref<1x1000xi32, #tpu.memory_space<vmem>> -> memref<1000xi32, #tpu.memory_space<vmem>>
    %dma_start3A_132 = arith.constant 0 : i32
    %dma_start3A_133 = arith.constant 0 : i32
    %dma_start3A_134 = tpu.memref_slice %arg18[%dma_start3A_132, %dma_start3A_133] : memref<10000x16xf32, #tpu.memory_space<vmem_shared>> -> memref<10000x16xf32, #tpu.memory_space<vmem_shared>>
    tpu.enqueue_indirect_dma source(%dma_start3A_134 : memref<10000x16xf32, #tpu.memory_space<vmem_shared>>) target(%arg11 : memref<1000x16xf32, #tpu.memory_space<vmem>>) offsets(%dma_start3A_131 : memref<1000xi32, #tpu.memory_space<vmem>>) semaphore(%arg20 : memref<!tpu.dma_semaphore, #tpu.memory_space<semaphore_mem>>)
    %dma_wait3A_135 = arith.constant 6 : i32
    %dma_wait3A_136 = arith.constant 0 : i32
    %dma_wait3A_137 = tpu.memref_slice %arg8[%dma_wait3A_135, %dma_wait3A_136] : memref<10x1000xi32, #tpu.memory_space<vmem>> -> memref<1x1000xi32, #tpu.memory_space<vmem>>
    %dma_wait3A_138 = tpu.memref_squeeze %dma_wait3A_137 : memref<1x1000xi32, #tpu.memory_space<vmem>> -> memref<1000xi32, #tpu.memory_space<vmem>>
    %dma_wait3A_139 = arith.constant 0 : i32
    %dma_wait3A_140 = arith.constant 0 : i32
    %dma_wait3A_141 = tpu.memref_slice %arg18[%dma_wait3A_139, %dma_wait3A_140] : memref<10000x16xf32, #tpu.memory_space<vmem_shared>> -> memref<10000x16xf32, #tpu.memory_space<vmem_shared>>
    tpu.wait_indirect_dma semaphore(%arg19 : memref<!tpu.dma_semaphore, #tpu.memory_space<semaphore_mem>>) src(%dma_wait3A_141 : memref<10000x16xf32, #tpu.memory_space<vmem_shared>>) dst(%arg10 : memref<1000x16xf32, #tpu.memory_space<vmem>>)
    %run_scoped3A_142 = arith.constant 6 : i32
    "tpu.region"() ({
      %run_scoped3A_182 = tpu.sem_alloc : memref<!tpu.dma_semaphore, #tpu.memory_space<semaphore_mem>>
      %dma_start3A_183 = arith.constant 0 : i32
      %dma_start3A_184 = tpu.memref_slice %arg9[%run_scoped3A_142, %dma_start3A_183] : memref<10x1000xi32, #tpu.memory_space<vmem>> -> memref<1x1000xi32, #tpu.memory_space<vmem>>
      %dma_start3A_185 = tpu.memref_squeeze %dma_start3A_184 : memref<1x1000xi32, #tpu.memory_space<vmem>> -> memref<1000xi32, #tpu.memory_space<vmem>>
      %dma_start3A_186 = arith.constant 0 : i32
      %dma_start3A_187 = arith.constant 0 : i32
      %dma_start3A_188 = tpu.memref_slice %arg17[%dma_start3A_186, %dma_start3A_187] : memref<10000x16xf32, #tpu.memory_space<vmem_shared>> -> memref<10000x16xf32, #tpu.memory_space<vmem_shared>>
      tpu.enqueue_indirect_dma source(%arg10 : memref<1000x16xf32, #tpu.memory_space<vmem>>) target(%dma_start3A_188 : memref<10000x16xf32, #tpu.memory_space<vmem_shared>>) offsets(%dma_start3A_185 : memref<1000xi32, #tpu.memory_space<vmem>>) semaphore(%run_scoped3A_182 : memref<!tpu.dma_semaphore, #tpu.memory_space<semaphore_mem>>) {add = true}
      %dma_wait3A_189 = arith.constant 0 : i32
      %dma_wait3A_190 = tpu.memref_slice %arg9[%run_scoped3A_142, %dma_wait3A_189] : memref<10x1000xi32, #tpu.memory_space<vmem>> -> memref<1x1000xi32, #tpu.memory_space<vmem>>
      %dma_wait3A_191 = tpu.memref_squeeze %dma_wait3A_190 : memref<1x1000xi32, #tpu.memory_space<vmem>> -> memref<1000xi32, #tpu.memory_space<vmem>>
      %dma_wait3A_192 = arith.constant 0 : i32
      %dma_wait3A_193 = arith.constant 0 : i32
      %dma_wait3A_194 = tpu.memref_slice %arg17[%dma_wait3A_192, %dma_wait3A_193] : memref<10000x16xf32, #tpu.memory_space<vmem_shared>> -> memref<10000x16xf32, #tpu.memory_space<vmem_shared>>
      tpu.wait_indirect_dma semaphore(%run_scoped3A_182 : memref<!tpu.dma_semaphore, #tpu.memory_space<semaphore_mem>>) src(%arg10 : memref<1000x16xf32, #tpu.memory_space<vmem>>) dst(%dma_wait3A_194 : memref<10000x16xf32, #tpu.memory_space<vmem_shared>>)
      tpu.yield
    }) : () -> ()
    %dma_start3A_143 = arith.constant 8 : i32
    %dma_start3A_144 = arith.constant 0 : i32
    %dma_start3A_145 = tpu.memref_slice %arg8[%dma_start3A_143, %dma_start3A_144] : memref<10x1000xi32, #tpu.memory_space<vmem>> -> memref<1x1000xi32, #tpu.memory_space<vmem>>
    %dma_start3A_146 = tpu.memref_squeeze %dma_start3A_145 : memref<1x1000xi32, #tpu.memory_space<vmem>> -> memref<1000xi32, #tpu.memory_space<vmem>>
    %dma_start3A_147 = arith.constant 0 : i32
    %dma_start3A_148 = arith.constant 0 : i32
    %dma_start3A_149 = tpu.memref_slice %arg18[%dma_start3A_147, %dma_start3A_148] : memref<10000x16xf32, #tpu.memory_space<vmem_shared>> -> memref<10000x16xf32, #tpu.memory_space<vmem_shared>>
    tpu.enqueue_indirect_dma source(%dma_start3A_149 : memref<10000x16xf32, #tpu.memory_space<vmem_shared>>) target(%arg10 : memref<1000x16xf32, #tpu.memory_space<vmem>>) offsets(%dma_start3A_146 : memref<1000xi32, #tpu.memory_space<vmem>>) semaphore(%arg19 : memref<!tpu.dma_semaphore, #tpu.memory_space<semaphore_mem>>)
    %dma_wait3A_150 = arith.constant 7 : i32
    %dma_wait3A_151 = arith.constant 0 : i32
    %dma_wait3A_152 = tpu.memref_slice %arg8[%dma_wait3A_150, %dma_wait3A_151] : memref<10x1000xi32, #tpu.memory_space<vmem>> -> memref<1x1000xi32, #tpu.memory_space<vmem>>
    %dma_wait3A_153 = tpu.memref_squeeze %dma_wait3A_152 : memref<1x1000xi32, #tpu.memory_space<vmem>> -> memref<1000xi32, #tpu.memory_space<vmem>>
    %dma_wait3A_154 = arith.constant 0 : i32
    %dma_wait3A_155 = arith.constant 0 : i32
    %dma_wait3A_156 = tpu.memref_slice %arg18[%dma_wait3A_154, %dma_wait3A_155] : memref<10000x16xf32, #tpu.memory_space<vmem_shared>> -> memref<10000x16xf32, #tpu.memory_space<vmem_shared>>
    tpu.wait_indirect_dma semaphore(%arg20 : memref<!tpu.dma_semaphore, #tpu.memory_space<semaphore_mem>>) src(%dma_wait3A_156 : memref<10000x16xf32, #tpu.memory_space<vmem_shared>>) dst(%arg11 : memref<1000x16xf32, #tpu.memory_space<vmem>>)
    %run_scoped3A_157 = arith.constant 7 : i32
    "tpu.region"() ({
      %run_scoped3A_182 = tpu.sem_alloc : memref<!tpu.dma_semaphore, #tpu.memory_space<semaphore_mem>>
      %dma_start3A_183 = arith.constant 0 : i32
      %dma_start3A_184 = tpu.memref_slice %arg9[%run_scoped3A_157, %dma_start3A_183] : memref<10x1000xi32, #tpu.memory_space<vmem>> -> memref<1x1000xi32, #tpu.memory_space<vmem>>
      %dma_start3A_185 = tpu.memref_squeeze %dma_start3A_184 : memref<1x1000xi32, #tpu.memory_space<vmem>> -> memref<1000xi32, #tpu.memory_space<vmem>>
      %dma_start3A_186 = arith.constant 0 : i32
      %dma_start3A_187 = arith.constant 0 : i32
      %dma_start3A_188 = tpu.memref_slice %arg17[%dma_start3A_186, %dma_start3A_187] : memref<10000x16xf32, #tpu.memory_space<vmem_shared>> -> memref<10000x16xf32, #tpu.memory_space<vmem_shared>>
      tpu.enqueue_indirect_dma source(%arg11 : memref<1000x16xf32, #tpu.memory_space<vmem>>) target(%dma_start3A_188 : memref<10000x16xf32, #tpu.memory_space<vmem_shared>>) offsets(%dma_start3A_185 : memref<1000xi32, #tpu.memory_space<vmem>>) semaphore(%run_scoped3A_182 : memref<!tpu.dma_semaphore, #tpu.memory_space<semaphore_mem>>) {add = true}
      %dma_wait3A_189 = arith.constant 0 : i32
      %dma_wait3A_190 = tpu.memref_slice %arg9[%run_scoped3A_157, %dma_wait3A_189] : memref<10x1000xi32, #tpu.memory_space<vmem>> -> memref<1x1000xi32, #tpu.memory_space<vmem>>
      %dma_wait3A_191 = tpu.memref_squeeze %dma_wait3A_190 : memref<1x1000xi32, #tpu.memory_space<vmem>> -> memref<1000xi32, #tpu.memory_space<vmem>>
      %dma_wait3A_192 = arith.constant 0 : i32
      %dma_wait3A_193 = arith.constant 0 : i32
      %dma_wait3A_194 = tpu.memref_slice %arg17[%dma_wait3A_192, %dma_wait3A_193] : memref<10000x16xf32, #tpu.memory_space<vmem_shared>> -> memref<10000x16xf32, #tpu.memory_space<vmem_shared>>
      tpu.wait_indirect_dma semaphore(%run_scoped3A_182 : memref<!tpu.dma_semaphore, #tpu.memory_space<semaphore_mem>>) src(%arg11 : memref<1000x16xf32, #tpu.memory_space<vmem>>) dst(%dma_wait3A_194 : memref<10000x16xf32, #tpu.memory_space<vmem_shared>>)
      tpu.yield
    }) : () -> ()
    %dma_start3A_158 = arith.constant 9 : i32
    %dma_start3A_159 = arith.constant 0 : i32
    %dma_start3A_160 = tpu.memref_slice %arg8[%dma_start3A_158, %dma_start3A_159] : memref<10x1000xi32, #tpu.memory_space<vmem>> -> memref<1x1000xi32, #tpu.memory_space<vmem>>
    %dma_start3A_161 = tpu.memref_squeeze %dma_start3A_160 : memref<1x1000xi32, #tpu.memory_space<vmem>> -> memref<1000xi32, #tpu.memory_space<vmem>>
    %dma_start3A_162 = arith.constant 0 : i32
    %dma_start3A_163 = arith.constant 0 : i32
    %dma_start3A_164 = tpu.memref_slice %arg18[%dma_start3A_162, %dma_start3A_163] : memref<10000x16xf32, #tpu.memory_space<vmem_shared>> -> memref<10000x16xf32, #tpu.memory_space<vmem_shared>>
    tpu.enqueue_indirect_dma source(%dma_start3A_164 : memref<10000x16xf32, #tpu.memory_space<vmem_shared>>) target(%arg11 : memref<1000x16xf32, #tpu.memory_space<vmem>>) offsets(%dma_start3A_161 : memref<1000xi32, #tpu.memory_space<vmem>>) semaphore(%arg20 : memref<!tpu.dma_semaphore, #tpu.memory_space<semaphore_mem>>)
    %dma_wait3A_165 = arith.constant 8 : i32
    %dma_wait3A_166 = arith.constant 0 : i32
    %dma_wait3A_167 = tpu.memref_slice %arg8[%dma_wait3A_165, %dma_wait3A_166] : memref<10x1000xi32, #tpu.memory_space<vmem>> -> memref<1x1000xi32, #tpu.memory_space<vmem>>
    %dma_wait3A_168 = tpu.memref_squeeze %dma_wait3A_167 : memref<1x1000xi32, #tpu.memory_space<vmem>> -> memref<1000xi32, #tpu.memory_space<vmem>>
    %dma_wait3A_169 = arith.constant 0 : i32
    %dma_wait3A_170 = arith.constant 0 : i32
    %dma_wait3A_171 = tpu.memref_slice %arg18[%dma_wait3A_169, %dma_wait3A_170] : memref<10000x16xf32, #tpu.memory_space<vmem_shared>> -> memref<10000x16xf32, #tpu.memory_space<vmem_shared>>
    tpu.wait_indirect_dma semaphore(%arg19 : memref<!tpu.dma_semaphore, #tpu.memory_space<semaphore_mem>>) src(%dma_wait3A_171 : memref<10000x16xf32, #tpu.memory_space<vmem_shared>>) dst(%arg10 : memref<1000x16xf32, #tpu.memory_space<vmem>>)
    %run_scoped3A_172 = arith.constant 8 : i32
    "tpu.region"() ({
      %run_scoped3A_182 = tpu.sem_alloc : memref<!tpu.dma_semaphore, #tpu.memory_space<semaphore_mem>>
      %dma_start3A_183 = arith.constant 0 : i32
      %dma_start3A_184 = tpu.memref_slice %arg9[%run_scoped3A_172, %dma_start3A_183] : memref<10x1000xi32, #tpu.memory_space<vmem>> -> memref<1x1000xi32, #tpu.memory_space<vmem>>
      %dma_start3A_185 = tpu.memref_squeeze %dma_start3A_184 : memref<1x1000xi32, #tpu.memory_space<vmem>> -> memref<1000xi32, #tpu.memory_space<vmem>>
      %dma_start3A_186 = arith.constant 0 : i32
      %dma_start3A_187 = arith.constant 0 : i32
      %dma_start3A_188 = tpu.memref_slice %arg17[%dma_start3A_186, %dma_start3A_187] : memref<10000x16xf32, #tpu.memory_space<vmem_shared>> -> memref<10000x16xf32, #tpu.memory_space<vmem_shared>>
      tpu.enqueue_indirect_dma source(%arg10 : memref<1000x16xf32, #tpu.memory_space<vmem>>) target(%dma_start3A_188 : memref<10000x16xf32, #tpu.memory_space<vmem_shared>>) offsets(%dma_start3A_185 : memref<1000xi32, #tpu.memory_space<vmem>>) semaphore(%run_scoped3A_182 : memref<!tpu.dma_semaphore, #tpu.memory_space<semaphore_mem>>) {add = true}
      %dma_wait3A_189 = arith.constant 0 : i32
      %dma_wait3A_190 = tpu.memref_slice %arg9[%run_scoped3A_172, %dma_wait3A_189] : memref<10x1000xi32, #tpu.memory_space<vmem>> -> memref<1x1000xi32, #tpu.memory_space<vmem>>
      %dma_wait3A_191 = tpu.memref_squeeze %dma_wait3A_190 : memref<1x1000xi32, #tpu.memory_space<vmem>> -> memref<1000xi32, #tpu.memory_space<vmem>>
      %dma_wait3A_192 = arith.constant 0 : i32
      %dma_wait3A_193 = arith.constant 0 : i32
      %dma_wait3A_194 = tpu.memref_slice %arg17[%dma_wait3A_192, %dma_wait3A_193] : memref<10000x16xf32, #tpu.memory_space<vmem_shared>> -> memref<10000x16xf32, #tpu.memory_space<vmem_shared>>
      tpu.wait_indirect_dma semaphore(%run_scoped3A_182 : memref<!tpu.dma_semaphore, #tpu.memory_space<semaphore_mem>>) src(%arg10 : memref<1000x16xf32, #tpu.memory_space<vmem>>) dst(%dma_wait3A_194 : memref<10000x16xf32, #tpu.memory_space<vmem_shared>>)
      tpu.yield
    }) : () -> ()
    %dma_wait3A_173 = arith.constant 9 : i32
    %dma_wait3A_174 = arith.constant 0 : i32
    %dma_wait3A_175 = tpu.memref_slice %arg8[%dma_wait3A_173, %dma_wait3A_174] : memref<10x1000xi32, #tpu.memory_space<vmem>> -> memref<1x1000xi32, #tpu.memory_space<vmem>>
    %dma_wait3A_176 = tpu.memref_squeeze %dma_wait3A_175 : memref<1x1000xi32, #tpu.memory_space<vmem>> -> memref<1000xi32, #tpu.memory_space<vmem>>
    %dma_wait3A_177 = arith.constant 0 : i32
    %dma_wait3A_178 = arith.constant 0 : i32
    %dma_wait3A_179 = tpu.memref_slice %arg18[%dma_wait3A_177, %dma_wait3A_178] : memref<10000x16xf32, #tpu.memory_space<vmem_shared>> -> memref<10000x16xf32, #tpu.memory_space<vmem_shared>>
    tpu.wait_indirect_dma semaphore(%arg20 : memref<!tpu.dma_semaphore, #tpu.memory_space<semaphore_mem>>) src(%dma_wait3A_179 : memref<10000x16xf32, #tpu.memory_space<vmem_shared>>) dst(%arg11 : memref<1000x16xf32, #tpu.memory_space<vmem>>)
    %run_scoped3A_180 = arith.constant 9 : i32
    "tpu.region"() ({
      %run_scoped3A_182 = tpu.sem_alloc : memref<!tpu.dma_semaphore, #tpu.memory_space<semaphore_mem>>
      %dma_start3A_183 = arith.constant 0 : i32
      %dma_start3A_184 = tpu.memref_slice %arg9[%run_scoped3A_180, %dma_start3A_183] : memref<10x1000xi32, #tpu.memory_space<vmem>> -> memref<1x1000xi32, #tpu.memory_space<vmem>>
      %dma_start3A_185 = tpu.memref_squeeze %dma_start3A_184 : memref<1x1000xi32, #tpu.memory_space<vmem>> -> memref<1000xi32, #tpu.memory_space<vmem>>
      %dma_start3A_186 = arith.constant 0 : i32
      %dma_start3A_187 = arith.constant 0 : i32
      %dma_start3A_188 = tpu.memref_slice %arg17[%dma_start3A_186, %dma_start3A_187] : memref<10000x16xf32, #tpu.memory_space<vmem_shared>> -> memref<10000x16xf32, #tpu.memory_space<vmem_shared>>
      tpu.enqueue_indirect_dma source(%arg11 : memref<1000x16xf32, #tpu.memory_space<vmem>>) target(%dma_start3A_188 : memref<10000x16xf32, #tpu.memory_space<vmem_shared>>) offsets(%dma_start3A_185 : memref<1000xi32, #tpu.memory_space<vmem>>) semaphore(%run_scoped3A_182 : memref<!tpu.dma_semaphore, #tpu.memory_space<semaphore_mem>>) {add = true}
      %dma_wait3A_189 = arith.constant 0 : i32
      %dma_wait3A_190 = tpu.memref_slice %arg9[%run_scoped3A_180, %dma_wait3A_189] : memref<10x1000xi32, #tpu.memory_space<vmem>> -> memref<1x1000xi32, #tpu.memory_space<vmem>>
      %dma_wait3A_191 = tpu.memref_squeeze %dma_wait3A_190 : memref<1x1000xi32, #tpu.memory_space<vmem>> -> memref<1000xi32, #tpu.memory_space<vmem>>
      %dma_wait3A_192 = arith.constant 0 : i32
      %dma_wait3A_193 = arith.constant 0 : i32
      %dma_wait3A_194 = tpu.memref_slice %arg17[%dma_wait3A_192, %dma_wait3A_193] : memref<10000x16xf32, #tpu.memory_space<vmem_shared>> -> memref<10000x16xf32, #tpu.memory_space<vmem_shared>>
      tpu.wait_indirect_dma semaphore(%run_scoped3A_182 : memref<!tpu.dma_semaphore, #tpu.memory_space<semaphore_mem>>) src(%arg11 : memref<1000x16xf32, #tpu.memory_space<vmem>>) dst(%dma_wait3A_194 : memref<10000x16xf32, #tpu.memory_space<vmem_shared>>)
      tpu.yield
    }) : () -> ()
    %barrier3A_181 = arith.constant 0 : index
    tpu.barrier barrier_id(%barrier3A_181)
    "tpu.region"() ({
      %run_scoped3A_182 = tpu.sem_alloc : memref<!tpu.dma_semaphore, #tpu.memory_space<semaphore_mem>>
      %dma_start3A_183 = arith.constant 0 : i32
      %dma_start3A_184 = tpu.memref_slice %arg7[%arg0, %mul3A_6, %dma_start3A_183] : memref<2x10000x16xf32, #tpu.memory_space<hbm>> -> memref<1x625x16xf32, #tpu.memory_space<hbm>>
      %dma_start3A_185 = tpu.memref_squeeze %dma_start3A_184 : memref<1x625x16xf32, #tpu.memory_space<hbm>> -> memref<625x16xf32, #tpu.memory_space<hbm>>
      %dma_start3A_186 = arith.constant 0 : i32
      %dma_start3A_187 = tpu.memref_slice %arg17[%mul3A_6, %dma_start3A_186] : memref<10000x16xf32, #tpu.memory_space<vmem_shared>> -> memref<625x16xf32, #tpu.memory_space<vmem_shared>>
      tpu.enqueue_dma source(%dma_start3A_187 : memref<625x16xf32, #tpu.memory_space<vmem_shared>>) target(%dma_start3A_185 : memref<625x16xf32, #tpu.memory_space<hbm>>) target_semaphore(%run_scoped3A_182 : memref<!tpu.dma_semaphore, #tpu.memory_space<semaphore_mem>>)
      %dma_wait3A_188 = arith.constant 0 : i32
      %dma_wait3A_189 = tpu.memref_slice %arg7[%arg0, %mul3A_6, %dma_wait3A_188] : memref<2x10000x16xf32, #tpu.memory_space<hbm>> -> memref<1x625x16xf32, #tpu.memory_space<hbm>>
      %dma_wait3A_190 = tpu.memref_squeeze %dma_wait3A_189 : memref<1x625x16xf32, #tpu.memory_space<hbm>> -> memref<625x16xf32, #tpu.memory_space<hbm>>
      %dma_wait3A_191 = arith.constant 0 : i32
      %dma_wait3A_192 = tpu.memref_slice %arg17[%mul3A_6, %dma_wait3A_191] : memref<10000x16xf32, #tpu.memory_space<vmem_shared>> -> memref<625x16xf32, #tpu.memory_space<vmem_shared>>
      tpu.wait_dma2 semaphore(%run_scoped3A_182 : memref<!tpu.dma_semaphore, #tpu.memory_space<semaphore_mem>>) src(%dma_wait3A_192 : memref<625x16xf32, #tpu.memory_space<vmem_shared>>) dst(%dma_wait3A_190 : memref<625x16xf32, #tpu.memory_space<hbm>>)
      tpu.yield
    }) : () -> ()
    return
  }
}

module attributes {stable_mosaic.version = 14 : i64} {
  func.func @_tc_mm1(%arg0: memref<10000x128xf32, #tpu.memory_space<vmem>>, %arg1: memref<128x16xf32, #tpu.memory_space<vmem>>, %arg2: memref<10000x16xf32, #tpu.memory_space<vmem>>) attributes {dimension_semantics = [], scalar_prefetch = 0 : i64, scratch_operands = 0 : i64, tpu.core_type = #tpu.core_type<tc>} {
    %get3A = arith.constant 0 : index
    %get3A_0 = arith.constant 0 : index
    %get3A_1 = vector.load %arg0[%get3A, %get3A_0] : memref<10000x128xf32, #tpu.memory_space<vmem>>, vector<10000x128xf32>
    %get3A_2 = arith.constant 0 : index
    %get3A_3 = arith.constant 0 : index
    %get3A_4 = vector.load %arg1[%get3A_2, %get3A_3] : memref<128x16xf32, #tpu.memory_space<vmem>>, vector<128x16xf32>
    %dot_general3A = arith.constant dense<0.000000e+00> : vector<10000x16xf32>
    %dot_general3A_5 = tpu.matmul %get3A_1, %get3A_4, %dot_general3A {dimension_numbers = #tpu.dot_dimension_numbers<[1], [0], [0], [1], [0, 0, 1, 1], [], []>, transpose_lhs_hint = false} : vector<10000x128xf32>, vector<128x16xf32>, vector<10000x16xf32> -> vector<10000x16xf32>
    %swap3A = arith.constant 0 : index
    %swap3A_6 = arith.constant 0 : index
    %swap3A_7 = vector.load %arg2[%swap3A, %swap3A_6] : memref<10000x16xf32, #tpu.memory_space<vmem>>, vector<10000x16xf32>
    tpu.vector_store %arg2[%swap3A, %swap3A_6], %dot_general3A_5 {strides = array<i32>} : memref<10000x16xf32, #tpu.memory_space<vmem>>, vector<10000x16xf32>,
    return
  }
}

module attributes {stable_mosaic.version = 14 : i64} {
  func.func @_tc_mm2(%arg0: memref<2x10000x16xf32, #tpu.memory_space<vmem>>, %arg1: memref<10000x16xf32, #tpu.memory_space<vmem>>, %arg2: memref<16x128xf32, #tpu.memory_space<vmem>>, %arg3: memref<1x128xf32, #tpu.memory_space<vmem>>, %arg4: memref<10000x128xf32, #tpu.memory_space<vmem>>) attributes {dimension_semantics = [], scalar_prefetch = 0 : i64, scratch_operands = 0 : i64, tpu.core_type = #tpu.core_type<tc>} {
    %get3A = arith.constant 0 : index
    %get3A_0 = arith.constant 0 : index
    %get3A_1 = vector.load %arg1[%get3A, %get3A_0] : memref<10000x16xf32, #tpu.memory_space<vmem>>, vector<10000x16xf32>
    %get3A_2 = arith.constant 0 : index
    %get3A_3 = arith.constant 0 : index
    %get3A_4 = arith.constant 0 : index
    %get3A_5 = vector.load %arg0[%get3A_2, %get3A_3, %get3A_4] : memref<2x10000x16xf32, #tpu.memory_space<vmem>>, vector<1x10000x16xf32>
    %get3A_6 = vector.shape_cast %get3A_5 : vector<1x10000x16xf32> to vector<10000x16xf32>
    %get3A_7 = arith.constant 1 : index
    %get3A_8 = arith.constant 0 : index
    %get3A_9 = arith.constant 0 : index
    %get3A_10 = vector.load %arg0[%get3A_7, %get3A_8, %get3A_9] : memref<2x10000x16xf32, #tpu.memory_space<vmem>>, vector<1x10000x16xf32>
    %get3A_11 = vector.shape_cast %get3A_10 : vector<1x10000x16xf32> to vector<10000x16xf32>
    %add3A = arith.addf %get3A_6, %get3A_11 : vector<10000x16xf32>
    %mul3A = arith.mulf %get3A_1, %add3A : vector<10000x16xf32>
    %get3A_12 = arith.constant 0 : index
    %get3A_13 = arith.constant 0 : index
    %get3A_14 = vector.load %arg2[%get3A_12, %get3A_13] : memref<16x128xf32, #tpu.memory_space<vmem>>, vector<16x128xf32>
    %dot_general3A = arith.constant dense<0.000000e+00> : vector<10000x128xf32>
    %dot_general3A_15 = tpu.matmul %mul3A, %get3A_14, %dot_general3A {dimension_numbers = #tpu.dot_dimension_numbers<[1], [0], [0], [1], [0, 0, 1, 1], [], []>, transpose_lhs_hint = false} : vector<10000x16xf32>, vector<16x128xf32>, vector<10000x128xf32> -> vector<10000x128xf32>
    %get3A_16 = arith.constant 0 : index
    %get3A_17 = arith.constant 0 : index
    %get3A_18 = vector.load %arg3[%get3A_16, %get3A_17] : memref<1x128xf32, #tpu.memory_space<vmem>>, vector<1x128xf32>
    %add3A_19 = vector.broadcast %get3A_18 : vector<1x128xf32> to vector<10000x128xf32>
    %add3A_20 = arith.addf %dot_general3A_15, %add3A_19 : vector<10000x128xf32>
    %swap3A = arith.constant 0 : index
    %swap3A_21 = arith.constant 0 : index
    %swap3A_22 = vector.load %arg4[%swap3A, %swap3A_21] : memref<10000x128xf32, #tpu.memory_space<vmem>>, vector<10000x128xf32>
    tpu.vector_store %arg4[%swap3A, %swap3A_21], %add3A_20 {strides = array<i32>} : memref<10000x128xf32, #tpu.memory_space<vmem>>, vector<10000x128xf32>,
    return
  }
}

</mosaic_0001>

<sc_bundles>
// kernel: kernel.10.cloned.1.call-start
scs
__scs_entry_jumppad:
0x0: {  	(pc) =	sbr.rel $0x88, $3  }
0x1: {  	(tag) =	ssettag $0x0;
	lr =	simm.s32 $0x1  }
0x2: {  	[smem:$0x3F9B] =	sst lr;
	_ =	strace $0xD0000000  }
0x3: {  	_ = 	snop  }
0x4: {  	_ = 	snop  }
0x5: {  	_ = 	snop  }
0x6: {  	_ = 	snop  }
0x7: {  	_ = 	snop  }
__scs_overlays_trampoline_lowered:
0x8: {  	[smem:$0x3FAA] =	sst s0  }
0x9: {  	[smem:$0x3FAB] =	sst s1  }
0xa: {  	[smem:$0x3FAC] =	sst s2  }
0xb: {  	[smem:$0x3FAD] =	sst s3  }
0xc: {  	[smem:$0x3FAE] =	sst s4  }
0xd: {  	[smem:$0x3FAF] =	sst s5  }
0xe: {  	[smem:$0x3FB0] =	sst s6  }
0xf: {  	[smem:$0x3FB1] =	sst s7  }
0x10: {  	[smem:$0x3FB2] =	sst s8  }
0x11: {  	[smem:$0x3FB3] =	sst s9;
	s0 =	simm.s32 @!p0 $0x0  }
0x12: {  	s1 =	sld [smem:$0x3F99];
	s0 =	simm.s32 @p0 $0x1  }
0x13: {  	[smem:$0x3FB4] =	sst s0;
	s0 =	simm.s32 @!p1 $0x0  }
0x14: {  	s2 =	sld [smem:$0x3F98];
	s0 =	simm.s32 @p1 $0x1  }
0x15: {  	[smem:$0x3FB5] =	sst s0;
	s0 =	simm.s32 @!p2 $0x0  }
0x16: {  	s3 =	sld [smem:$0x3FDB];
	s0 =	simm.s32 @p2 $0x1  }
0x17: {  	s4 =	simm.s32 $0x1BF5;
	[smem:$0x3FB7] =	sst s0  }
0x18: {  	s0 =	sld [smem:$0x3F9A];
	_ =	swait.ge [sflag:s4], $0x0  }
0x19: {  	s7 =	sld [smem:$0x3F9B]  }
0x1a: {  	s8 =	sadd.s32 $0xFFFFE003, lr  }
0x1b: {  	s9 =	sadd.s32 $0xFFFFFEF7, lr;
	s5 =	simm.s32 $0xFFFFFFFF;
	p2 =	slt.u32 s8, $0xFFFFF086  }
0x1c: {  	p1 =	slt.u32 s9, $0xF7A;
	s5 =	simm.s32 @!p2 $0x0  }
0x1d: {  	s5 =	simm.s32 @p1 $0x1;
	p0 =	seq.s32 s7, s2  }
0x1e: {  	s7 =	smul.u32 @!p0 $0xF7A, s2;
	p2 =	seq.s32 @!p0 s5, $0x0  }
0x1f: {  	s9 =	smul.u32 $0xF7A, s1;
	s8 =	simm.s32 @!p0 $0x1BF5;
	p2 =	por !p2, p0  }
0x20: {  	[sflag:s8] =	ssyncset.s32 @!p0 $0xFFFFF086;
	s6 =	sadd.s32 @!p0 s3, s7;
	s7 =	simm.s32 @!p0 $0x108  }
0x21: {  	s3 =	sadd.s32 s3, s9;
	s6 =	sadd.s32 @!p0 $0x88, s6;
	s7 =	simm.s32 @p2 $0x1082  }
0x22: {  	[simem:s7], [sflag:s8] =	dma.local @!p0 [hbm:s6], $0xF7A  }
0x23: {  	s9 =	sor.u32 $0xD0000000, s2;
	s6 =	simm.s32 $0x108;
	_ =	swait.ge @!p0 [sflag:s8], $0x0  }
0x24: {  	s3 =	sadd.s32 $0x88, s3;
	s6 =	simm.s32 @!p1 $0x1082;
	[sflag:s4] =	ssyncset.s32 $0xFFFFF086  }
0x25: {  	[simem:s6], [sflag:s4] =	dma.local [hbm:s3], $0xF7A  }
0x26: {  	[smem:$0x3F9B] =	sst s1;
	(tag) =	ssettag s2;
	_ =	strace s9  }
0x27: {  	s1 =	sld [smem:$0x3FAB]  }
0x28: {  	s2 =	sld [smem:$0x3FAC]  }
0x29: {  	s4 =	sld [smem:$0x3FAE]  }
0x2a: {  	p0 =	seq.s32 s5, $0x0;
	s5 =	sld [smem:$0x3FAF]  }
0x2b: {  	s6 =	sld [smem:$0x3FB0]  }
0x2c: {  	s7 =	sld [smem:$0x3FB1]  }
0x2d: {  	s3 =	simm.s32 $0x108;
	s8 =	sld [smem:$0x3FB2]  }
0x2e: {  	s3 =	simm.s32 @!p0 $0x1082;
	s9 =	sld [smem:$0x3FB3]  }
0x2f: {  	lr =	sadd.s32 s0, s3;
	s0 =	sld [smem:$0x3FAA]  }
0x30: {  	s3 =	sld [smem:$0x3FAD]  }
0x31: {  	[smem:$0x3FB6] =	sst s10  }
0x32: {  	s10 =	sld [smem:$0x3FB4];
	_ =	sdelay $0x3  }
0x33: {  	p0 =	seq.s32 s10, $0x1;
	s10 =	sld [smem:$0x3FB6];
	_ =	sdelay $0x3  }
0x34: {  	[smem:$0x3FB6] =	sst s10  }
0x35: {  	s10 =	sld [smem:$0x3FB5];
	_ =	sdelay $0x3  }
0x36: {  	p1 =	seq.s32 s10, $0x1;
	s10 =	sld [smem:$0x3FB6];
	_ =	sdelay $0x3  }
0x37: {  	[smem:$0x3FB6] =	sst s10  }
0x38: {  	s10 =	sld [smem:$0x3FB7]  }
0x39: {  	_ = 	snop;
	(pc) =	sbr.ind lr, $3  }
0x3a: {  	_ = 	snop  }
0x3b: {  	_ = 	snop  }
0x3c: {  	p2 =	seq.s32 s10, $0x1;
	s10 =	sld [smem:$0x3FB6]  }
0x3d: {  	_ =	shalt  }
0x3e: {  	_ =	shalt  }
0x3f: {  	_ =	shalt  }
0x40: {  	_ =	shalt  }
0x41: {  	_ =	shalt  }
0x42: {  	_ =	shalt  }
0x43: {  	_ =	shalt  }
0x44: {  	_ =	shalt  }
0x45: {  	_ =	shalt  }
0x46: {  	_ =	shalt  }
0x47: {  	_ =	shalt  }
0x48: {  	_ =	shalt  }
0x49: {  	_ =	shalt  }
0x4a: {  	_ =	shalt  }
0x4b: {  	_ =	shalt  }
0x4c: {  	_ =	shalt  }
0x4d: {  	_ =	shalt  }
0x4e: {  	_ =	shalt  }
0x4f: {  	_ =	shalt  }
0x50: {  	_ =	shalt  }
0x51: {  	_ =	shalt  }
0x52: {  	_ =	shalt  }
0x53: {  	_ =	shalt  }
0x54: {  	_ =	shalt  }
0x55: {  	_ =	shalt  }
0x56: {  	_ =	shalt  }
0x57: {  	_ =	shalt  }
0x58: {  	_ =	shalt  }
0x59: {  	_ =	shalt  }
0x5a: {  	_ =	shalt  }
0x5b: {  	_ =	shalt  }
0x5c: {  	_ =	shalt  }
0x5d: {  	_ =	shalt  }
0x5e: {  	_ =	shalt  }
0x5f: {  	_ =	shalt  }
0x60: {  	_ =	shalt  }
0x61: {  	_ =	shalt  }
0x62: {  	_ =	shalt  }
0x63: {  	_ =	shalt  }
0x64: {  	_ =	shalt  }
0x65: {  	_ =	shalt  }
0x66: {  	_ =	shalt  }
0x67: {  	_ =	shalt  }
0x68: {  	_ =	shalt  }
0x69: {  	_ =	shalt  }
0x6a: {  	_ =	shalt  }
0x6b: {  	_ =	shalt  }
0x6c: {  	_ =	shalt  }
0x6d: {  	_ =	shalt  }
0x6e: {  	_ =	shalt  }
0x6f: {  	_ =	shalt  }
0x70: {  	_ =	shalt  }
0x71: {  	_ =	shalt  }
0x72: {  	_ =	shalt  }
0x73: {  	_ =	shalt  }
0x74: {  	_ =	shalt  }
0x75: {  	_ =	shalt  }
0x76: {  	_ =	shalt  }
0x77: {  	_ =	shalt  }
0x78: {  	_ =	shalt  }
0x79: {  	_ =	shalt  }
0x7a: {  	_ =	shalt  }
0x7b: {  	_ =	shalt  }
0x7c: {  	_ =	shalt  }
0x7d: {  	_ =	shalt  }
0x7e: {  	_ =	shalt  }
0x7f: {  	_ =	shalt  }
0x80: {  	_ =	shalt  }
0x81: {  	_ =	shalt  }
0x82: {  	_ =	shalt  }
0x83: {  	_ =	shalt  }
0x84: {  	_ =	shalt  }
0x85: {  	_ =	shalt  }
0x86: {  	_ =	shalt  }
0x87: {  	_ =	shalt  }
.Lfunc_end0:
.L_simem_size_0:
called_computation.1_lowered:
.L_overlay_start_0:
0x88: {  	s2 =	sld [smem:$0x3FD9]  }
0x89: {  	s3 =	sld [smem:$0x3FFE];
	_ =	sdelay $0x1  }
0x8a: {  	s1 =	srdreg.scid  }
0x8b: {  	s0 =	sand.u32 $0x1, s1  }
0x8c: {  	s17 =	sshll.u32 s0, $0xA;
	s2 =	sadd.s32 s3, s2  }
0x8d: {  	s2 =	sadd.s32 s2, s17  }
0x8e: {  	[smem:$0x3FC2] =	sst s2  }
0x8f: {  	_ = 	snop  }
0x90: {  	s2 =	sld [smem:$0x3FD0];
	(tm) =	ssettm $0x1  }
0x91: {  	s18 =	sld [smem:$0x3FFB];
	_ =	sdelay $0x3  }
0x92: {  	_ =	strace s18  }
0x93: {  	s3 =	sld [smem:$0x3FFC];
	_ =	sdelay $0x3  }
0x94: {  	_ =	strace s3  }
0x95: {  	s3 =	sld [smem:$0x3FFD];
	_ =	sdelay $0x3  }
0x96: {  	_ =	strace s3  }
0x97: {  	_ =	strace $0x8FFFFFFF  }
0x98: {  	s19 =	sld [smem:$0x3FDB];
	_ =	sdelay $0x1  }
0x99: {  	s4 =	simm.s32 $_scs_section_size  }
0x9a: {  	s5 =	simm.s32 $_size__tile_overlayer_lowered;
	s6 =	simm.s32 $_tile_overlayer_lowered  }
0x9b: {  	s22 =	simm.s32 $0x1BFF;
	s21 =	sshll.u32 s6, $0x1;
	s3 =	sadd.s32 s4, s19  }
0x9c: {  	s7 =	simm.s32 $0x0;
	s20 =	sshll.u32 s5, $0x1;
	s5 =	sadd.s32 s21, s3  }
0x9d: {  	[timem:s7], [sflag:s22] =	dma.local [hbm:s5], s20  }
0x9e: {  	_ =	swait.ge [sflag:s22], s20  }
0x9f: {  	s4 =	ssub.s32 $0x0, s20;
	[sflag:s22] =	ssyncset.done $0x0  }
0xa0: {  	[sflag:s22] =	ssyncadd.s32 s4;
	_ =	sdelay $0x1  }
0xa1: {  	s23 =	simm.s32 $0x1B8B  }
0xa2: {  	_ =	swait.ge [sflag:s23], $0x1  }
0xa3: {  	[sflag:s23] =	ssyncset.done $0x0  }
0xa4: {  	s25 =	simm.s32 $0x1B8E;
	s24 =	sld [smem:$0x3FFE];
	[sflag:s23] =	ssyncadd.s32 $0xFFFFFFFF  }
0xa5: {  	s26 =	simm.s32 $execute0_lowered;
	[smem:$0x3FD2] =	sst s25  }
0xa6: {  	s5 =	sshll.u32 s26, $0x1;
	_ =	strace $0x80000049;
	[dreg:$0x1] =	wrdreg $0xFFFFFFFF  }
0xa7: {  	s28 =	simm.s32 $_size_execute0_lowered;
	s3 =	sadd.s32 s3, s5;
	[dreg:$0x0] =	wrdreg $0x0  }
0xa8: {  	s5 =	sshll.u32 s28, $0x1;
	[dreg:$0x2] =	wrdreg s3  }
0xa9: {  	[dreg:$0x3] =	wrdreg s5  }
0xaa: {  	[dreg:$0x4] =	wrdreg $0xC0  }
0xab: {  	_ =	task [dreg:s7], $0x5FFFF  }
0xac: {  	[dreg:$0x1] =	wrdreg $0xFFFFFFFF  }
0xad: {  	[dreg:$0x0] =	wrdreg $0x60  }
0xae: {  	[dreg:$0x2] =	wrdreg s24  }
0xaf: {  	[dreg:$0x3] =	wrdreg s2  }
0xb0: {  	[dreg:$0x4] =	wrdreg $0x18E700  }
0xb1: {  	[dreg:$0x5] =	wrdreg $0x167600  }
0xb2: {  	[dreg:$0x6] =	wrdreg $0x9  }
0xb3: {  	_ =	task.clear_ibuf [dreg:s7], $0x7FFFF;
	_ =	strace $0x90000049  }
0xb4: {  	s29 =	simm.s32 $0x9;
	_ =	strace $0x8000004B  }
0xb5: {  	_ =	swait.ge [sflag:s29], $0x1  }
0xb6: {  	[sflag:s29] =	ssyncadd.s32 $0xFFFFFFFF  }
0xb7: {  	_ =	strace $0x9000004B  }
0xb8: {  	_ =	sfence  }
0xb9: {  	s30 =	sld [smem:$0x0];
	_ =	sdelay $0x2  }
0xba: {  	s31 =	sshll.u32 s1, $0xD;
	s1 =	sshrl.u32 s1, $0x2  }
0xbb: {  	s3 =	sand.u32 $0x4000, s31;
	s1 =	sadd.s32 s1, s30  }
0xbc: {  	s0 =	sor.u32 s3, s0;
	s1 =	sshll.u32 s1, $0x11  }
0xbd: {  	s0 =	sor.u32 s1, s0  }
0xbe: {  	s0 =	sadd.s32 $0x8F2B, s0  }
0xbf: {  	[sflag:s0] =	ssyncadd.remote.s32 $0x1  }
0xc0: {  	_ =	sfence.sel $0xFFFF  }
0xc1: {  	[dreg:$0x0] =	wrdreg $0xFFFFFFFF;
	(pc) =	sbr.abs _section_cstart, $3  }
0xc2: {  	[dreg:$0x1] =	wrdreg $0xFFFFFFFF  }
0xc3: {  	_ =	task.clear_ibuf [dreg:s7], $0x2FFFF;
	_ =	strace $0x9FFFFFFF  }
0xc4: {  	(tm) =	ssettm $0x7FFFFFFF  }
0xc5: {  	_ =	shalt  }
tec
execute0_lowered:
.L_overlay_start_1:
0x0: {  	(tag) =	ssettag $0x1  }
0x1: {  	s0 =	rddreg [dreg:$0x0]  }
0x2: {  	s1 =	srdreg.scid;
	s5 =	rddreg [dreg:$0x1]  }
0x3: {  	s7 =	stileid.u32;
	s2 =	rddreg [dreg:$0x2]  }
0x4: {  	s15 =	simm.s32 $0x14050;
	s17 =	simm.s32 $0x3;
	s18 =	simm.s32 $0x2710  }
0x5: {  	s21 =	simm.s32 $0x11940;
	s22 =	simm.s32 $0x3E8;
	s23 =	simm.s32 $0x4E20  }
0x6: {  	s24 =	simm.s32 $0x8CA0;
	s25 =	simm.s32 $0x1;
	s28 =	simm.s32 $0x2  }
0x7: {  	s20 =	simm.s32 $0x0;
	s1 =	sand.u32 $0x1, s1;
	s3 =	sshll.u32 s7, $0x1  }
0x8: {  	s12 =	smul.u32 $0x2710, s7;
	s4 =	sor.u32 s1, s3;
	s3 =	rddreg [dreg:$0x3]  }
0x9: {  	s31 =	smul.u32 $0x27100, s1;
	s9 =	ssub.s32 $0x2, s1;
	p0 =	seq.s32 s1, $0x0  }
0xa: {  	s6 =	smul.u32 $0x4E2, s4;
	s4 =	simm.s32 $0x0;
	s10 =	sshrl.u32 s12, $0x3  }
0xb: {  	s11 =	sshrl.u32 s9, $0x1;
	s15 =	simm.s32 @!p0 $0xCB20;
	[smem:$0x7FF] =	sst s4  }
0xc: {  	s7 =	sadd.s32 s12, s31;
	s14 =	ssub.s32 s9, s11;
	_ =	strace $0x8000004A  }
0xd: {  	s8 =	sadd.s32 s6, s0;
	s7 =	sshrl.u32 s7, $0x3;
	s5 =	sadd.s32 s5, s6  }
0xe: {  	s14 =	smax.u32 s14, $0x1;
	s13 =	sadd.s32 s7, s0;
	s0 =	sadd.s32 s10, s0  }
0xf: {  	[dreg:$0x5] =	wrdreg s5;
	s6 =	sadd.s32 $0x1800, s8;
	s10 =	sadd.s32 s12, s2  }
0x10: {  	s12 =	sadd.s32 s12, s3;
	s7 =	sadd.s32 $0xB600, s0;
	s8 =	sadd.s32 $0x10420, s0  }
0x11: {  	v0 =	vimm.f32 $0.0e+00;
	s9 =	sadd.s32 $0x15400, s0;
	s11 =	sadd.s32 $0x24200, s0;
	s13 =	sadd.s32 $0x1A400, s13  }
.LBB2_1:
0x12: {  	s0 =	rddreg [dreg:$0x5]  }
0x13: {  	[tilespmem:s4], [sflag:$0x3] =	stream.linear.gather [hbm4b:s0+s4], $0x2710, $0x38;
	[tilespmem:$0x1B580] =	vst v63  }
0x14: {  	_ =	swait.ge [sflag:s17], $0x2710  }
0x15: {  	[sflag:s17] =	ssyncset.done $0x0  }
0x16: {  	[sflag:s17] =	ssyncadd.s32 $0xFFFFD8F0  }
0x17: {  	[tilespmem:s18], [sflag:$0x3] =	stream.linear.gather [hbm4b:s6+s4], $0x2710, $0x38;
	[tilespmem:$0x1B580] =	vst v63  }
0x18: {  	_ =	swait.ge [sflag:s17], $0x2710  }
0x19: {  	[sflag:s17] =	ssyncset.done $0x0  }
0x1a: {  	s19 =	simm.s32 $0xCB20;
	[sflag:s17] =	ssyncadd.s32 $0xFFFFD8F0  }
0x1b: {  	[tilespmem:s19], [sflag:$0x3] =	stream.linear.gather [hbm4b:s7+s4], $0x2710, $0x38;
	[tilespmem:$0x1B580] =	vst v63  }
0x1c: {  	_ =	swait.ge [sflag:s17], $0x2710  }
0x1d: {  	[sflag:s17] =	ssyncset.done $0x0  }
0x1e: {  	s26 =	simm.s32 $0xF230;
	[sflag:s17] =	ssyncadd.s32 $0xFFFFD8F0  }
0x1f: {  	[tilespmem:s26], [sflag:$0x3] =	stream.linear.gather [hbm4b:s8+s4], $0x2710, $0x38;
	[tilespmem:$0x1B580] =	vst v63  }
0x20: {  	_ =	swait.ge [sflag:s17], $0x2710  }
0x21: {  	[sflag:s17] =	ssyncset.done $0x0  }
0x22: {  	[sflag:s17] =	ssyncadd.s32 $0xFFFFD8F0  }
0x23: {  	[tilespmem:s21], [sflag:$0x3] =	stream.linear.gather [hbm4b:s9+s4], $0x2710, $0x38;
	[tilespmem:$0x1B580] =	vst v63  }
0x24: {  	_ =	swait.ge [sflag:s17], $0x2710  }
0x25: {  	[sflag:s17] =	ssyncset.done $0x0  }
0x26: {  	s1 =	simm.s32 $0x0;
	[sflag:s17] =	ssyncadd.s32 $0xFFFFD8F0  }
0x27: {  	v1 =	vld [tilespmem:s1+$0xF230]  }
0x28: {  	v2 =	vld [tilespmem:s1+$0xCB20];
	_ =	sdelay $0x2  }
0x29: {  	s29 =	simm.s32 $0x10  }
0x2a: {  	v3 =	vld [tilespmem:s29+$0xF230]  }
0x2b: {  	v1 =	vadd.f32 v1, v2;
	v2 =	vld [tilespmem:s29+$0xCB20];
	_ =	sdelay $0x1  }
0x2c: {  	v4 =	vshrl.u32 v1, $0x1;
	v1 =	vmul.f32 $5.000000000e-01, v1  }
0x2d: {  	v4 =	vsub.s32 $0x5F3759DF, v4  }
0x2e: {  	s26 =	simm.s32 $0x20;
	v5 =	vmul.f32 v4, v1  }
0x2f: {  	v6 =	vld [tilespmem:s26+$0xF230];
	v2 =	vadd.f32 v3, v2  }
0x30: {  	v3 =	vmul.f32 v4, v5;
	v5 =	vld [tilespmem:s26+$0xCB20]  }
0x31: {  	v7 =	vshrl.u32 v2, $0x1;
	v9 =	vmul.f32 $5.000000000e-01, v2  }
0x32: {  	v2 =	vsub.f32 $1.500000000e+00, v3;
	v7 =	vsub.s32 $0x5F3759DF, v7  }
0x33: {  	s30 =	simm.s32 $0x30;
	v3 =	vmul.f32 v7, v9  }
0x34: {  	v10 =	vld [tilespmem:s30+$0xCB20];
	v2 =	vmul.f32 v4, v2  }
0x35: {  	v4 =	vld [tilespmem:s30+$0xF230];
	v5 =	vadd.f32 v6, v5;
	v6 =	vmul.f32 v7, v3  }
0x36: {  	v8 =	vmul.f32 v2, v1  }
0x37: {  	v11 =	vshrl.u32 v5, $0x1;
	v3 =	vmul.f32 $5.000000000e-01, v5;
	v5 =	vsub.f32 $1.500000000e+00, v6  }
0x38: {  	v6 =	vsub.s32 $0x5F3759DF, v11;
	v8 =	vmul.f32 v8, v2  }
0x39: {  	s31 =	simm.s32 $0x40;
	v11 =	vmul.f32 v6, v3;
	v7 =	vmul.f32 v7, v5  }
0x3a: {  	v12 =	vld [tilespmem:s31+$0xCB20];
	v4 =	vadd.f32 v4, v10;
	v5 =	vsub.f32 $1.500000000e+00, v8  }
0x3b: {  	v8 =	vld [tilespmem:s31+$0xF230];
	v10 =	vmul.f32 v6, v11;
	v11 =	vmul.f32 v7, v9  }
0x3c: {  	v15 =	vmul.f32 v5, v2;
	v5 =	vshrl.u32 v4, $0x1;
	v2 =	vmul.f32 $5.000000000e-01, v4  }
0x3d: {  	v4 =	vsub.f32 $1.500000000e+00, v10;
	v13 =	vsub.s32 $0x5F3759DF, v5  }
0x3e: {  	v10 =	vmul.f32 v11, v7;
	v11 =	vmul.f32 v13, v2  }
0x3f: {  	v1 =	vmul.f32 v15, v1;
	v5 =	vmul.f32 v6, v4  }
0x40: {  	v4 =	vsub.f32 $1.500000000e+00, v10;
	v6 =	vadd.f32 v8, v12;
	v8 =	vmul.f32 v13, v11  }
0x41: {  	s0 =	simm.s32 $0x50;
	v10 =	vmul.f32 v5, v3  }
0x42: {  	v1 =	vmul.f32 v1, v15;
	v4 =	vmul.f32 v4, v7;
	v14 =	vsub.f32 $1.500000000e+00, v8;
	v8 =	vld [tilespmem:s0+$0xF230]  }
0x43: {  	v7 =	vshrl.u32 v6, $0x1;
	v16 =	vmul.f32 v10, v5;
	v10 =	vld [tilespmem:s0+$0xCB20]  }
0x44: {  	v11 =	vsub.f32 $1.500000000e+00, v1;
	v1 =	vmul.f32 $5.000000000e-01, v6;
	v17 =	vmul.f32 v4, v9;
	v9 =	vld [tilespmem:s1+$0x11940]  }
0x45: {  	v6 =	vsub.s32 $0x5F3759DF, v7  }
0x46: {  	v12 =	vmul.f32 v6, v1;
	v7 =	vmul.f32 v13, v14  }
0x47: {  	s16 =	simm.s32 $0x60;
	s19 =	simm.s32 $0x1C0;
	v11 =	vmul.f32 v11, v15;
	v14 =	vsub.f32 $1.500000000e+00, v16;
	v13 =	vmul.f32 v17, v4  }
.LBB2_2:
0x48: {  	s5 =	sshra.s32 s19, $0x2;
	p0 =	sne.s32 s19, $0x9C00;
	s19 =	sadd.s32 $0x40, s19;
	v15 =	vadd.f32 v8, v10;
	v8 =	vld [tilespmem:s16+$0xF230];
	v12 =	vmul.f32 v6, v12;
	v16 =	vmul.f32 v7, v2  }
.Ltmp0:
0x49: {  	v10 =	vld [tilespmem:s16+$0xCB20];
	v17 =	vmul.f32 v14, v5;
	v18 =	vsub.f32 $1.500000000e+00, v13;
	v13 =	vmul.f32 v11, v9;
	[tilespmem:s1+$0x11940] =	vst v11;
	v5 =	vmovc v7;
	(pc) =	sbr.rel @p0 .LBB2_2-.Ltmp0, $4  }
0x4a: {  	v7 =	vshrl.u32 v15, $0x1;
	v11 =	vmul.f32 $5.000000000e-01, v15;
	v14 =	vsub.f32 $1.500000000e+00, v12;
	v9 =	vld [tilespmem:s29+$0x11940]  }
0x4b: {  	v16 =	vmul.f32 v16, v5;
	v15 =	vsub.s32 $0x5F3759DF, v7;
	v19 =	vmul.f32 v17, v3;
	[tilespmem:s1+$0x14050] =	vst v13;
	v3 =	vmovc v2;
	s1 =	smov.u32 s29;
	s29 =	smov.u32 s26;
	s26 =	smov.u32 s30  }
0x4c: {  	v2 =	vmovc v1;
	s30 =	smov.u32 s31;
	s31 =	smov.u32 s0;
	s0 =	smov.u32 s16;
	v12 =	vmul.f32 v15, v11;
	v7 =	vmul.f32 v6, v14;
	v1 =	vmovc v11;
	v6 =	vmov v15  }
0x4d: {  	s16 =	smov.u32 s5;
	v14 =	vsub.f32 $1.500000000e+00, v16;
	v11 =	vmul.f32 v18, v4;
	v4 =	vmovc v17;
	v13 =	vmul.f32 v19, v17  }
0x4e: {  	v15 =	vld [tilespmem:s16+$0xF230];
	v8 =	vadd.f32 v8, v10  }
0x4f: {  	v43 =	vld [tilespmem:s16+$0xCB20]  }
0x50: {  	v42 =	vmul.f32 v6, v12;
	v16 =	vshrl.u32 v8, $0x1;
	v8 =	vmul.f32 $5.000000000e-01, v8  }
0x51: {  	v44 =	vmul.f32 v7, v2;
	v5 =	vmul.f32 v14, v5;
	v16 =	vsub.s32 $0x5F3759DF, v16  }
0x52: {  	v9 =	vmul.f32 v11, v9;
	v10 =	vsub.f32 $1.500000000e+00, v42;
	v46 =	vmul.f32 v16, v8  }
0x53: {  	v13 =	vsub.f32 $1.500000000e+00, v13;
	v14 =	vmul.f32 v44, v7;
	v3 =	vmul.f32 v5, v3  }
0x54: {  	v45 =	vmul.f32 v6, v10;
	v12 =	vadd.f32 v15, v43;
	v10 =	vmul.f32 v16, v46  }
0x55: {  	[tilespmem:s1+$0x11940] =	vst v11;
	v4 =	vmul.f32 v13, v4;
	v47 =	vsub.f32 $1.500000000e+00, v14;
	v3 =	vmul.f32 v3, v5  }
0x56: {  	v48 =	vld [tilespmem:s29+$0x11940];
	v49 =	vshrl.u32 v12, $0x1;
	v12 =	vmul.f32 $5.000000000e-01, v12;
	v10 =	vsub.f32 $1.500000000e+00, v10  }
0x57: {  	[tilespmem:s1+$0x14050] =	vst v9;
	v50 =	vmul.f32 v45, v1;
	v51 =	vmul.f32 v47, v7;
	v52 =	vsub.s32 $0x5F3759DF, v49  }
0x58: {  	[tilespmem:s29+$0x11940] =	vst v4;
	v14 =	vmul.f32 v52, v12;
	v10 =	vmul.f32 v16, v10  }
0x59: {  	v53 =	vld [tilespmem:s26+$0x11940];
	v9 =	vmul.f32 v50, v45;
	v2 =	vmul.f32 v51, v2  }
0x5a: {  	v3 =	vsub.f32 $1.500000000e+00, v3;
	v14 =	vmul.f32 v52, v14;
	v16 =	vmul.f32 v10, v8  }
0x5b: {  	v4 =	vmul.f32 v4, v48;
	v9 =	vsub.f32 $1.500000000e+00, v9;
	v2 =	vmul.f32 v2, v51  }
0x5c: {  	v3 =	vmul.f32 v3, v5;
	v54 =	vsub.f32 $1.500000000e+00, v14;
	v55 =	vmul.f32 v16, v10  }
0x5d: {  	[tilespmem:s29+$0x14050] =	vst v4;
	v56 =	vmul.f32 v9, v45;
	v2 =	vsub.f32 $1.500000000e+00, v2  }
0x5e: {  	v57 =	vmul.f32 v3, v53;
	[tilespmem:s26+$0x11940] =	vst v3;
	v3 =	vmul.f32 v52, v54;
	v58 =	vsub.f32 $1.500000000e+00, v55  }
0x5f: {  	v59 =	vld [tilespmem:s30+$0x11940];
	v1 =	vmul.f32 v56, v1;
	v2 =	vmul.f32 v2, v51  }
0x60: {  	[tilespmem:s26+$0x14050] =	vst v57;
	v60 =	vmul.f32 v3, v12;
	v5 =	vmul.f32 v58, v10  }
0x61: {  	v1 =	vmul.f32 v1, v56;
	[tilespmem:s30+$0x11940] =	vst v2  }
0x62: {  	v61 =	vld [tilespmem:s31+$0x11940];
	v6 =	vmul.f32 v60, v3;
	v8 =	vmul.f32 v5, v8  }
0x63: {  	v1 =	vsub.f32 $1.500000000e+00, v1  }
0x64: {  	v2 =	vmul.f32 v2, v59;
	v6 =	vsub.f32 $1.500000000e+00, v6;
	v8 =	vmul.f32 v8, v5  }
0x65: {  	v1 =	vmul.f32 v1, v56  }
0x66: {  	[tilespmem:s30+$0x14050] =	vst v2;
	v2 =	vmul.f32 v6, v3;
	v3 =	vsub.f32 $1.500000000e+00, v8  }
0x67: {  	v4 =	vmul.f32 v1, v61  }
0x68: {  	[tilespmem:s31+$0x11940] =	vst v1;
	v6 =	vmul.f32 v2, v12;
	v3 =	vmul.f32 v3, v5  }
0x69: {  	v1 =	vld [tilespmem:s0+$0x11940];
	[tilespmem:s31+$0x14050] =	vst v4  }
0x6a: {  	v62 =	vmul.f32 v6, v2;
	[tilespmem:s0+$0x11940] =	vst v3  }
0x6b: {  	v63 =	vld [tilespmem:s16+$0x11940]  }
0x6c: {  	v4 =	vsub.f32 $1.500000000e+00, v62;
	_ =	sdelay $0x1  }
0x6d: {  	v1 =	vmul.f32 v3, v1;
	v2 =	vmul.f32 v4, v2;
	_ =	sdelay $0x1  }
0x6e: {  	[tilespmem:s0+$0x14050] =	vst v1;
	v1 =	vmul.f32 v2, v63  }
0x6f: {  	[tilespmem:s16+$0x11940] =	vst v2  }
0x70: {  	s30 =	simm.s32 $0x14050;
	[tilespmem:s16+$0x14050] =	vst v1  }
0x71: {  	[spmem:s10] =	stream.linear.scatter [tilespmem:s30], [sflag:$0x3], $0x2710, $0x38;
	[tilespmem:$0x1B580] =	vst v63  }
0x72: {  	_ =	swait.ge [sflag:s17], $0x2710  }
0x73: {  	[sflag:s17] =	ssyncset.done $0x0  }
0x74: {  	s31 =	simm.s32 $0x0;
	[sflag:s17] =	ssyncadd.s32 $0xFFFFD8F0  }
0x75: {  	[hbm4b:s11+s31] =	stream.linear.scatter [tilespmem:s21], [sflag:$0x3], $0x2710, $0x38;
	[tilespmem:$0x1B580] =	vst v63  }
0x76: {  	_ =	swait.ge [sflag:s17], $0x2710  }
0x77: {  	[sflag:s17] =	ssyncset.done $0x0  }
0x78: {  	s1 =	simm.s32 $0x200;
	s0 =	simm.s32 $0x0;
	[sflag:s17] =	ssyncadd.s32 $0xFFFFD8F0  }
.LBB2_4:
0x79: {  	p0 =	sne.s32 s1, $0x9A00;
	[tilespmem:s0+$0xCB90] =	vst v0  }
0x7a: {  	[tilespmem:s0+$0xCB20] =	vst v0  }
0x7b: {  	[tilespmem:s0+$0xCB30] =	vst v0  }
.Ltmp1:
0x7c: {  	[tilespmem:s0+$0xCB40] =	vst v0;
	(pc) =	sbr.rel @p0 .LBB2_4-.Ltmp1, $4  }
0x7d: {  	[tilespmem:s0+$0xCB50] =	vst v0  }
0x7e: {  	[tilespmem:s0+$0xCB60] =	vst v0  }
0x7f: {  	[tilespmem:s0+$0xCB70] =	vst v0  }
0x80: {  	[tilespmem:s0+$0xCB80] =	vst v0;
	s0 =	sshra.s32 s1, $0x2;
	s1 =	sadd.s32 $0x200, s1  }
0x81: {  	[tilespmem:s0+$0xCB90] =	vst v0  }
0x82: {  	[tilespmem:s0+$0xCB20] =	vst v0  }
0x83: {  	[tilespmem:s0+$0xCB30] =	vst v0  }
0x84: {  	[tilespmem:s0+$0xCB40] =	vst v0  }
0x85: {  	[tilespmem:s0+$0xCB50] =	vst v0  }
0x86: {  	[tilespmem:s0+$0xCB60] =	vst v0  }
0x87: {  	[tilespmem:s0+$0xCB70] =	vst v0  }
0x88: {  	[tilespmem:s0+$0xCB80] =	vst v0  }
0x89: {  	[tilespmem:$0xF220] =	vst v0  }
0x8a: {  	[spmem:s12] =	stream.linear.scatter [tilespmem:s15], [sflag:$0x3], $0x2710, $0x38;
	[tilespmem:$0x1B580] =	vst v63  }
0x8b: {  	_ =	swait.ge [sflag:s17], $0x2710  }
0x8c: {  	[sflag:s17] =	ssyncset.done $0x0  }
0x8d: {  	[sflag:s17] =	ssyncadd.s32 $0xFFFFD8F0  }
0x8e: {  	[bflag:$0x0] =	sbarrier.arrive $0xFFFF  }
0x8f: {  	[tilespmem:s23], [sflag:$0x1] =	stream.indirect.gather [spmem:s2], $0x10, s4, s22, $0xb8;
	[tilespmem:$0x1B580] =	vst v63  }
0x90: {  	_ = 	snop  }
0x91: {  	[tilespmem:s24], [sflag:$0x2] =	stream.indirect.gather [spmem:s2], $0x10, s22, s22, $0xb8;
	[tilespmem:$0x1B580] =	vst v63  }
0x92: {  	_ =	swait.ge [sflag:s25], $0x3E80  }
0x93: {  	[sflag:s25] =	ssyncset.done $0x0  }
0x94: {  	[sflag:s25] =	ssyncadd.s32 $0xFFFFC180  }
0x95: {  	[spmem:s3] =	stream.indirect.scatter.add.f32 [tilespmem:s23], [sflag:$0x3], $0x10, s18, s22, $0xb8;
	[tilespmem:$0x1B580] =	vst v63  }
0x96: {  	_ =	swait.ge [sflag:s17], $0x3E80  }
0x97: {  	[sflag:s17] =	ssyncset.done $0x0  }
0x98: {  	s30 =	simm.s32 $0x7D0;
	[sflag:s17] =	ssyncadd.s32 $0xFFFFC180  }
0x99: {  	[tilespmem:s23], [sflag:$0x1] =	stream.indirect.gather [spmem:s2], $0x10, s30, s22, $0xb8;
	[tilespmem:$0x1B580] =	vst v63  }
0x9a: {  	_ =	swait.ge [sflag:s28], $0x3E80  }
0x9b: {  	[sflag:s28] =	ssyncset.done $0x0  }
0x9c: {  	s31 =	simm.s32 $0x2AF8;
	[sflag:s28] =	ssyncadd.s32 $0xFFFFC180  }
0x9d: {  	[spmem:s3] =	stream.indirect.scatter.add.f32 [tilespmem:s24], [sflag:$0x3], $0x10, s31, s22, $0xb8;
	[tilespmem:$0x1B580] =	vst v63  }
0x9e: {  	_ =	swait.ge [sflag:s17], $0x3E80  }
0x9f: {  	[sflag:s17] =	ssyncset.done $0x0  }
0xa0: {  	s1 =	simm.s32 $0xBB8;
	[sflag:s17] =	ssyncadd.s32 $0xFFFFC180  }
0xa1: {  	[tilespmem:s24], [sflag:$0x2] =	stream.indirect.gather [spmem:s2], $0x10, s1, s22, $0xb8;
	[tilespmem:$0x1B580] =	vst v63  }
0xa2: {  	_ =	swait.ge [sflag:s25], $0x3E80  }
0xa3: {  	[sflag:s25] =	ssyncset.done $0x0  }
0xa4: {  	s5 =	simm.s32 $0x2EE0;
	[sflag:s25] =	ssyncadd.s32 $0xFFFFC180  }
0xa5: {  	[spmem:s3] =	stream.indirect.scatter.add.f32 [tilespmem:s23], [sflag:$0x3], $0x10, s5, s22, $0xb8;
	[tilespmem:$0x1B580] =	vst v63  }
0xa6: {  	_ =	swait.ge [sflag:s17], $0x3E80  }
0xa7: {  	[sflag:s17] =	ssyncset.done $0x0  }
0xa8: {  	s16 =	simm.s32 $0xFA0;
	[sflag:s17] =	ssyncadd.s32 $0xFFFFC180  }
0xa9: {  	[tilespmem:s23], [sflag:$0x1] =	stream.indirect.gather [spmem:s2], $0x10, s16, s22, $0xb8;
	[tilespmem:$0x1B580] =	vst v63  }
0xaa: {  	_ =	swait.ge [sflag:s28], $0x3E80  }
0xab: {  	[sflag:s28] =	ssyncset.done $0x0  }
0xac: {  	s19 =	simm.s32 $0x32C8;
	[sflag:s28] =	ssyncadd.s32 $0xFFFFC180  }
0xad: {  	[spmem:s3] =	stream.indirect.scatter.add.f32 [tilespmem:s24], [sflag:$0x3], $0x10, s19, s22, $0xb8;
	[tilespmem:$0x1B580] =	vst v63  }
0xae: {  	_ =	swait.ge [sflag:s17], $0x3E80  }
0xaf: {  	[sflag:s17] =	ssyncset.done $0x0  }
0xb0: {  	s26 =	simm.s32 $0x1388;
	[sflag:s17] =	ssyncadd.s32 $0xFFFFC180  }
0xb1: {  	[tilespmem:s24], [sflag:$0x2] =	stream.indirect.gather [spmem:s2], $0x10, s26, s22, $0xb8;
	[tilespmem:$0x1B580] =	vst v63  }
0xb2: {  	_ =	swait.ge [sflag:s25], $0x3E80  }
0xb3: {  	[sflag:s25] =	ssyncset.done $0x0  }
0xb4: {  	s29 =	simm.s32 $0x36B0;
	[sflag:s25] =	ssyncadd.s32 $0xFFFFC180  }
0xb5: {  	[spmem:s3] =	stream.indirect.scatter.add.f32 [tilespmem:s23], [sflag:$0x3], $0x10, s29, s22, $0xb8;
	[tilespmem:$0x1B580] =	vst v63  }
0xb6: {  	_ =	swait.ge [sflag:s17], $0x3E80  }
0xb7: {  	[sflag:s17] =	ssyncset.done $0x0  }
0xb8: {  	s30 =	simm.s32 $0x1770;
	[sflag:s17] =	ssyncadd.s32 $0xFFFFC180  }
0xb9: {  	[tilespmem:s23], [sflag:$0x1] =	stream.indirect.gather [spmem:s2], $0x10, s30, s22, $0xb8;
	[tilespmem:$0x1B580] =	vst v63  }
0xba: {  	_ =	swait.ge [sflag:s28], $0x3E80  }
0xbb: {  	[sflag:s28] =	ssyncset.done $0x0  }
0xbc: {  	s31 =	simm.s32 $0x3A98;
	[sflag:s28] =	ssyncadd.s32 $0xFFFFC180  }
0xbd: {  	[spmem:s3] =	stream.indirect.scatter.add.f32 [tilespmem:s24], [sflag:$0x3], $0x10, s31, s22, $0xb8;
	[tilespmem:$0x1B580] =	vst v63  }
0xbe: {  	_ =	swait.ge [sflag:s17], $0x3E80  }
0xbf: {  	[sflag:s17] =	ssyncset.done $0x0  }
0xc0: {  	s1 =	simm.s32 $0x1B58;
	[sflag:s17] =	ssyncadd.s32 $0xFFFFC180  }
0xc1: {  	[tilespmem:s24], [sflag:$0x2] =	stream.indirect.gather [spmem:s2], $0x10, s1, s22, $0xb8;
	[tilespmem:$0x1B580] =	vst v63  }
0xc2: {  	_ =	swait.ge [sflag:s25], $0x3E80  }
0xc3: {  	[sflag:s25] =	ssyncset.done $0x0  }
0xc4: {  	s5 =	simm.s32 $0x3E80;
	[sflag:s25] =	ssyncadd.s32 $0xFFFFC180  }
0xc5: {  	[spmem:s3] =	stream.indirect.scatter.add.f32 [tilespmem:s23], [sflag:$0x3], $0x10, s5, s22, $0xb8;
	[tilespmem:$0x1B580] =	vst v63  }
0xc6: {  	_ =	swait.ge [sflag:s17], $0x3E80  }
0xc7: {  	[sflag:s17] =	ssyncset.done $0x0  }
0xc8: {  	s16 =	simm.s32 $0x1F40;
	[sflag:s17] =	ssyncadd.s32 $0xFFFFC180  }
0xc9: {  	[tilespmem:s23], [sflag:$0x1] =	stream.indirect.gather [spmem:s2], $0x10, s16, s22, $0xb8;
	[tilespmem:$0x1B580] =	vst v63  }
0xca: {  	_ =	swait.ge [sflag:s28], $0x3E80  }
0xcb: {  	[sflag:s28] =	ssyncset.done $0x0  }
0xcc: {  	s19 =	simm.s32 $0x4268;
	[sflag:s28] =	ssyncadd.s32 $0xFFFFC180  }
0xcd: {  	[spmem:s3] =	stream.indirect.scatter.add.f32 [tilespmem:s24], [sflag:$0x3], $0x10, s19, s22, $0xb8;
	[tilespmem:$0x1B580] =	vst v63  }
0xce: {  	_ =	swait.ge [sflag:s17], $0x3E80  }
0xcf: {  	[sflag:s17] =	ssyncset.done $0x0  }
0xd0: {  	s26 =	simm.s32 $0x2328;
	[sflag:s17] =	ssyncadd.s32 $0xFFFFC180  }
0xd1: {  	[tilespmem:s24], [sflag:$0x2] =	stream.indirect.gather [spmem:s2], $0x10, s26, s22, $0xb8;
	[tilespmem:$0x1B580] =	vst v63  }
0xd2: {  	_ =	swait.ge [sflag:s25], $0x3E80  }
0xd3: {  	[sflag:s25] =	ssyncset.done $0x0  }
0xd4: {  	s29 =	simm.s32 $0x4650;
	[sflag:s25] =	ssyncadd.s32 $0xFFFFC180  }
0xd5: {  	[spmem:s3] =	stream.indirect.scatter.add.f32 [tilespmem:s23], [sflag:$0x3], $0x10, s29, s22, $0xb8;
	[tilespmem:$0x1B580] =	vst v63  }
0xd6: {  	_ =	swait.ge [sflag:s17], $0x3E80  }
0xd7: {  	[sflag:s17] =	ssyncset.done $0x0  }
0xd8: {  	[sflag:s17] =	ssyncadd.s32 $0xFFFFC180  }
0xd9: {  	_ =	swait.ge [sflag:s28], $0x3E80  }
0xda: {  	[sflag:s28] =	ssyncset.done $0x0  }
0xdb: {  	s30 =	simm.s32 $0x4A38;
	[sflag:s28] =	ssyncadd.s32 $0xFFFFC180  }
0xdc: {  	[spmem:s3] =	stream.indirect.scatter.add.f32 [tilespmem:s24], [sflag:$0x3], $0x10, s30, s22, $0xb8;
	[tilespmem:$0x1B580] =	vst v63  }
0xdd: {  	s31 =	stileid.u32;
	_ =	swait.ge [sflag:s17], $0x3E80  }
0xde: {  	s20 =	sadd.s32 $0x1, s20;
	s0 =	sshll.u32 s31, $0x6;
	[sflag:s17] =	ssyncset.done $0x0  }
0xdf: {  	p0 =	sne.s32 s20, s14;
	s0 =	sor.u32 $0x1C03, s0;
	[sflag:s17] =	ssyncadd.s32 $0xFFFFC180  }
.Ltmp2:
0xe0: {  	s1 =	sshrl.u32 s12, $0x3;
	[bflag:$0x0] =	sbarrier.arrive $0xFFFF;
	(pc) =	sbr.rel @p0 .LBB2_1-.Ltmp2, $4  }
0xe1: {  	[hbm:s13], [sflag:s0] =	dma.local [spmem:s1], $0x4E2  }
0xe2: {  	_ =	swait.ge [sflag:s17], $0x4E2  }
0xe3: {  	[sflag:s17] =	ssyncset.done $0x0  }
0xe4: {  	[sflag:s17] =	ssyncadd.s32 $0xFFFFFB1E  }
0xe5: {  	_ =	sfence.sel $0x180000  }
0xe6: {  	[bflag:$0x0] =	sbarrier.arrive $0xFFFF  }
0xe7: {  	_ =	strace $0x9000004A  }
0xe8: {  	s0 =	stileid.u32;
	[bflag:$0x2] =	sbarrier.arrive $0xFFFF  }
0xe9: {  	p0 =	sne.s32 s0, $0x0;
	s0 =	rddreg [dreg:$0x4]  }
0xea: {  	s0 =	sadd.s32 @!p0 $0x100000, s0  }
0xeb: {  	[sflag:s0] =	ssyncadd.tile.s32 @!p0 $0x1;
	_ =	shalt  }
.Lfunc_end2:
_tile_overlayer_lowered:
.L_overlay_start_2:
0xec: {  	(tag) =	ssettag $0x2  }
0xed: {  	s0 =	rddreg [dreg:$0x0];
	s2 =	stileid.u32  }
0xee: {  	s1 =	rddreg [dreg:$0x1];
	p0 =	sne.s32 s2, $0x0  }
0xef: {  	s3 =	rddreg [dreg:$0x2];
	[bflag:$0x3] =	sbarrier.arrive $0xFFFF;
	s2 =	simm.s32 @!p0 $0x1C03  }
0xf0: {  	[timem:s3], [sflag:s2] =	dma.local @!p0 [hbm:s0], s1  }
0xf1: {  	s0 =	simm.s32 @!p0 $0x3  }
0xf2: {  	_ =	swait.ge @!p0 [sflag:s0], s1  }
0xf3: {  	s1 =	ssub.s32 @!p0 $0x0, s1;
	[sflag:s0] =	ssyncset.done @!p0 $0x0  }
0xf4: {  	[sflag:s0] =	ssyncadd.s32 @!p0 s1  }
0xf5: {  	[bflag:$0x3] =	sbarrier.arrive $0xFFFF  }
0xf6: {  	_ =	shalt  }

// kernel: kernel.13.cloned.1.call-start
scs
__scs_entry_jumppad:
0x0: {  	(pc) =	sbr.rel $0x88, $3  }
0x1: {  	(tag) =	ssettag $0x0;
	lr =	simm.s32 $0x1  }
0x2: {  	[smem:$0x3F9B] =	sst lr;
	_ =	strace $0xD0000000  }
0x3: {  	_ = 	snop  }
0x4: {  	_ = 	snop  }
0x5: {  	_ = 	snop  }
0x6: {  	_ = 	snop  }
0x7: {  	_ = 	snop  }
__scs_overlays_trampoline_lowered:
0x8: {  	[smem:$0x3FAA] =	sst s0  }
0x9: {  	[smem:$0x3FAB] =	sst s1  }
0xa: {  	[smem:$0x3FAC] =	sst s2  }
0xb: {  	[smem:$0x3FAD] =	sst s3  }
0xc: {  	[smem:$0x3FAE] =	sst s4  }
0xd: {  	[smem:$0x3FAF] =	sst s5  }
0xe: {  	[smem:$0x3FB0] =	sst s6  }
0xf: {  	[smem:$0x3FB1] =	sst s7  }
0x10: {  	[smem:$0x3FB2] =	sst s8  }
0x11: {  	[smem:$0x3FB3] =	sst s9;
	s0 =	simm.s32 @!p0 $0x0  }
0x12: {  	s1 =	sld [smem:$0x3F99];
	s0 =	simm.s32 @p0 $0x1  }
0x13: {  	[smem:$0x3FB4] =	sst s0;
	s0 =	simm.s32 @!p1 $0x0  }
0x14: {  	s2 =	sld [smem:$0x3F98];
	s0 =	simm.s32 @p1 $0x1  }
0x15: {  	[smem:$0x3FB5] =	sst s0;
	s0 =	simm.s32 @!p2 $0x0  }
0x16: {  	s3 =	sld [smem:$0x3FDB];
	s0 =	simm.s32 @p2 $0x1  }
0x17: {  	s4 =	simm.s32 $0x1BF5;
	[smem:$0x3FB7] =	sst s0  }
0x18: {  	s0 =	sld [smem:$0x3F9A];
	_ =	swait.ge [sflag:s4], $0x0  }
0x19: {  	s7 =	sld [smem:$0x3F9B]  }
0x1a: {  	s8 =	sadd.s32 $0xFFFFE003, lr  }
0x1b: {  	s9 =	sadd.s32 $0xFFFFFEF7, lr;
	s5 =	simm.s32 $0xFFFFFFFF;
	p2 =	slt.u32 s8, $0xFFFFF086  }
0x1c: {  	p1 =	slt.u32 s9, $0xF7A;
	s5 =	simm.s32 @!p2 $0x0  }
0x1d: {  	s5 =	simm.s32 @p1 $0x1;
	p0 =	seq.s32 s7, s2  }
0x1e: {  	s7 =	smul.u32 @!p0 $0xF7A, s2;
	p2 =	seq.s32 @!p0 s5, $0x0  }
0x1f: {  	s9 =	smul.u32 $0xF7A, s1;
	s8 =	simm.s32 @!p0 $0x1BF5;
	p2 =	por !p2, p0  }
0x20: {  	[sflag:s8] =	ssyncset.s32 @!p0 $0xFFFFF086;
	s6 =	sadd.s32 @!p0 s3, s7;
	s7 =	simm.s32 @!p0 $0x108  }
0x21: {  	s3 =	sadd.s32 s3, s9;
	s6 =	sadd.s32 @!p0 $0x88, s6;
	s7 =	simm.s32 @p2 $0x1082  }
0x22: {  	[simem:s7], [sflag:s8] =	dma.local @!p0 [hbm:s6], $0xF7A  }
0x23: {  	s9 =	sor.u32 $0xD0000000, s2;
	s6 =	simm.s32 $0x108;
	_ =	swait.ge @!p0 [sflag:s8], $0x0  }
0x24: {  	s3 =	sadd.s32 $0x88, s3;
	s6 =	simm.s32 @!p1 $0x1082;
	[sflag:s4] =	ssyncset.s32 $0xFFFFF086  }
0x25: {  	[simem:s6], [sflag:s4] =	dma.local [hbm:s3], $0xF7A  }
0x26: {  	[smem:$0x3F9B] =	sst s1;
	(tag) =	ssettag s2;
	_ =	strace s9  }
0x27: {  	s1 =	sld [smem:$0x3FAB]  }
0x28: {  	s2 =	sld [smem:$0x3FAC]  }
0x29: {  	s4 =	sld [smem:$0x3FAE]  }
0x2a: {  	p0 =	seq.s32 s5, $0x0;
	s5 =	sld [smem:$0x3FAF]  }
0x2b: {  	s6 =	sld [smem:$0x3FB0]  }
0x2c: {  	s7 =	sld [smem:$0x3FB1]  }
0x2d: {  	s3 =	simm.s32 $0x108;
	s8 =	sld [smem:$0x3FB2]  }
0x2e: {  	s3 =	simm.s32 @!p0 $0x1082;
	s9 =	sld [smem:$0x3FB3]  }
0x2f: {  	lr =	sadd.s32 s0, s3;
	s0 =	sld [smem:$0x3FAA]  }
0x30: {  	s3 =	sld [smem:$0x3FAD]  }
0x31: {  	[smem:$0x3FB6] =	sst s10  }
0x32: {  	s10 =	sld [smem:$0x3FB4];
	_ =	sdelay $0x3  }
0x33: {  	p0 =	seq.s32 s10, $0x1;
	s10 =	sld [smem:$0x3FB6];
	_ =	sdelay $0x3  }
0x34: {  	[smem:$0x3FB6] =	sst s10  }
0x35: {  	s10 =	sld [smem:$0x3FB5];
	_ =	sdelay $0x3  }
0x36: {  	p1 =	seq.s32 s10, $0x1;
	s10 =	sld [smem:$0x3FB6];
	_ =	sdelay $0x3  }
0x37: {  	[smem:$0x3FB6] =	sst s10  }
0x38: {  	s10 =	sld [smem:$0x3FB7]  }
0x39: {  	_ = 	snop;
	(pc) =	sbr.ind lr, $3  }
0x3a: {  	_ = 	snop  }
0x3b: {  	_ = 	snop  }
0x3c: {  	p2 =	seq.s32 s10, $0x1;
	s10 =	sld [smem:$0x3FB6]  }
0x3d: {  	_ =	shalt  }
0x3e: {  	_ =	shalt  }
0x3f: {  	_ =	shalt  }
0x40: {  	_ =	shalt  }
0x41: {  	_ =	shalt  }
0x42: {  	_ =	shalt  }
0x43: {  	_ =	shalt  }
0x44: {  	_ =	shalt  }
0x45: {  	_ =	shalt  }
0x46: {  	_ =	shalt  }
0x47: {  	_ =	shalt  }
0x48: {  	_ =	shalt  }
0x49: {  	_ =	shalt  }
0x4a: {  	_ =	shalt  }
0x4b: {  	_ =	shalt  }
0x4c: {  	_ =	shalt  }
0x4d: {  	_ =	shalt  }
0x4e: {  	_ =	shalt  }
0x4f: {  	_ =	shalt  }
0x50: {  	_ =	shalt  }
0x51: {  	_ =	shalt  }
0x52: {  	_ =	shalt  }
0x53: {  	_ =	shalt  }
0x54: {  	_ =	shalt  }
0x55: {  	_ =	shalt  }
0x56: {  	_ =	shalt  }
0x57: {  	_ =	shalt  }
0x58: {  	_ =	shalt  }
0x59: {  	_ =	shalt  }
0x5a: {  	_ =	shalt  }
0x5b: {  	_ =	shalt  }
0x5c: {  	_ =	shalt  }
0x5d: {  	_ =	shalt  }
0x5e: {  	_ =	shalt  }
0x5f: {  	_ =	shalt  }
0x60: {  	_ =	shalt  }
0x61: {  	_ =	shalt  }
0x62: {  	_ =	shalt  }
0x63: {  	_ =	shalt  }
0x64: {  	_ =	shalt  }
0x65: {  	_ =	shalt  }
0x66: {  	_ =	shalt  }
0x67: {  	_ =	shalt  }
0x68: {  	_ =	shalt  }
0x69: {  	_ =	shalt  }
0x6a: {  	_ =	shalt  }
0x6b: {  	_ =	shalt  }
0x6c: {  	_ =	shalt  }
0x6d: {  	_ =	shalt  }
0x6e: {  	_ =	shalt  }
0x6f: {  	_ =	shalt  }
0x70: {  	_ =	shalt  }
0x71: {  	_ =	shalt  }
0x72: {  	_ =	shalt  }
0x73: {  	_ =	shalt  }
0x74: {  	_ =	shalt  }
0x75: {  	_ =	shalt  }
0x76: {  	_ =	shalt  }
0x77: {  	_ =	shalt  }
0x78: {  	_ =	shalt  }
0x79: {  	_ =	shalt  }
0x7a: {  	_ =	shalt  }
0x7b: {  	_ =	shalt  }
0x7c: {  	_ =	shalt  }
0x7d: {  	_ =	shalt  }
0x7e: {  	_ =	shalt  }
0x7f: {  	_ =	shalt  }
0x80: {  	_ =	shalt  }
0x81: {  	_ =	shalt  }
0x82: {  	_ =	shalt  }
0x83: {  	_ =	shalt  }
0x84: {  	_ =	shalt  }
0x85: {  	_ =	shalt  }
0x86: {  	_ =	shalt  }
0x87: {  	_ =	shalt  }
.Lfunc_end0:
.L_simem_size_0:
called_computation.2_lowered:
.L_overlay_start_0:
0x88: {  	s2 =	sld [smem:$0x3FD9]  }
0x89: {  	s3 =	sld [smem:$0x3FFE];
	_ =	sdelay $0x1  }
0x8a: {  	s1 =	srdreg.scid  }
0x8b: {  	s0 =	sand.u32 $0x1, s1  }
0x8c: {  	s17 =	sshll.u32 s0, $0xA;
	s2 =	sadd.s32 s3, s2  }
0x8d: {  	s2 =	sadd.s32 s2, s17  }
0x8e: {  	[smem:$0x3FC2] =	sst s2  }
0x8f: {  	_ = 	snop  }
0x90: {  	s2 =	sld [smem:$0x3FC6]  }
0x91: {  	s18 =	sld [smem:$0x3FD0];
	(tm) =	ssettm $0x1  }
0x92: {  	s4 =	sld [smem:$0x3FFB];
	_ =	sdelay $0x3  }
0x93: {  	_ =	strace s4  }
0x94: {  	s4 =	sld [smem:$0x3FFC];
	_ =	sdelay $0x3  }
0x95: {  	_ =	strace s4  }
0x96: {  	s4 =	sld [smem:$0x3FFD];
	_ =	sdelay $0x3  }
0x97: {  	_ =	strace s4  }
0x98: {  	_ =	strace $0x8FFFFFFF  }
0x99: {  	s19 =	sld [smem:$0x3FDB];
	_ =	sdelay $0x1  }
0x9a: {  	s5 =	simm.s32 $_scs_section_size  }
0x9b: {  	s6 =	simm.s32 $_size__tile_overlayer_lowered;
	s7 =	simm.s32 $_tile_overlayer_lowered  }
0x9c: {  	s22 =	simm.s32 $0x1BFF;
	s21 =	sshll.u32 s7, $0x1;
	s4 =	sadd.s32 s5, s19  }
0x9d: {  	s8 =	simm.s32 $0x0;
	s20 =	sshll.u32 s6, $0x1;
	s6 =	sadd.s32 s21, s4  }
0x9e: {  	[timem:s8], [sflag:s22] =	dma.local [hbm:s6], s20  }
0x9f: {  	_ =	swait.ge [sflag:s22], s20  }
0xa0: {  	s5 =	ssub.s32 $0x0, s20;
	[sflag:s22] =	ssyncset.done $0x0  }
0xa1: {  	[sflag:s22] =	ssyncadd.s32 s5;
	_ =	sdelay $0x1  }
0xa2: {  	s23 =	simm.s32 $0x1B8B  }
0xa3: {  	_ =	swait.ge [sflag:s23], $0x1  }
0xa4: {  	[sflag:s23] =	ssyncset.done $0x0  }
0xa5: {  	s25 =	simm.s32 $0x1B8E;
	s24 =	sld [smem:$0x3FFE];
	[sflag:s23] =	ssyncadd.s32 $0xFFFFFFFF  }
0xa6: {  	s26 =	simm.s32 $execute0_lowered;
	[smem:$0x3FD2] =	sst s25  }
0xa7: {  	s6 =	sshll.u32 s26, $0x1;
	_ =	strace $0x8000004C;
	[dreg:$0x1] =	wrdreg $0xFFFFFFFF  }
0xa8: {  	s28 =	simm.s32 $_size_execute0_lowered;
	s4 =	sadd.s32 s4, s6;
	[dreg:$0x0] =	wrdreg $0x0  }
0xa9: {  	s6 =	sshll.u32 s28, $0x1;
	[dreg:$0x2] =	wrdreg s4  }
0xaa: {  	[dreg:$0x3] =	wrdreg s6  }
0xab: {  	[dreg:$0x4] =	wrdreg $0xC0  }
0xac: {  	_ =	task [dreg:s8], $0x5FFFF  }
0xad: {  	[dreg:$0x1] =	wrdreg $0xFFFFFFFF  }
0xae: {  	[dreg:$0x0] =	wrdreg $0x60  }
0xaf: {  	[dreg:$0x2] =	wrdreg s24  }
0xb0: {  	[dreg:$0x3] =	wrdreg s2  }
0xb1: {  	[dreg:$0x4] =	wrdreg s18  }
0xb2: {  	[dreg:$0x5] =	wrdreg $0x18E800  }
0xb3: {  	[dreg:$0x6] =	wrdreg $0x167700  }
0xb4: {  	[dreg:$0x7] =	wrdreg $0x9  }
0xb5: {  	_ =	task.clear_ibuf [dreg:s8], $0x8FFFF;
	_ =	strace $0x9000004C  }
0xb6: {  	s29 =	simm.s32 $0x9;
	_ =	strace $0x8000004E  }
0xb7: {  	_ =	swait.ge [sflag:s29], $0x1  }
0xb8: {  	[sflag:s29] =	ssyncadd.s32 $0xFFFFFFFF  }
0xb9: {  	_ =	strace $0x9000004E  }
0xba: {  	_ =	sfence  }
0xbb: {  	s30 =	sld [smem:$0x0];
	_ =	sdelay $0x2  }
0xbc: {  	s31 =	sshll.u32 s1, $0xD;
	s1 =	sshrl.u32 s1, $0x2  }
0xbd: {  	s3 =	sand.u32 $0x4000, s31;
	s1 =	sadd.s32 s1, s30  }
0xbe: {  	s0 =	sor.u32 s3, s0;
	s1 =	sshll.u32 s1, $0x11  }
0xbf: {  	s0 =	sor.u32 s1, s0  }
0xc0: {  	s0 =	sadd.s32 $0x8F2B, s0  }
0xc1: {  	[sflag:s0] =	ssyncadd.remote.s32 $0x1  }
0xc2: {  	_ =	sfence.sel $0xFFFF  }
0xc3: {  	[dreg:$0x0] =	wrdreg $0xFFFFFFFF;
	(pc) =	sbr.abs _section_cstart, $3  }
0xc4: {  	[dreg:$0x1] =	wrdreg $0xFFFFFFFF  }
0xc5: {  	_ =	task.clear_ibuf [dreg:s8], $0x2FFFF;
	_ =	strace $0x9FFFFFFF  }
0xc6: {  	(tm) =	ssettm $0x7FFFFFFF  }
0xc7: {  	_ =	shalt  }
tec
execute0_lowered:
.L_overlay_start_1:
0x0: {  	(tag) =	ssettag $0x1  }
0x1: {  	s0 =	rddreg [dreg:$0x0]  }
0x2: {  	s1 =	rddreg [dreg:$0x2]  }
0x3: {  	s3 =	rddreg [dreg:$0x3]  }
0x4: {  	s4 =	rddreg [dreg:$0x4]  }
0x5: {  	s6 =	stileid.u32;
	s2 =	srdreg.scid  }
0x6: {  	s5 =	simm.s32 $0x0;
	s16 =	simm.s32 $0x14050;
	s17 =	simm.s32 $0x3  }
0x7: {  	s18 =	simm.s32 $0x2710;
	s23 =	simm.s32 $0x3E8;
	s24 =	simm.s32 $0x4E20  }
0x8: {  	s25 =	simm.s32 $0x8CA0;
	s29 =	simm.s32 $0x2;
	s22 =	simm.s32 $0x1B58  }
0x9: {  	s28 =	simm.s32 $0x3E80;
	s30 =	simm.s32 $0x1F40;
	s31 =	simm.s32 $0x4268  }
0xa: {  	s15 =	simm.s32 $0x0;
	s12 =	smul.u32 $0x2710, s6;
	s2 =	sand.u32 $0x1, s2  }
0xb: {  	[smem:$0x7FF] =	sst s5;
	s6 =	sshll.u32 s6, $0x1;
	s7 =	smul.u32 $0x27100, s2  }
0xc: {  	_ =	strace $0x8000004D;
	s6 =	sor.u32 s2, s6;
	s9 =	ssub.s32 $0x2, s2  }
0xd: {  	p0 =	seq.s32 s2, $0x0;
	s2 =	simm.s32 $0x4A38;
	s8 =	sshrl.u32 s12, $0x3  }
0xe: {  	s6 =	smul.u32 $0x4E2, s6;
	s26 =	sshrl.u32 s9, $0x1;
	s16 =	simm.s32 @!p0 $0xCB20  }
0xf: {  	s7 =	sadd.s32 s12, s7;
	s10 =	sadd.s32 s8, s0;
	s14 =	ssub.s32 s9, s26  }
0x10: {  	s26 =	simm.s32 $0x1;
	s7 =	sshrl.u32 s7, $0x3;
	s11 =	sadd.s32 s6, s0  }
0x11: {  	s6 =	sadd.s32 s1, s6;
	s8 =	sadd.s32 $0x1A400, s10;
	s9 =	sadd.s32 $0x1F220, s10  }
0x12: {  	s10 =	sadd.s32 $0x24200, s10;
	s14 =	smax.u32 s14, $0x1;
	s1 =	simm.s32 $0x4650  }
0x13: {  	s0 =	sadd.s32 s7, s0;
	s7 =	sadd.s32 $0x1800, s11;
	s11 =	sadd.s32 s12, s3  }
0x14: {  	v0 =	vimm.f32 $0.0e+00;
	s12 =	sadd.s32 s12, s4;
	s13 =	sadd.s32 $0xB600, s0;
	s0 =	simm.s32 $0x2328  }
.LBB2_1:
0x15: {  	[tilespmem:s5], [sflag:$0x3] =	stream.linear.gather [hbm4b:s6+s5], $0x2710, $0x38;
	[tilespmem:$0x1B590] =	vst v63  }
0x16: {  	_ =	swait.ge [sflag:s17], $0x2710  }
0x17: {  	[sflag:s17] =	ssyncset.done $0x0  }
0x18: {  	[sflag:s17] =	ssyncadd.s32 $0xFFFFD8F0  }
0x19: {  	[tilespmem:s18], [sflag:$0x3] =	stream.linear.gather [hbm4b:s7+s5], $0x2710, $0x38;
	[tilespmem:$0x1B590] =	vst v63  }
0x1a: {  	_ =	swait.ge [sflag:s17], $0x2710  }
0x1b: {  	[sflag:s17] =	ssyncset.done $0x0  }
0x1c: {  	s19 =	simm.s32 $0xCB20;
	[sflag:s17] =	ssyncadd.s32 $0xFFFFD8F0  }
0x1d: {  	[tilespmem:s19], [sflag:$0x3] =	stream.linear.gather [hbm4b:s8+s5], $0x2710, $0x38;
	[tilespmem:$0x1B590] =	vst v63  }
0x1e: {  	_ =	swait.ge [sflag:s17], $0x2710  }
0x1f: {  	[sflag:s17] =	ssyncset.done $0x0  }
0x20: {  	s21 =	simm.s32 $0xF230;
	[sflag:s17] =	ssyncadd.s32 $0xFFFFD8F0  }
0x21: {  	[tilespmem:s21], [sflag:$0x3] =	stream.linear.gather [hbm4b:s9+s5], $0x2710, $0x38;
	[tilespmem:$0x1B590] =	vst v63  }
0x22: {  	_ =	swait.ge [sflag:s17], $0x2710  }
0x23: {  	[sflag:s17] =	ssyncset.done $0x0  }
0x24: {  	s20 =	simm.s32 $0x11940;
	[sflag:s17] =	ssyncadd.s32 $0xFFFFD8F0  }
0x25: {  	[tilespmem:s20], [sflag:$0x3] =	stream.linear.gather [hbm4b:s10+s5], $0x2710, $0x38;
	[tilespmem:$0x1B590] =	vst v63  }
0x26: {  	_ =	swait.ge [sflag:s17], $0x2710  }
0x27: {  	[sflag:s17] =	ssyncset.done $0x0  }
0x28: {  	[sflag:s17] =	ssyncadd.s32 $0xFFFFD8F0  }
0x29: {  	s20 =	simm.s32 $0x16760;
	s21 =	rddreg [dreg:$0x1]  }
0x2a: {  	[tilespmem:s20], [sflag:$0x3] =	stream.linear.gather [hbm4b:s21+s5], $0x10, $0x38;
	[tilespmem:$0x1B590] =	vst v63  }
0x2b: {  	_ =	swait.ge [sflag:s17], $0x10  }
0x2c: {  	[sflag:s17] =	ssyncset.done $0x0  }
0x2d: {  	s19 =	simm.s32 $0x0;
	[sflag:s17] =	ssyncadd.s32 $0xFFFFFFF0  }
0x2e: {  	v2 =	vld [tilespmem:s19+$0xCB20]  }
0x2f: {  	v3 =	vld [tilespmem:s19+$0xF230];
	_ =	sdelay $0x1  }
0x30: {  	v1 =	vld [tilespmem:s19+$0x11940];
	_ =	sdelay $0x1  }
0x31: {  	v4 =	vld [tilespmem:$0x16760]  }
0x32: {  	v2 =	vadd.f32 v3, v2;
	_ =	sdelay $0x1  }
0x33: {  	v2 =	vmul.f32 v2, v1;
	_ =	sdelay $0x1  }
0x34: {  	s20 =	simm.s32 $0x10;
	v3 =	vadd.f32 v2, v4  }
0x35: {  	s21 =	simm.s32 $0x80;
	v2 =	vld [tilespmem:s20+$0xCB20]  }
.LBB2_2:
0x36: {  	p0 =	sne.s32 s21, $0x9C00;
	v4 =	vld [tilespmem:s20+$0xF230];
	v3 =	vmax.f32 v3, $0.0e+00  }
0x37: {  	v3 =	vmul.f32 v3, v1  }
0x38: {  	v1 =	vld [tilespmem:s20+$0x11940]  }
0x39: {  	[tilespmem:s19+$0x14050] =	vst v3;
	s19 =	smov.u32 s20  }
0x3a: {  	v3 =	vld [tilespmem:$0x16760]  }
0x3b: {  	v2 =	vadd.f32 v4, v2  }
.Ltmp0:
0x3c: {  	(pc) =	sbr.rel @p0 .LBB2_2-.Ltmp0, $3  }
0x3d: {  	v2 =	vmul.f32 v2, v1;
	_ =	sdelay $0x1  }
0x3e: {  	s20 =	sshra.s32 s21, $0x2;
	v3 =	vadd.f32 v2, v3  }
0x3f: {  	s21 =	sadd.s32 $0x40, s21;
	v2 =	vld [tilespmem:s20+$0xCB20]  }
0x40: {  	v4 =	vld [tilespmem:s20+$0xF230];
	v3 =	vmax.f32 v3, $0.0e+00  }
0x41: {  	v1 =	vmul.f32 v3, v1  }
0x42: {  	v3 =	vld [tilespmem:s20+$0x11940]  }
0x43: {  	[tilespmem:s19+$0x14050] =	vst v1  }
0x44: {  	v1 =	vld [tilespmem:$0x16760]  }
0x45: {  	v2 =	vadd.f32 v4, v2;
	_ =	sdelay $0x1  }
0x46: {  	v2 =	vmul.f32 v2, v3;
	_ =	sdelay $0x1  }
0x47: {  	v1 =	vadd.f32 v2, v1;
	_ =	sdelay $0x1  }
0x48: {  	v1 =	vmax.f32 v1, $0.0e+00  }
0x49: {  	v1 =	vmul.f32 v1, v3;
	_ =	sdelay $0x1  }
0x4a: {  	s21 =	simm.s32 $0x14050;
	[tilespmem:s20+$0x14050] =	vst v1  }
0x4b: {  	[spmem:s11] =	stream.linear.scatter [tilespmem:s21], [sflag:$0x3], $0x2710, $0x38;
	[tilespmem:$0x1B590] =	vst v63  }
0x4c: {  	_ =	swait.ge [sflag:s17], $0x2710  }
0x4d: {  	[sflag:s17] =	ssyncset.done $0x0  }
0x4e: {  	s19 =	simm.s32 $0x0;
	s20 =	simm.s32 $0x200;
	[sflag:s17] =	ssyncadd.s32 $0xFFFFD8F0  }
.LBB2_4:
0x4f: {  	p0 =	sne.s32 s20, $0x9A00;
	[tilespmem:s19+$0xCB90] =	vst v0  }
0x50: {  	[tilespmem:s19+$0xCB20] =	vst v0  }
0x51: {  	[tilespmem:s19+$0xCB30] =	vst v0  }
.Ltmp1:
0x52: {  	[tilespmem:s19+$0xCB40] =	vst v0;
	(pc) =	sbr.rel @p0 .LBB2_4-.Ltmp1, $4  }
0x53: {  	[tilespmem:s19+$0xCB50] =	vst v0  }
0x54: {  	[tilespmem:s19+$0xCB60] =	vst v0  }
0x55: {  	[tilespmem:s19+$0xCB70] =	vst v0  }
0x56: {  	[tilespmem:s19+$0xCB80] =	vst v0;
	s19 =	sshra.s32 s20, $0x2;
	s20 =	sadd.s32 $0x200, s20  }
0x57: {  	[tilespmem:s19+$0xCB90] =	vst v0  }
0x58: {  	[tilespmem:s19+$0xCB20] =	vst v0  }
0x59: {  	[tilespmem:s19+$0xCB30] =	vst v0  }
0x5a: {  	[tilespmem:s19+$0xCB40] =	vst v0  }
0x5b: {  	[tilespmem:s19+$0xCB50] =	vst v0  }
0x5c: {  	[tilespmem:s19+$0xCB60] =	vst v0  }
0x5d: {  	[tilespmem:s19+$0xCB70] =	vst v0  }
0x5e: {  	[tilespmem:s19+$0xCB80] =	vst v0  }
0x5f: {  	[tilespmem:$0xF220] =	vst v0  }
0x60: {  	[spmem:s12] =	stream.linear.scatter [tilespmem:s16], [sflag:$0x3], $0x2710, $0x38;
	[tilespmem:$0x1B590] =	vst v63  }
0x61: {  	_ =	swait.ge [sflag:s17], $0x2710  }
0x62: {  	[sflag:s17] =	ssyncset.done $0x0  }
0x63: {  	[sflag:s17] =	ssyncadd.s32 $0xFFFFD8F0  }
0x64: {  	[bflag:$0x0] =	sbarrier.arrive $0xFFFF  }
0x65: {  	[tilespmem:s24], [sflag:$0x1] =	stream.indirect.gather [spmem:s3], $0x10, s5, s23, $0xb8;
	[tilespmem:$0x1B590] =	vst v63  }
0x66: {  	_ = 	snop  }
0x67: {  	[tilespmem:s25], [sflag:$0x2] =	stream.indirect.gather [spmem:s3], $0x10, s23, s23, $0xb8;
	[tilespmem:$0x1B590] =	vst v63  }
0x68: {  	_ =	swait.ge [sflag:s26], $0x3E80  }
0x69: {  	[sflag:s26] =	ssyncset.done $0x0  }
0x6a: {  	[sflag:s26] =	ssyncadd.s32 $0xFFFFC180  }
0x6b: {  	[spmem:s4] =	stream.indirect.scatter.add.f32 [tilespmem:s24], [sflag:$0x3], $0x10, s18, s23, $0xb8;
	[tilespmem:$0x1B590] =	vst v63  }
0x6c: {  	_ =	swait.ge [sflag:s17], $0x3E80  }
0x6d: {  	[sflag:s17] =	ssyncset.done $0x0  }
0x6e: {  	s21 =	simm.s32 $0x7D0;
	[sflag:s17] =	ssyncadd.s32 $0xFFFFC180  }
0x6f: {  	[tilespmem:s24], [sflag:$0x1] =	stream.indirect.gather [spmem:s3], $0x10, s21, s23, $0xb8;
	[tilespmem:$0x1B590] =	vst v63  }
0x70: {  	_ =	swait.ge [sflag:s29], $0x3E80  }
0x71: {  	[sflag:s29] =	ssyncset.done $0x0  }
0x72: {  	s20 =	simm.s32 $0x2AF8;
	[sflag:s29] =	ssyncadd.s32 $0xFFFFC180  }
0x73: {  	[spmem:s4] =	stream.indirect.scatter.add.f32 [tilespmem:s25], [sflag:$0x3], $0x10, s20, s23, $0xb8;
	[tilespmem:$0x1B590] =	vst v63  }
0x74: {  	_ =	swait.ge [sflag:s17], $0x3E80  }
0x75: {  	[sflag:s17] =	ssyncset.done $0x0  }
0x76: {  	s21 =	simm.s32 $0xBB8;
	[sflag:s17] =	ssyncadd.s32 $0xFFFFC180  }
0x77: {  	[tilespmem:s25], [sflag:$0x2] =	stream.indirect.gather [spmem:s3], $0x10, s21, s23, $0xb8;
	[tilespmem:$0x1B590] =	vst v63  }
0x78: {  	_ =	swait.ge [sflag:s26], $0x3E80  }
0x79: {  	[sflag:s26] =	ssyncset.done $0x0  }
0x7a: {  	s20 =	simm.s32 $0x2EE0;
	[sflag:s26] =	ssyncadd.s32 $0xFFFFC180  }
0x7b: {  	[spmem:s4] =	stream.indirect.scatter.add.f32 [tilespmem:s24], [sflag:$0x3], $0x10, s20, s23, $0xb8;
	[tilespmem:$0x1B590] =	vst v63  }
0x7c: {  	_ =	swait.ge [sflag:s17], $0x3E80  }
0x7d: {  	[sflag:s17] =	ssyncset.done $0x0  }
0x7e: {  	s21 =	simm.s32 $0xFA0;
	[sflag:s17] =	ssyncadd.s32 $0xFFFFC180  }
0x7f: {  	[tilespmem:s24], [sflag:$0x1] =	stream.indirect.gather [spmem:s3], $0x10, s21, s23, $0xb8;
	[tilespmem:$0x1B590] =	vst v63  }
0x80: {  	_ =	swait.ge [sflag:s29], $0x3E80  }
0x81: {  	[sflag:s29] =	ssyncset.done $0x0  }
0x82: {  	s20 =	simm.s32 $0x32C8;
	[sflag:s29] =	ssyncadd.s32 $0xFFFFC180  }
0x83: {  	[spmem:s4] =	stream.indirect.scatter.add.f32 [tilespmem:s25], [sflag:$0x3], $0x10, s20, s23, $0xb8;
	[tilespmem:$0x1B590] =	vst v63  }
0x84: {  	_ =	swait.ge [sflag:s17], $0x3E80  }
0x85: {  	[sflag:s17] =	ssyncset.done $0x0  }
0x86: {  	s21 =	simm.s32 $0x1388;
	[sflag:s17] =	ssyncadd.s32 $0xFFFFC180  }
0x87: {  	[tilespmem:s25], [sflag:$0x2] =	stream.indirect.gather [spmem:s3], $0x10, s21, s23, $0xb8;
	[tilespmem:$0x1B590] =	vst v63  }
0x88: {  	_ =	swait.ge [sflag:s26], $0x3E80  }
0x89: {  	[sflag:s26] =	ssyncset.done $0x0  }
0x8a: {  	s20 =	simm.s32 $0x36B0;
	[sflag:s26] =	ssyncadd.s32 $0xFFFFC180  }
0x8b: {  	[spmem:s4] =	stream.indirect.scatter.add.f32 [tilespmem:s24], [sflag:$0x3], $0x10, s20, s23, $0xb8;
	[tilespmem:$0x1B590] =	vst v63  }
0x8c: {  	_ =	swait.ge [sflag:s17], $0x3E80  }
0x8d: {  	[sflag:s17] =	ssyncset.done $0x0  }
0x8e: {  	s21 =	simm.s32 $0x1770;
	[sflag:s17] =	ssyncadd.s32 $0xFFFFC180  }
0x8f: {  	[tilespmem:s24], [sflag:$0x1] =	stream.indirect.gather [spmem:s3], $0x10, s21, s23, $0xb8;
	[tilespmem:$0x1B590] =	vst v63  }
0x90: {  	_ =	swait.ge [sflag:s29], $0x3E80  }
0x91: {  	[sflag:s29] =	ssyncset.done $0x0  }
0x92: {  	s20 =	simm.s32 $0x3A98;
	[sflag:s29] =	ssyncadd.s32 $0xFFFFC180  }
0x93: {  	[spmem:s4] =	stream.indirect.scatter.add.f32 [tilespmem:s25], [sflag:$0x3], $0x10, s20, s23, $0xb8;
	[tilespmem:$0x1B590] =	vst v63  }
0x94: {  	_ =	swait.ge [sflag:s17], $0x3E80  }
0x95: {  	[sflag:s17] =	ssyncset.done $0x0  }
0x96: {  	[sflag:s17] =	ssyncadd.s32 $0xFFFFC180  }
0x97: {  	[tilespmem:s25], [sflag:$0x2] =	stream.indirect.gather [spmem:s3], $0x10, s22, s23, $0xb8;
	[tilespmem:$0x1B590] =	vst v63  }
0x98: {  	_ =	swait.ge [sflag:s26], $0x3E80  }
0x99: {  	[sflag:s26] =	ssyncset.done $0x0  }
0x9a: {  	[sflag:s26] =	ssyncadd.s32 $0xFFFFC180  }
0x9b: {  	[spmem:s4] =	stream.indirect.scatter.add.f32 [tilespmem:s24], [sflag:$0x3], $0x10, s28, s23, $0xb8;
	[tilespmem:$0x1B590] =	vst v63  }
0x9c: {  	_ =	swait.ge [sflag:s17], $0x3E80  }
0x9d: {  	[sflag:s17] =	ssyncset.done $0x0  }
0x9e: {  	[sflag:s17] =	ssyncadd.s32 $0xFFFFC180  }
0x9f: {  	[tilespmem:s24], [sflag:$0x1] =	stream.indirect.gather [spmem:s3], $0x10, s30, s23, $0xb8;
	[tilespmem:$0x1B590] =	vst v63  }
0xa0: {  	_ =	swait.ge [sflag:s29], $0x3E80  }
0xa1: {  	[sflag:s29] =	ssyncset.done $0x0  }
0xa2: {  	[sflag:s29] =	ssyncadd.s32 $0xFFFFC180  }
0xa3: {  	[spmem:s4] =	stream.indirect.scatter.add.f32 [tilespmem:s25], [sflag:$0x3], $0x10, s31, s23, $0xb8;
	[tilespmem:$0x1B590] =	vst v63  }
0xa4: {  	_ =	swait.ge [sflag:s17], $0x3E80  }
0xa5: {  	[sflag:s17] =	ssyncset.done $0x0  }
0xa6: {  	[sflag:s17] =	ssyncadd.s32 $0xFFFFC180  }
0xa7: {  	[tilespmem:s25], [sflag:$0x2] =	stream.indirect.gather [spmem:s3], $0x10, s0, s23, $0xb8;
	[tilespmem:$0x1B590] =	vst v63  }
0xa8: {  	_ =	swait.ge [sflag:s26], $0x3E80  }
0xa9: {  	[sflag:s26] =	ssyncset.done $0x0  }
0xaa: {  	[sflag:s26] =	ssyncadd.s32 $0xFFFFC180  }
0xab: {  	[spmem:s4] =	stream.indirect.scatter.add.f32 [tilespmem:s24], [sflag:$0x3], $0x10, s1, s23, $0xb8;
	[tilespmem:$0x1B590] =	vst v63  }
0xac: {  	_ =	swait.ge [sflag:s17], $0x3E80  }
0xad: {  	[sflag:s17] =	ssyncset.done $0x0  }
0xae: {  	[sflag:s17] =	ssyncadd.s32 $0xFFFFC180  }
0xaf: {  	_ =	swait.ge [sflag:s29], $0x3E80  }
0xb0: {  	[sflag:s29] =	ssyncset.done $0x0  }
0xb1: {  	[sflag:s29] =	ssyncadd.s32 $0xFFFFC180  }
0xb2: {  	[spmem:s4] =	stream.indirect.scatter.add.f32 [tilespmem:s25], [sflag:$0x3], $0x10, s2, s23, $0xb8;
	[tilespmem:$0x1B590] =	vst v63  }
0xb3: {  	s21 =	stileid.u32;
	_ =	swait.ge [sflag:s17], $0x3E80  }
0xb4: {  	s15 =	sadd.s32 $0x1, s15;
	s19 =	sshll.u32 s21, $0x6;
	[sflag:s17] =	ssyncset.done $0x0  }
0xb5: {  	p0 =	sne.s32 s15, s14;
	s19 =	sor.u32 $0x1C03, s19;
	[sflag:s17] =	ssyncadd.s32 $0xFFFFC180  }
.Ltmp2:
0xb6: {  	s20 =	sshrl.u32 s12, $0x3;
	[bflag:$0x0] =	sbarrier.arrive $0xFFFF;
	(pc) =	sbr.rel @p0 .LBB2_1-.Ltmp2, $4  }
0xb7: {  	[hbm:s13], [sflag:s19] =	dma.local [spmem:s20], $0x4E2  }
0xb8: {  	_ =	swait.ge [sflag:s17], $0x4E2  }
0xb9: {  	[sflag:s17] =	ssyncset.done $0x0  }
0xba: {  	[sflag:s17] =	ssyncadd.s32 $0xFFFFFB1E  }
0xbb: {  	_ =	sfence.sel $0x180000  }
0xbc: {  	[bflag:$0x0] =	sbarrier.arrive $0xFFFF  }
0xbd: {  	_ =	strace $0x9000004D  }
0xbe: {  	s0 =	stileid.u32;
	[bflag:$0x2] =	sbarrier.arrive $0xFFFF  }
0xbf: {  	p0 =	sne.s32 s0, $0x0;
	s0 =	rddreg [dreg:$0x5]  }
0xc0: {  	s0 =	sadd.s32 @!p0 $0x100000, s0  }
0xc1: {  	[sflag:s0] =	ssyncadd.tile.s32 @!p0 $0x1;
	_ =	shalt  }
.Lfunc_end2:
_tile_overlayer_lowered:
.L_overlay_start_2:
0xc2: {  	(tag) =	ssettag $0x2  }
0xc3: {  	s0 =	rddreg [dreg:$0x0];
	s2 =	stileid.u32  }
0xc4: {  	s1 =	rddreg [dreg:$0x1];
	p0 =	sne.s32 s2, $0x0  }
0xc5: {  	s3 =	rddreg [dreg:$0x2];
	[bflag:$0x3] =	sbarrier.arrive $0xFFFF;
	s2 =	simm.s32 @!p0 $0x1C03  }
0xc6: {  	[timem:s3], [sflag:s2] =	dma.local @!p0 [hbm:s0], s1  }
0xc7: {  	s0 =	simm.s32 @!p0 $0x3  }
0xc8: {  	_ =	swait.ge @!p0 [sflag:s0], s1  }
0xc9: {  	s1 =	ssub.s32 @!p0 $0x0, s1;
	[sflag:s0] =	ssyncset.done @!p0 $0x0  }
0xca: {  	[sflag:s0] =	ssyncadd.s32 @!p0 s1  }
0xcb: {  	[bflag:$0x3] =	sbarrier.arrive $0xFFFF  }
0xcc: {  	_ =	shalt  }

// kernel: kernel.7.cloned.1.call-start
scs
__scs_entry_jumppad:
0x0: {  	(pc) =	sbr.rel $0x88, $3  }
0x1: {  	(tag) =	ssettag $0x0;
	lr =	simm.s32 $0x1  }
0x2: {  	[smem:$0x3F9B] =	sst lr;
	_ =	strace $0xD0000000  }
0x3: {  	_ = 	snop  }
0x4: {  	_ = 	snop  }
0x5: {  	_ = 	snop  }
0x6: {  	_ = 	snop  }
0x7: {  	_ = 	snop  }
__scs_overlays_trampoline_lowered:
0x8: {  	[smem:$0x3FAA] =	sst s0  }
0x9: {  	[smem:$0x3FAB] =	sst s1  }
0xa: {  	[smem:$0x3FAC] =	sst s2  }
0xb: {  	[smem:$0x3FAD] =	sst s3  }
0xc: {  	[smem:$0x3FAE] =	sst s4  }
0xd: {  	[smem:$0x3FAF] =	sst s5  }
0xe: {  	[smem:$0x3FB0] =	sst s6  }
0xf: {  	[smem:$0x3FB1] =	sst s7  }
0x10: {  	[smem:$0x3FB2] =	sst s8  }
0x11: {  	[smem:$0x3FB3] =	sst s9;
	s0 =	simm.s32 @!p0 $0x0  }
0x12: {  	s1 =	sld [smem:$0x3F99];
	s0 =	simm.s32 @p0 $0x1  }
0x13: {  	[smem:$0x3FB4] =	sst s0;
	s0 =	simm.s32 @!p1 $0x0  }
0x14: {  	s2 =	sld [smem:$0x3F98];
	s0 =	simm.s32 @p1 $0x1  }
0x15: {  	[smem:$0x3FB5] =	sst s0;
	s0 =	simm.s32 @!p2 $0x0  }
0x16: {  	s3 =	sld [smem:$0x3FDB];
	s0 =	simm.s32 @p2 $0x1  }
0x17: {  	s4 =	simm.s32 $0x1BF5;
	[smem:$0x3FB7] =	sst s0  }
0x18: {  	s0 =	sld [smem:$0x3F9A];
	_ =	swait.ge [sflag:s4], $0x0  }
0x19: {  	s7 =	sld [smem:$0x3F9B]  }
0x1a: {  	s8 =	sadd.s32 $0xFFFFE003, lr  }
0x1b: {  	s9 =	sadd.s32 $0xFFFFFEF7, lr;
	s5 =	simm.s32 $0xFFFFFFFF;
	p2 =	slt.u32 s8, $0xFFFFF086  }
0x1c: {  	p1 =	slt.u32 s9, $0xF7A;
	s5 =	simm.s32 @!p2 $0x0  }
0x1d: {  	s5 =	simm.s32 @p1 $0x1;
	p0 =	seq.s32 s7, s2  }
0x1e: {  	s7 =	smul.u32 @!p0 $0xF7A, s2;
	p2 =	seq.s32 @!p0 s5, $0x0  }
0x1f: {  	s9 =	smul.u32 $0xF7A, s1;
	s8 =	simm.s32 @!p0 $0x1BF5;
	p2 =	por !p2, p0  }
0x20: {  	[sflag:s8] =	ssyncset.s32 @!p0 $0xFFFFF086;
	s6 =	sadd.s32 @!p0 s3, s7;
	s7 =	simm.s32 @!p0 $0x108  }
0x21: {  	s3 =	sadd.s32 s3, s9;
	s6 =	sadd.s32 @!p0 $0x88, s6;
	s7 =	simm.s32 @p2 $0x1082  }
0x22: {  	[simem:s7], [sflag:s8] =	dma.local @!p0 [hbm:s6], $0xF7A  }
0x23: {  	s9 =	sor.u32 $0xD0000000, s2;
	s6 =	simm.s32 $0x108;
	_ =	swait.ge @!p0 [sflag:s8], $0x0  }
0x24: {  	s3 =	sadd.s32 $0x88, s3;
	s6 =	simm.s32 @!p1 $0x1082;
	[sflag:s4] =	ssyncset.s32 $0xFFFFF086  }
0x25: {  	[simem:s6], [sflag:s4] =	dma.local [hbm:s3], $0xF7A  }
0x26: {  	[smem:$0x3F9B] =	sst s1;
	(tag) =	ssettag s2;
	_ =	strace s9  }
0x27: {  	s1 =	sld [smem:$0x3FAB]  }
0x28: {  	s2 =	sld [smem:$0x3FAC]  }
0x29: {  	s4 =	sld [smem:$0x3FAE]  }
0x2a: {  	p0 =	seq.s32 s5, $0x0;
	s5 =	sld [smem:$0x3FAF]  }
0x2b: {  	s6 =	sld [smem:$0x3FB0]  }
0x2c: {  	s7 =	sld [smem:$0x3FB1]  }
0x2d: {  	s3 =	simm.s32 $0x108;
	s8 =	sld [smem:$0x3FB2]  }
0x2e: {  	s3 =	simm.s32 @!p0 $0x1082;
	s9 =	sld [smem:$0x3FB3]  }
0x2f: {  	lr =	sadd.s32 s0, s3;
	s0 =	sld [smem:$0x3FAA]  }
0x30: {  	s3 =	sld [smem:$0x3FAD]  }
0x31: {  	[smem:$0x3FB6] =	sst s10  }
0x32: {  	s10 =	sld [smem:$0x3FB4];
	_ =	sdelay $0x3  }
0x33: {  	p0 =	seq.s32 s10, $0x1;
	s10 =	sld [smem:$0x3FB6];
	_ =	sdelay $0x3  }
0x34: {  	[smem:$0x3FB6] =	sst s10  }
0x35: {  	s10 =	sld [smem:$0x3FB5];
	_ =	sdelay $0x3  }
0x36: {  	p1 =	seq.s32 s10, $0x1;
	s10 =	sld [smem:$0x3FB6];
	_ =	sdelay $0x3  }
0x37: {  	[smem:$0x3FB6] =	sst s10  }
0x38: {  	s10 =	sld [smem:$0x3FB7]  }
0x39: {  	_ = 	snop;
	(pc) =	sbr.ind lr, $3  }
0x3a: {  	_ = 	snop  }
0x3b: {  	_ = 	snop  }
0x3c: {  	p2 =	seq.s32 s10, $0x1;
	s10 =	sld [smem:$0x3FB6]  }
0x3d: {  	_ =	shalt  }
0x3e: {  	_ =	shalt  }
0x3f: {  	_ =	shalt  }
0x40: {  	_ =	shalt  }
0x41: {  	_ =	shalt  }
0x42: {  	_ =	shalt  }
0x43: {  	_ =	shalt  }
0x44: {  	_ =	shalt  }
0x45: {  	_ =	shalt  }
0x46: {  	_ =	shalt  }
0x47: {  	_ =	shalt  }
0x48: {  	_ =	shalt  }
0x49: {  	_ =	shalt  }
0x4a: {  	_ =	shalt  }
0x4b: {  	_ =	shalt  }
0x4c: {  	_ =	shalt  }
0x4d: {  	_ =	shalt  }
0x4e: {  	_ =	shalt  }
0x4f: {  	_ =	shalt  }
0x50: {  	_ =	shalt  }
0x51: {  	_ =	shalt  }
0x52: {  	_ =	shalt  }
0x53: {  	_ =	shalt  }
0x54: {  	_ =	shalt  }
0x55: {  	_ =	shalt  }
0x56: {  	_ =	shalt  }
0x57: {  	_ =	shalt  }
0x58: {  	_ =	shalt  }
0x59: {  	_ =	shalt  }
0x5a: {  	_ =	shalt  }
0x5b: {  	_ =	shalt  }
0x5c: {  	_ =	shalt  }
0x5d: {  	_ =	shalt  }
0x5e: {  	_ =	shalt  }
0x5f: {  	_ =	shalt  }
0x60: {  	_ =	shalt  }
0x61: {  	_ =	shalt  }
0x62: {  	_ =	shalt  }
0x63: {  	_ =	shalt  }
0x64: {  	_ =	shalt  }
0x65: {  	_ =	shalt  }
0x66: {  	_ =	shalt  }
0x67: {  	_ =	shalt  }
0x68: {  	_ =	shalt  }
0x69: {  	_ =	shalt  }
0x6a: {  	_ =	shalt  }
0x6b: {  	_ =	shalt  }
0x6c: {  	_ =	shalt  }
0x6d: {  	_ =	shalt  }
0x6e: {  	_ =	shalt  }
0x6f: {  	_ =	shalt  }
0x70: {  	_ =	shalt  }
0x71: {  	_ =	shalt  }
0x72: {  	_ =	shalt  }
0x73: {  	_ =	shalt  }
0x74: {  	_ =	shalt  }
0x75: {  	_ =	shalt  }
0x76: {  	_ =	shalt  }
0x77: {  	_ =	shalt  }
0x78: {  	_ =	shalt  }
0x79: {  	_ =	shalt  }
0x7a: {  	_ =	shalt  }
0x7b: {  	_ =	shalt  }
0x7c: {  	_ =	shalt  }
0x7d: {  	_ =	shalt  }
0x7e: {  	_ =	shalt  }
0x7f: {  	_ =	shalt  }
0x80: {  	_ =	shalt  }
0x81: {  	_ =	shalt  }
0x82: {  	_ =	shalt  }
0x83: {  	_ =	shalt  }
0x84: {  	_ =	shalt  }
0x85: {  	_ =	shalt  }
0x86: {  	_ =	shalt  }
0x87: {  	_ =	shalt  }
.Lfunc_end0:
.L_simem_size_0:
called_computation_lowered:
.L_overlay_start_0:
0x88: {  	s2 =	sld [smem:$0x3FD9]  }
0x89: {  	s3 =	sld [smem:$0x3FFE];
	_ =	sdelay $0x1  }
0x8a: {  	s1 =	srdreg.scid  }
0x8b: {  	s0 =	sand.u32 $0x1, s1  }
0x8c: {  	s16 =	sshll.u32 s0, $0xA;
	s2 =	sadd.s32 s3, s2  }
0x8d: {  	s2 =	sadd.s32 s2, s16  }
0x8e: {  	[smem:$0x3FC2] =	sst s2  }
0x8f: {  	_ = 	snop  }
0x90: {  	(tm) =	ssettm $0x1  }
0x91: {  	s17 =	sld [smem:$0x3FFB];
	_ =	sdelay $0x3  }
0x92: {  	_ =	strace s17  }
0x93: {  	s2 =	sld [smem:$0x3FFC];
	_ =	sdelay $0x3  }
0x94: {  	_ =	strace s2  }
0x95: {  	s2 =	sld [smem:$0x3FFD];
	_ =	sdelay $0x3  }
0x96: {  	_ =	strace s2  }
0x97: {  	_ =	strace $0x8FFFFFFF  }
0x98: {  	s18 =	sld [smem:$0x3FDB];
	_ =	sdelay $0x1  }
0x99: {  	s19 =	simm.s32 $_scs_section_size  }
0x9a: {  	s4 =	simm.s32 $_size__tile_overlayer_lowered;
	s5 =	simm.s32 $_tile_overlayer_lowered  }
0x9b: {  	s22 =	simm.s32 $0x1BFF;
	s21 =	sshll.u32 s5, $0x1;
	s2 =	sadd.s32 s19, s18  }
0x9c: {  	s6 =	simm.s32 $0x0;
	s20 =	sshll.u32 s4, $0x1;
	s4 =	sadd.s32 s21, s2  }
0x9d: {  	[timem:s6], [sflag:s22] =	dma.local [hbm:s4], s20  }
0x9e: {  	_ =	swait.ge [sflag:s22], s20  }
0x9f: {  	s3 =	ssub.s32 $0x0, s20;
	[sflag:s22] =	ssyncset.done $0x0  }
0xa0: {  	[sflag:s22] =	ssyncadd.s32 s3;
	_ =	sdelay $0x1  }
0xa1: {  	s23 =	simm.s32 $0x1B8B  }
0xa2: {  	_ =	swait.ge [sflag:s23], $0x1  }
0xa3: {  	[sflag:s23] =	ssyncset.done $0x0  }
0xa4: {  	s25 =	simm.s32 $0x1B8E;
	s24 =	sld [smem:$0x3FFE];
	[sflag:s23] =	ssyncadd.s32 $0xFFFFFFFF  }
0xa5: {  	s26 =	simm.s32 $execute0_lowered;
	[smem:$0x3FD2] =	sst s25  }
0xa6: {  	s4 =	sshll.u32 s26, $0x1;
	_ =	strace $0x80000046;
	[dreg:$0x1] =	wrdreg $0xFFFFFFFF  }
0xa7: {  	s28 =	simm.s32 $_size_execute0_lowered;
	s2 =	sadd.s32 s2, s4;
	[dreg:$0x0] =	wrdreg $0x0  }
0xa8: {  	s4 =	sshll.u32 s28, $0x1;
	[dreg:$0x2] =	wrdreg s2  }
0xa9: {  	[dreg:$0x3] =	wrdreg s4  }
0xaa: {  	[dreg:$0x4] =	wrdreg $0xC0  }
0xab: {  	_ =	task [dreg:s6], $0x5FFFF  }
0xac: {  	[dreg:$0x1] =	wrdreg $0xFFFFFFFF  }
0xad: {  	[dreg:$0x0] =	wrdreg $0x60  }
0xae: {  	[dreg:$0x2] =	wrdreg s24  }
0xaf: {  	[dreg:$0x3] =	wrdreg $0x8CA00  }
0xb0: {  	[dreg:$0x4] =	wrdreg $0x9  }
0xb1: {  	_ =	task.clear_ibuf [dreg:s6], $0x5FFFF;
	_ =	strace $0x90000046  }
0xb2: {  	s29 =	simm.s32 $0x9;
	_ =	strace $0x80000048  }
0xb3: {  	_ =	swait.ge [sflag:s29], $0x1  }
0xb4: {  	[sflag:s29] =	ssyncadd.s32 $0xFFFFFFFF  }
0xb5: {  	_ =	strace $0x90000048  }
0xb6: {  	_ =	sfence  }
0xb7: {  	s30 =	sld [smem:$0x0];
	_ =	sdelay $0x2  }
0xb8: {  	s31 =	sshll.u32 s1, $0xD;
	s1 =	sshrl.u32 s1, $0x2  }
0xb9: {  	s3 =	sand.u32 $0x4000, s31;
	s1 =	sadd.s32 s1, s30  }
0xba: {  	s0 =	sor.u32 s3, s0;
	s1 =	sshll.u32 s1, $0x11  }
0xbb: {  	s0 =	sor.u32 s1, s0  }
0xbc: {  	s0 =	sadd.s32 $0x8F2B, s0  }
0xbd: {  	[sflag:s0] =	ssyncadd.remote.s32 $0x1  }
0xbe: {  	_ =	sfence.sel $0xFFFF  }
0xbf: {  	[dreg:$0x0] =	wrdreg $0xFFFFFFFF;
	(pc) =	sbr.abs _section_cstart, $3  }
0xc0: {  	[dreg:$0x1] =	wrdreg $0xFFFFFFFF  }
0xc1: {  	_ =	task.clear_ibuf [dreg:s6], $0x2FFFF;
	_ =	strace $0x9FFFFFFF  }
0xc2: {  	(tm) =	ssettm $0x7FFFFFFF  }
0xc3: {  	_ =	shalt  }
tec
execute0_lowered:
.L_overlay_start_1:
0x0: {  	(tag) =	ssettag $0x1  }
0x1: {  	s1 =	srdreg.scid;
	s4 =	rddreg [dreg:$0x0]  }
0x2: {  	s0 =	stileid.u32;
	s2 =	rddreg [dreg:$0x1];
	s3 =	simm.s32 $0x0  }
0x3: {  	s18 =	simm.f32 $1.000000000e+00;
	s10 =	simm.s32 $0x3E8;
	s11 =	simm.s32 $0x2710  }
0x4: {  	s12 =	simm.s32 $0x7D0;
	s13 =	simm.s32 $0xBB8;
	s14 =	simm.s32 $0xFA0  }
0x5: {  	s15 =	simm.s32 $0x1388;
	s16 =	simm.s32 $0x1770;
	s17 =	simm.s32 $0x1B58  }
0x6: {  	s19 =	simm.s32 $0x2328;
	s20 =	simm.s32 $0x0;
	s5 =	sand.u32 $0x1, s1  }
0x7: {  	s6 =	smul.u32 $0x2710, s0;
	s7 =	sshll.u32 s0, $0x1;
	s1 =	rddreg [dreg:$0x2]  }
0x8: {  	[smem:$0x7FF] =	sst s3;
	s8 =	smul.u32 $0x27100, s5;
	s7 =	sor.u32 s5, s7  }
0x9: {  	_ =	strace $0x80000047;
	s9 =	ssub.s32 $0x2, s5;
	p0 =	seq.s32 s5, $0x0  }
0xa: {  	s7 =	smul.u32 $0x4E2, s7;
	s31 =	sshrl.u32 s9, $0x1;
	s18 =	simm.s32 @!p0 $0x0  }
0xb: {  	s5 =	sadd.s32 s6, s2;
	s8 =	sadd.s32 s6, s8;
	s9 =	ssub.s32 s9, s31  }
0xc: {  	v0 =	vmov s18;
	s18 =	simm.s32 $0x1F40;
	s8 =	sshrl.u32 s8, $0x3;
	s7 =	sadd.s32 s7, s4  }
0xd: {  	s8 =	sadd.s32 s8, s4;
	s4 =	sadd.s32 $0x1800, s7;
	s7 =	smax.u32 s9, $0x1  }
0xe: {  	v1 =	vimm.f32 $1.000000000e+00;
	s9 =	simm.s32 $0x6590;
	s6 =	sadd.s32 $0xB600, s8;
	s8 =	simm.s32 $0x1  }
.LBB2_1:
0xf: {  	[tilespmem:s3], [sflag:$0x1] =	stream.linear.gather [hbm4b:s4+s3], $0x2710, $0x38;
	[tilespmem:$0xB3B0] =	vst v63  }
0x10: {  	_ =	swait.ge [sflag:s8], $0x2710  }
0x11: {  	[sflag:s8] =	ssyncset.done $0x0  }
0x12: {  	s21 =	simm.s32 $0x0;
	s22 =	simm.s32 $0x200;
	[sflag:s8] =	ssyncadd.s32 $0xFFFFD8F0  }
.LBB2_2:
0x13: {  	p0 =	sne.s32 s22, $0xF800;
	[tilespmem:s21+$0x2780] =	vst v1  }
0x14: {  	[tilespmem:s21+$0x2710] =	vst v1  }
0x15: {  	[tilespmem:s21+$0x2720] =	vst v1  }
.Ltmp0:
0x16: {  	[tilespmem:s21+$0x2730] =	vst v1;
	(pc) =	sbr.rel @p0 .LBB2_2-.Ltmp0, $4  }
0x17: {  	[tilespmem:s21+$0x2740] =	vst v1  }
0x18: {  	[tilespmem:s21+$0x2750] =	vst v1  }
0x19: {  	[tilespmem:s21+$0x2760] =	vst v1  }
0x1a: {  	[tilespmem:s21+$0x2770] =	vst v1;
	s21 =	sshra.s32 s22, $0x2;
	s22 =	sadd.s32 $0x200, s22  }
0x1b: {  	[tilespmem:s21+$0x2780] =	vst v1  }
0x1c: {  	[tilespmem:s21+$0x2710] =	vst v1  }
0x1d: {  	[tilespmem:s21+$0x2720] =	vst v1  }
0x1e: {  	[tilespmem:s21+$0x2730] =	vst v1  }
0x1f: {  	[tilespmem:s21+$0x2740] =	vst v1  }
0x20: {  	[tilespmem:s21+$0x2750] =	vst v1  }
0x21: {  	[tilespmem:s21+$0x2760] =	vst v1  }
0x22: {  	[tilespmem:s21+$0x2770] =	vst v1;
	s21 =	simm.s32 $0x0;
	s22 =	simm.s32 $0x200  }
.LBB2_4:
0x23: {  	p0 =	sne.s32 s22, $0x9A00;
	[tilespmem:s21+$0x6600] =	vst v0  }
0x24: {  	[tilespmem:s21+$0x6590] =	vst v0  }
0x25: {  	[tilespmem:s21+$0x65A0] =	vst v0  }
.Ltmp1:
0x26: {  	[tilespmem:s21+$0x65B0] =	vst v0;
	(pc) =	sbr.rel @p0 .LBB2_4-.Ltmp1, $4  }
0x27: {  	[tilespmem:s21+$0x65C0] =	vst v0  }
0x28: {  	[tilespmem:s21+$0x65D0] =	vst v0  }
0x29: {  	[tilespmem:s21+$0x65E0] =	vst v0  }
0x2a: {  	[tilespmem:s21+$0x65F0] =	vst v0;
	s21 =	sshra.s32 s22, $0x2;
	s22 =	sadd.s32 $0x200, s22  }
0x2b: {  	[tilespmem:s21+$0x6600] =	vst v0  }
0x2c: {  	[tilespmem:s21+$0x6590] =	vst v0  }
0x2d: {  	[tilespmem:s21+$0x65A0] =	vst v0  }
0x2e: {  	[tilespmem:s21+$0x65B0] =	vst v0  }
0x2f: {  	[tilespmem:s21+$0x65C0] =	vst v0  }
0x30: {  	[tilespmem:s21+$0x65D0] =	vst v0  }
0x31: {  	[tilespmem:s21+$0x65E0] =	vst v0  }
0x32: {  	[tilespmem:s21+$0x65F0] =	vst v0  }
0x33: {  	[tilespmem:$0x8C90] =	vst v0  }
0x34: {  	[spmem:s5] =	stream.linear.scatter [tilespmem:s9], [sflag:$0x1], $0x2710, $0x38;
	[tilespmem:$0xB3B0] =	vst v63  }
0x35: {  	_ =	swait.ge [sflag:s8], $0x2710  }
0x36: {  	[sflag:s8] =	ssyncset.done $0x0  }
0x37: {  	[sflag:s8] =	ssyncadd.s32 $0xFFFFD8F0  }
0x38: {  	[bflag:$0x0] =	sbarrier.arrive $0xFFFF  }
0x39: {  	[spmem:s2] =	stream.indirect.scatter.add.f32 [tilespmem:s11], [sflag:$0x1], $0x10, s3, s10, $0xb8;
	[tilespmem:$0xB3B0] =	vst v63  }
0x3a: {  	_ =	swait.ge [sflag:s8], $0x3E80  }
0x3b: {  	[sflag:s8] =	ssyncset.done $0x0  }
0x3c: {  	[sflag:s8] =	ssyncadd.s32 $0xFFFFC180  }
0x3d: {  	[spmem:s2] =	stream.indirect.scatter.add.f32 [tilespmem:s11], [sflag:$0x1], $0x10, s10, s10, $0xb8;
	[tilespmem:$0xB3B0] =	vst v63  }
0x3e: {  	_ =	swait.ge [sflag:s8], $0x3E80  }
0x3f: {  	[sflag:s8] =	ssyncset.done $0x0  }
0x40: {  	[sflag:s8] =	ssyncadd.s32 $0xFFFFC180  }
0x41: {  	[spmem:s2] =	stream.indirect.scatter.add.f32 [tilespmem:s11], [sflag:$0x1], $0x10, s12, s10, $0xb8;
	[tilespmem:$0xB3B0] =	vst v63  }
0x42: {  	_ =	swait.ge [sflag:s8], $0x3E80  }
0x43: {  	[sflag:s8] =	ssyncset.done $0x0  }
0x44: {  	[sflag:s8] =	ssyncadd.s32 $0xFFFFC180  }
0x45: {  	[spmem:s2] =	stream.indirect.scatter.add.f32 [tilespmem:s11], [sflag:$0x1], $0x10, s13, s10, $0xb8;
	[tilespmem:$0xB3B0] =	vst v63  }
0x46: {  	_ =	swait.ge [sflag:s8], $0x3E80  }
0x47: {  	[sflag:s8] =	ssyncset.done $0x0  }
0x48: {  	[sflag:s8] =	ssyncadd.s32 $0xFFFFC180  }
0x49: {  	[spmem:s2] =	stream.indirect.scatter.add.f32 [tilespmem:s11], [sflag:$0x1], $0x10, s14, s10, $0xb8;
	[tilespmem:$0xB3B0] =	vst v63  }
0x4a: {  	_ =	swait.ge [sflag:s8], $0x3E80  }
0x4b: {  	[sflag:s8] =	ssyncset.done $0x0  }
0x4c: {  	[sflag:s8] =	ssyncadd.s32 $0xFFFFC180  }
0x4d: {  	[spmem:s2] =	stream.indirect.scatter.add.f32 [tilespmem:s11], [sflag:$0x1], $0x10, s15, s10, $0xb8;
	[tilespmem:$0xB3B0] =	vst v63  }
0x4e: {  	_ =	swait.ge [sflag:s8], $0x3E80  }
0x4f: {  	[sflag:s8] =	ssyncset.done $0x0  }
0x50: {  	[sflag:s8] =	ssyncadd.s32 $0xFFFFC180  }
0x51: {  	[spmem:s2] =	stream.indirect.scatter.add.f32 [tilespmem:s11], [sflag:$0x1], $0x10, s16, s10, $0xb8;
	[tilespmem:$0xB3B0] =	vst v63  }
0x52: {  	_ =	swait.ge [sflag:s8], $0x3E80  }
0x53: {  	[sflag:s8] =	ssyncset.done $0x0  }
0x54: {  	[sflag:s8] =	ssyncadd.s32 $0xFFFFC180  }
0x55: {  	[spmem:s2] =	stream.indirect.scatter.add.f32 [tilespmem:s11], [sflag:$0x1], $0x10, s17, s10, $0xb8;
	[tilespmem:$0xB3B0] =	vst v63  }
0x56: {  	_ =	swait.ge [sflag:s8], $0x3E80  }
0x57: {  	[sflag:s8] =	ssyncset.done $0x0  }
0x58: {  	[sflag:s8] =	ssyncadd.s32 $0xFFFFC180  }
0x59: {  	[spmem:s2] =	stream.indirect.scatter.add.f32 [tilespmem:s11], [sflag:$0x1], $0x10, s18, s10, $0xb8;
	[tilespmem:$0xB3B0] =	vst v63  }
0x5a: {  	_ =	swait.ge [sflag:s8], $0x3E80  }
0x5b: {  	[sflag:s8] =	ssyncset.done $0x0  }
0x5c: {  	[sflag:s8] =	ssyncadd.s32 $0xFFFFC180  }
0x5d: {  	[spmem:s2] =	stream.indirect.scatter.add.f32 [tilespmem:s11], [sflag:$0x1], $0x10, s19, s10, $0xb8;
	[tilespmem:$0xB3B0] =	vst v63  }
0x5e: {  	_ =	swait.ge [sflag:s8], $0x3E80  }
0x5f: {  	s31 =	sshll.u32 s0, $0x6;
	s20 =	sadd.s32 $0x1, s20;
	[sflag:s8] =	ssyncset.done $0x0  }
0x60: {  	s22 =	sshrl.u32 s5, $0x3;
	p0 =	sne.s32 s20, s7;
	[sflag:s8] =	ssyncadd.s32 $0xFFFFC180  }
.Ltmp2:
0x61: {  	s21 =	sor.u32 $0x1C01, s31;
	[bflag:$0x0] =	sbarrier.arrive $0xFFFF;
	(pc) =	sbr.rel @p0 .LBB2_1-.Ltmp2, $4  }
0x62: {  	[hbm:s6], [sflag:s21] =	dma.local [spmem:s22], $0x4E2  }
0x63: {  	_ =	swait.ge [sflag:s8], $0x4E2  }
0x64: {  	[sflag:s8] =	ssyncset.done $0x0  }
0x65: {  	[sflag:s8] =	ssyncadd.s32 $0xFFFFFB1E  }
0x66: {  	_ =	sfence.sel $0x180000  }
0x67: {  	[bflag:$0x0] =	sbarrier.arrive $0xFFFF  }
0x68: {  	p0 =	sne.s32 s0, $0x0;
	_ =	strace $0x90000047  }
0x69: {  	s0 =	sadd.s32 @!p0 $0x100000, s1;
	[bflag:$0x2] =	sbarrier.arrive $0xFFFF  }
0x6a: {  	[sflag:s0] =	ssyncadd.tile.s32 @!p0 $0x1;
	_ =	shalt  }
.Lfunc_end2:
_tile_overlayer_lowered:
.L_overlay_start_2:
0x6b: {  	(tag) =	ssettag $0x2  }
0x6c: {  	s0 =	rddreg [dreg:$0x0];
	s2 =	stileid.u32  }
0x6d: {  	s1 =	rddreg [dreg:$0x1];
	p0 =	sne.s32 s2, $0x0  }
0x6e: {  	s3 =	rddreg [dreg:$0x2];
	[bflag:$0x3] =	sbarrier.arrive $0xFFFF;
	s2 =	simm.s32 @!p0 $0x1C01  }
0x6f: {  	[timem:s3], [sflag:s2] =	dma.local @!p0 [hbm:s0], s1  }
0x70: {  	s0 =	simm.s32 @!p0 $0x1  }
0x71: {  	_ =	swait.ge @!p0 [sflag:s0], s1  }
0x72: {  	s1 =	ssub.s32 @!p0 $0x0, s1;
	[sflag:s0] =	ssyncset.done @!p0 $0x0  }
0x73: {  	[sflag:s0] =	ssyncadd.s32 @!p0 s1  }
0x74: {  	[bflag:$0x3] =	sbarrier.arrive $0xFFFF  }
0x75: {  	_ =	shalt  }

</sc_bundles>
